<compile_context>
chip_gen: v7x
topology: tpu7x:2x2x1
jax: 0.10.2.dev20260603
libtpu: 0.0.44.dev20260713+nightly
codegen_flags: <defaults>
</compile_context>

<pallas_src>
import functools

import jax
import jax.numpy as jnp
from jax import lax
from jax.experimental import pallas as pl
from jax.experimental.pallas import tpu as pltpu
from jax.experimental.pallas import tpu_sc as plsc

_N_NODES = 10000
_N_EDGES = 320000
_D = 128
_N_GRAPHS = 64
_BN_EPS = 1e-5

_NC = 2
_NS = 16
_NW = _NC * _NS


@functools.lru_cache(maxsize=None)
def _make_seg_sum(n_edges_pad, chunk, acc_rows):
    n_chunks = n_edges_pad // (_NW * chunk)
    assert n_chunks * _NW * chunk == n_edges_pad
    per_worker = n_chunks * chunk
    rows_per_tile = acc_rows // _NS
    assert rows_per_tile * _NS == acc_rows
    zr = 1
    for cand in range(1, 65):
        if rows_per_tile % cand == 0:
            zr = cand
    n_zero_copies = rows_per_tile // zr

    mesh = plsc.VectorSubcoreMesh(core_axis_name="c", subcore_axis_name="s",
                                  num_cores=_NC, num_subcores=_NS)

    @functools.partial(
        pl.kernel,
        out_type=jax.ShapeDtypeStruct((_NC, acc_rows, _D), jnp.float32),
        mesh=mesh,
        scratch_types=[
            pltpu.VMEM((chunk,), jnp.int32),
            pltpu.VMEM((chunk,), jnp.int32),
            pltpu.VMEM((chunk, _D), jnp.float32),
            pltpu.VMEM((zr, _D), jnp.float32),
            pltpu.VMEM_SHARED((acc_rows, _D), jnp.float32),
            pltpu.SemaphoreType.DMA,
        ],
    )
    def seg_sum(table_hbm, src_hbm, dst_hbm, out_hbm,
                src_v, dst_v, rows_v, zero_v, acc_sh, sem):
        c = lax.axis_index("c")
        s = lax.axis_index("s")
        wid = s * _NC + c

        zeros16 = jnp.zeros((16,), jnp.float32)

        def zrow(r, _):
            for col in range(_D // 16):
                zero_v[r, pl.ds(col * 16, 16)] = zeros16
            return ()

        lax.fori_loop(0, zr, zrow, ())
        row0 = s * rows_per_tile
        for t in range(n_zero_copies):
            pltpu.sync_copy(zero_v, acc_sh.at[pl.ds(row0 + t * zr, zr)])
        plsc.subcore_barrier()

        base0 = wid * per_worker

        def body(j, _):
            base = base0 + j * chunk
            pltpu.sync_copy(src_hbm.at[pl.ds(base, chunk)], src_v)
            pltpu.sync_copy(dst_hbm.at[pl.ds(base, chunk)], dst_v)
            pltpu.async_copy(table_hbm.at[src_v], rows_v, sem).wait()
            pltpu.sync_copy(rows_v, acc_sh.at[dst_v], add=True)
            return ()

        lax.fori_loop(0, n_chunks, body, ())
        plsc.subcore_barrier()

        pltpu.sync_copy(acc_sh.at[pl.ds(row0, rows_per_tile)],
                        out_hbm.at[c].at[pl.ds(row0, rows_per_tile)])

    return seg_sum


_ACC_ROWS = 10240
_EDGE_CHUNK = 128
_E_PAD = 323584
_POOL_ACC_ROWS = 128
_POOL_CHUNK = 64
_POOL_E_PAD = 10240


_BR = 200
_NB = _N_NODES // _BR


def _mlp_block(h_ref, agg_ref, w1_ref, b1_ref, w2_ref, b2_ref,
               z_ref, s_ref, ss_ref):
    i = pl.program_id(0)
    x = h_ref[...] + agg_ref[0] + agg_ref[1]
    t = jnp.maximum(
        jnp.dot(x, w1_ref[...], preferred_element_type=jnp.float32)
        + b1_ref[...], 0.0)
    z = jnp.maximum(
        jnp.dot(t, w2_ref[...], preferred_element_type=jnp.float32)
        + b2_ref[...], 0.0)
    z_ref[...] = z

    @pl.when(i == 0)
    def _():
        s_ref[...] = jnp.zeros_like(s_ref)
        ss_ref[...] = jnp.zeros_like(ss_ref)

    zr = z.reshape(_BR // 8, 8, _D)
    s_ref[...] += jnp.sum(zr, axis=0)
    ss_ref[...] += jnp.sum(zr * zr, axis=0)


def _mlp_call(h, aggp, w1, b1, w2, b2):
    return pl.pallas_call(
        _mlp_block,
        grid=(_NB,),
        in_specs=[
            pl.BlockSpec((_BR, _D), lambda i: (i, 0)),
            pl.BlockSpec((_NC, _BR, _D), lambda i: (0, i, 0)),
            pl.BlockSpec((_D, _D), lambda i: (0, 0)),
            pl.BlockSpec((1, _D), lambda i: (0, 0)),
            pl.BlockSpec((_D, _D), lambda i: (0, 0)),
            pl.BlockSpec((1, _D), lambda i: (0, 0)),
        ],
        out_specs=[
            pl.BlockSpec((_BR, _D), lambda i: (i, 0)),
            pl.BlockSpec((8, _D), lambda i: (0, 0)),
            pl.BlockSpec((8, _D), lambda i: (0, 0)),
        ],
        out_shape=[
            jax.ShapeDtypeStruct((_N_NODES, _D), jnp.float32),
            jax.ShapeDtypeStruct((8, _D), jnp.float32),
            jax.ShapeDtypeStruct((8, _D), jnp.float32),
        ],
    )(h, aggp, w1, b1, w2, b2)


def _norm_block(z_ref, s_ref, ss_ref, g_ref, b_ref, o_ref):
    inv_n = 1.0 / _N_NODES
    mean = jnp.sum(s_ref[...], axis=0, keepdims=True) * inv_n
    var = jnp.sum(ss_ref[...], axis=0, keepdims=True) * inv_n - mean * mean
    scale = lax.rsqrt(var + _BN_EPS) * g_ref[...]
    o_ref[...] = (z_ref[...] - mean) * scale + b_ref[...]


def _norm_call(z, s, ss, gamma, beta):
    return pl.pallas_call(
        _norm_block,
        grid=(_NB,),
        in_specs=[
            pl.BlockSpec((_BR, _D), lambda i: (i, 0)),
            pl.BlockSpec((8, _D), lambda i: (0, 0)),
            pl.BlockSpec((8, _D), lambda i: (0, 0)),
            pl.BlockSpec((1, _D), lambda i: (0, 0)),
            pl.BlockSpec((1, _D), lambda i: (0, 0)),
        ],
        out_specs=pl.BlockSpec((_BR, _D), lambda i: (i, 0)),
        out_shape=jax.ShapeDtypeStruct((_N_NODES, _D), jnp.float32),
    )(z, s, ss, gamma, beta)


def _final_block(p_ref, wp_ref, bp_ref, o_ref):
    p = p_ref[0] + p_ref[1]
    o_ref[...] = jnp.maximum(
        jnp.dot(p, wp_ref[...], preferred_element_type=jnp.float32)
        + bp_ref[...], 0.0)


def _final_call(poolp, wp, bp):
    return pl.pallas_call(
        _final_block,
        grid=(1,),
        in_specs=[
            pl.BlockSpec((_NC, _N_GRAPHS, _D), lambda i: (0, 0, 0)),
            pl.BlockSpec((_D, _D), lambda i: (0, 0)),
            pl.BlockSpec((1, _D), lambda i: (0, 0)),
        ],
        out_specs=pl.BlockSpec((_N_GRAPHS, _D), lambda i: (0, 0)),
        out_shape=jax.ShapeDtypeStruct((_N_GRAPHS, _D), jnp.float32),
    )(poolp, wp, bp)


def kernel(x, edge_index, batch_idx, params):
    src = edge_index[0].astype(jnp.int32)
    dst = edge_index[1].astype(jnp.int32)
    e_pad = _E_PAD - _N_EDGES
    src_p = jnp.concatenate([src, jnp.zeros((e_pad,), jnp.int32)])
    dst_p = jnp.concatenate([dst, jnp.full((e_pad,), _N_NODES, jnp.int32)])

    n_pad = _POOL_E_PAD - _N_NODES
    src_pool = jnp.concatenate(
        [jnp.arange(_N_NODES, dtype=jnp.int32),
         jnp.zeros((n_pad,), jnp.int32)])
    dst_pool = jnp.concatenate(
        [batch_idx.astype(jnp.int32),
         jnp.full((n_pad,), _N_GRAPHS, jnp.int32)])

    seg_sum_edges = _make_seg_sum(_E_PAD, _EDGE_CHUNK, _ACC_ROWS)
    seg_sum_pool = _make_seg_sum(_POOL_E_PAD, _POOL_CHUNK, _POOL_ACC_ROWS)

    h = x
    for layer in params['layers']:
        aggp = seg_sum_edges(h, src_p, dst_p)
        z, s, ss = _mlp_call(
            h, aggp,
            layer['W1'], layer['b1'].reshape(1, _D),
            layer['W2'], layer['b2'].reshape(1, _D))
        h = _norm_call(z, s, ss,
                       layer['gamma'].reshape(1, _D),
                       layer['beta'].reshape(1, _D))

    poolp = seg_sum_pool(h, src_pool, dst_pool)
    return _final_call(poolp[:, :_N_GRAPHS, :], params['Wp'],
                       params['bp'].reshape(1, _D))

# --- scband reference (transcript-rebuilt; emitter-appended) ---
"""Pipeline reference for scband-ginconv-encoder-36919538876779 (READ-ONLY COPY).

The authoritative reference and input builder live on the scoring server;
editing this copy changes nothing except your own understanding.
"""

import jax, jax.numpy as jnp
import numpy as np

N_NODES = 10000
N_EDGES = 320000
D_FEAT = 128
HIDDEN = 128
OUT_DIM = 128
NUM_LAYERS = 5  # -> 4 conv blocks (zip(dims[:-1], dims[1:]))
NUM_GRAPHS = 64
BN_EPS = 1e-5


def setup_inputs(seed: int = 0) -> dict:
    key = jax.random.key(seed)
    ks = jax.random.split(key, 32)
    x = jax.random.normal(ks[0], (N_NODES, D_FEAT), dtype=jnp.float32)
    edge_index = jax.random.randint(ks[1], (2, N_EDGES), 0, N_NODES, dtype=jnp.int64)
    batch_idx = jnp.sort(jax.random.randint(ks[2], (N_NODES,), 0, NUM_GRAPHS, dtype=jnp.int64))
    dims = [D_FEAT] + [HIDDEN] * (NUM_LAYERS - 1)
    layers = []
    ki = 3
    for d_in, d_out in zip(dims[:-1], dims[1:]):
        layers.append({
            'W1': jax.random.normal(ks[ki], (d_in, d_out), dtype=jnp.float32) * (1.0 / np.sqrt(d_in)),
            'b1': jnp.zeros((d_out,), dtype=jnp.float32),
            'W2': jax.random.normal(ks[ki + 1], (d_out, d_out), dtype=jnp.float32) * (1.0 / np.sqrt(d_out)),
            'b2': jnp.zeros((d_out,), dtype=jnp.float32),
            'gamma': jnp.ones((HIDDEN,), dtype=jnp.float32),
            'beta': jnp.zeros((HIDDEN,), dtype=jnp.float32),
        })
        ki += 2
    params = {
        'layers': layers,
        'Wp': jax.random.normal(ks[ki], (dims[-1], OUT_DIM), dtype=jnp.float32) * (1.0 / np.sqrt(dims[-1])),
        'bp': jnp.zeros((OUT_DIM,), dtype=jnp.float32),
    }
    return {'x': x, 'edge_index': edge_index, 'batch_idx': batch_idx, 'params': params}


def reference(x, edge_index, batch_idx, params):
    src = edge_index[0]
    dst = edge_index[1]
    h = x
    for layer in params['layers']:
        # GINConv, eps=0: (1+eps)*x_i + sum_{j->i} x_j
        agg = jax.ops.segment_sum(h[src], dst, num_segments=h.shape[0])
        z = h + agg
        # nn.Sequential(Linear, ReLU, Linear)
        z = z @ layer['W1'] + layer['b1']
        z = jax.nn.relu(z)
        z = z @ layer['W2'] + layer['b2']
        # post-block: ReLU + BatchNorm1d (training-mode batch stats)
        z = jax.nn.relu(z)
        mean = jnp.mean(z, axis=0)
        var = jnp.var(z, axis=0)
        z = (z - mean) / jnp.sqrt(var + BN_EPS) * layer['gamma'] + layer['beta']
        h = z
    # global_add_pool
    pooled = jax.ops.segment_sum(h, batch_idx, num_segments=NUM_GRAPHS)
    # project: Linear + ReLU (+ Dropout, identity in eval mode)
    out = jax.nn.relu(pooled @ params['Wp'] + params['bp'])
    return out

if __name__ == "__main__":
    import jax
    _d = setup_inputs()
    print(jax.jit(kernel)(*tuple(_d.values())))

</pallas_src>

<mosaic_0001>
#map = affine_map<(d0, d1) -> (0, 0)>
#map1 = affine_map<(d0, d1) -> (0)>
#map2 = affine_map<(d0, d1) -> (0, 0, 0)>
module attributes {stable_mosaic.version = 14 : i64} {
  func.func @seg_sum(%arg0: i32, %arg1: i32, %arg2: memref<10000x128xf32, #tpu.memory_space<hbm>>, %arg3: memref<323584xi32, #tpu.memory_space<hbm>>, %arg4: memref<323584xi32, #tpu.memory_space<hbm>>, %arg5: memref<2x10240x128xf32, #tpu.memory_space<hbm>>, %arg6: memref<128xi32, #tpu.memory_space<vmem>>, %arg7: memref<128xi32, #tpu.memory_space<vmem>>, %arg8: memref<128x128xf32, #tpu.memory_space<vmem>>, %arg9: memref<64x128xf32, #tpu.memory_space<vmem>>, %arg10: memref<10240x128xf32, #tpu.memory_space<vmem_shared>>, %arg11: memref<!tpu.dma_semaphore, #tpu.memory_space<semaphore_mem>>) attributes {dimension_semantics = [#tpu.dimension_semantics<core_parallel>, #tpu.dimension_semantics<subcore_parallel>], iteration_bounds = array<i64: 2, 16>, scalar_prefetch = 0 : i64, scratch_operands = 6 : i64, tpu.core_type = #tpu.core_type<sc_vector_subcore>, window_params = [{transform_indices = #map}, {transform_indices = #map1}, {transform_indices = #map1}, {transform_indices = #map2}]} {
    %mul3A = arith.constant 2 : i32
    %mul3A_0 = arith.muli %arg1, %mul3A : i32
    %add3A = arith.addi %mul3A_0, %arg0 : i32
    %broadcast_in_dim3A = arith.constant 0.000000e+00 : f32
    %broadcast_in_dim3A_1 = vector.broadcast %broadcast_in_dim3A : f32 to vector<16xf32>
    %scan3A = arith.constant 0 : i32
    %scan3A_2 = arith.constant 64 : i32
    %scan3A_3 = arith.addi %scan3A, %scan3A_2 : i32
    %scan3A_4 = arith.constant 1 : i32
    scf.for %scan3A_36 = %scan3A to %scan3A_3 step %scan3A_4  : i32 {
      %swap3A = arith.index_cast %scan3A_36 : i32 to index
      %swap3A_37 = arith.constant 0 : index
      %swap3A_38 = tpu.vector_load %arg9[%swap3A, %swap3A_37] {strides = array<i32>} : memref<64x128xf32, #tpu.memory_space<vmem>>, vector<1x16xf32>,
      %swap3A_39 = vector.shape_cast %swap3A_38 : vector<1x16xf32> to vector<16xf32>
      %swap3A_40 = vector.shape_cast %broadcast_in_dim3A_1 : vector<16xf32> to vector<1x16xf32>
      tpu.vector_store %arg9[%swap3A, %swap3A_37], %swap3A_40 {strides = array<i32>} : memref<64x128xf32, #tpu.memory_space<vmem>>, vector<1x16xf32>,
      %swap3A_41 = arith.index_cast %scan3A_36 : i32 to index
      %swap3A_42 = arith.constant 16 : index
      %swap3A_43 = tpu.vector_load %arg9[%swap3A_41, %swap3A_42] {strides = array<i32>} : memref<64x128xf32, #tpu.memory_space<vmem>>, vector<1x16xf32>,
      %swap3A_44 = vector.shape_cast %swap3A_43 : vector<1x16xf32> to vector<16xf32>
      %swap3A_45 = vector.shape_cast %broadcast_in_dim3A_1 : vector<16xf32> to vector<1x16xf32>
      tpu.vector_store %arg9[%swap3A_41, %swap3A_42], %swap3A_45 {strides = array<i32>} : memref<64x128xf32, #tpu.memory_space<vmem>>, vector<1x16xf32>,
      %swap3A_46 = arith.index_cast %scan3A_36 : i32 to index
      %swap3A_47 = arith.constant 32 : index
      %swap3A_48 = tpu.vector_load %arg9[%swap3A_46, %swap3A_47] {strides = array<i32>} : memref<64x128xf32, #tpu.memory_space<vmem>>, vector<1x16xf32>,
      %swap3A_49 = vector.shape_cast %swap3A_48 : vector<1x16xf32> to vector<16xf32>
      %swap3A_50 = vector.shape_cast %broadcast_in_dim3A_1 : vector<16xf32> to vector<1x16xf32>
      tpu.vector_store %arg9[%swap3A_46, %swap3A_47], %swap3A_50 {strides = array<i32>} : memref<64x128xf32, #tpu.memory_space<vmem>>, vector<1x16xf32>,
      %swap3A_51 = arith.index_cast %scan3A_36 : i32 to index
      %swap3A_52 = arith.constant 48 : index
      %swap3A_53 = tpu.vector_load %arg9[%swap3A_51, %swap3A_52] {strides = array<i32>} : memref<64x128xf32, #tpu.memory_space<vmem>>, vector<1x16xf32>,
      %swap3A_54 = vector.shape_cast %swap3A_53 : vector<1x16xf32> to vector<16xf32>
      %swap3A_55 = vector.shape_cast %broadcast_in_dim3A_1 : vector<16xf32> to vector<1x16xf32>
      tpu.vector_store %arg9[%swap3A_51, %swap3A_52], %swap3A_55 {strides = array<i32>} : memref<64x128xf32, #tpu.memory_space<vmem>>, vector<1x16xf32>,
      %swap3A_56 = arith.index_cast %scan3A_36 : i32 to index
      %swap3A_57 = arith.constant 64 : index
      %swap3A_58 = tpu.vector_load %arg9[%swap3A_56, %swap3A_57] {strides = array<i32>} : memref<64x128xf32, #tpu.memory_space<vmem>>, vector<1x16xf32>,
      %swap3A_59 = vector.shape_cast %swap3A_58 : vector<1x16xf32> to vector<16xf32>
      %swap3A_60 = vector.shape_cast %broadcast_in_dim3A_1 : vector<16xf32> to vector<1x16xf32>
      tpu.vector_store %arg9[%swap3A_56, %swap3A_57], %swap3A_60 {strides = array<i32>} : memref<64x128xf32, #tpu.memory_space<vmem>>, vector<1x16xf32>,
      %swap3A_61 = arith.index_cast %scan3A_36 : i32 to index
      %swap3A_62 = arith.constant 80 : index
      %swap3A_63 = tpu.vector_load %arg9[%swap3A_61, %swap3A_62] {strides = array<i32>} : memref<64x128xf32, #tpu.memory_space<vmem>>, vector<1x16xf32>,
      %swap3A_64 = vector.shape_cast %swap3A_63 : vector<1x16xf32> to vector<16xf32>
      %swap3A_65 = vector.shape_cast %broadcast_in_dim3A_1 : vector<16xf32> to vector<1x16xf32>
      tpu.vector_store %arg9[%swap3A_61, %swap3A_62], %swap3A_65 {strides = array<i32>} : memref<64x128xf32, #tpu.memory_space<vmem>>, vector<1x16xf32>,
      %swap3A_66 = arith.index_cast %scan3A_36 : i32 to index
      %swap3A_67 = arith.constant 96 : index
      %swap3A_68 = tpu.vector_load %arg9[%swap3A_66, %swap3A_67] {strides = array<i32>} : memref<64x128xf32, #tpu.memory_space<vmem>>, vector<1x16xf32>,
      %swap3A_69 = vector.shape_cast %swap3A_68 : vector<1x16xf32> to vector<16xf32>
      %swap3A_70 = vector.shape_cast %broadcast_in_dim3A_1 : vector<16xf32> to vector<1x16xf32>
      tpu.vector_store %arg9[%swap3A_66, %swap3A_67], %swap3A_70 {strides = array<i32>} : memref<64x128xf32, #tpu.memory_space<vmem>>, vector<1x16xf32>,
      %swap3A_71 = arith.index_cast %scan3A_36 : i32 to index
      %swap3A_72 = arith.constant 112 : index
      %swap3A_73 = tpu.vector_load %arg9[%swap3A_71, %swap3A_72] {strides = array<i32>} : memref<64x128xf32, #tpu.memory_space<vmem>>, vector<1x16xf32>,
      %swap3A_74 = vector.shape_cast %swap3A_73 : vector<1x16xf32> to vector<16xf32>
      %swap3A_75 = vector.shape_cast %broadcast_in_dim3A_1 : vector<16xf32> to vector<1x16xf32>
      tpu.vector_store %arg9[%swap3A_71, %swap3A_72], %swap3A_75 {strides = array<i32>} : memref<64x128xf32, #tpu.memory_space<vmem>>, vector<1x16xf32>,
    }
    %scan3A_5 = arith.constant 64 : i32
    %mul3A_6 = arith.constant 640 : i32
    %mul3A_7 = arith.muli %arg1, %mul3A_6 : i32
    %add3A_8 = arith.constant 0 : i32
    %add3A_9 = arith.addi %mul3A_7, %add3A_8 : i32
    "tpu.region"() ({
      %run_scoped3A = tpu.sem_alloc : memref<!tpu.dma_semaphore, #tpu.memory_space<semaphore_mem>>
      %dma_start3A = arith.constant 0 : i32
      %dma_start3A_36 = tpu.memref_slice %arg10[%add3A_9, %dma_start3A] : memref<10240x128xf32, #tpu.memory_space<vmem_shared>> -> memref<64x128xf32, #tpu.memory_space<vmem_shared>>
      %dma_start3A_37 = arith.constant 0 : i32
      %dma_start3A_38 = tpu.memref_slice %arg10[%add3A_9, %dma_start3A_37] : memref<10240x128xf32, #tpu.memory_space<vmem_shared>> -> memref<64x128xf32, #tpu.memory_space<vmem_shared>>
      tpu.enqueue_dma source(%arg9 : memref<64x128xf32, #tpu.memory_space<vmem>>) target(%dma_start3A_38 : memref<64x128xf32, #tpu.memory_space<vmem_shared>>) target_semaphore(%run_scoped3A : memref<!tpu.dma_semaphore, #tpu.memory_space<semaphore_mem>>)
      %dma_wait3A = arith.constant 0 : i32
      %dma_wait3A_39 = tpu.memref_slice %arg10[%add3A_9, %dma_wait3A] : memref<10240x128xf32, #tpu.memory_space<vmem_shared>> -> memref<64x128xf32, #tpu.memory_space<vmem_shared>>
      %dma_wait3A_40 = arith.constant 0 : i32
      %dma_wait3A_41 = tpu.memref_slice %arg10[%add3A_9, %dma_wait3A_40] : memref<10240x128xf32, #tpu.memory_space<vmem_shared>> -> memref<64x128xf32, #tpu.memory_space<vmem_shared>>
      tpu.wait_dma2 semaphore(%run_scoped3A : memref<!tpu.dma_semaphore, #tpu.memory_space<semaphore_mem>>) src(%arg9 : memref<64x128xf32, #tpu.memory_space<vmem>>) dst(%dma_wait3A_41 : memref<64x128xf32, #tpu.memory_space<vmem_shared>>)
      tpu.yield
    }) : () -> ()
    %add3A_10 = arith.constant 64 : i32
    %add3A_11 = arith.addi %mul3A_7, %add3A_10 : i32
    "tpu.region"() ({
      %run_scoped3A = tpu.sem_alloc : memref<!tpu.dma_semaphore, #tpu.memory_space<semaphore_mem>>
      %dma_start3A = arith.constant 0 : i32
      %dma_start3A_36 = tpu.memref_slice %arg10[%add3A_11, %dma_start3A] : memref<10240x128xf32, #tpu.memory_space<vmem_shared>> -> memref<64x128xf32, #tpu.memory_space<vmem_shared>>
      %dma_start3A_37 = arith.constant 0 : i32
      %dma_start3A_38 = tpu.memref_slice %arg10[%add3A_11, %dma_start3A_37] : memref<10240x128xf32, #tpu.memory_space<vmem_shared>> -> memref<64x128xf32, #tpu.memory_space<vmem_shared>>
      tpu.enqueue_dma source(%arg9 : memref<64x128xf32, #tpu.memory_space<vmem>>) target(%dma_start3A_38 : memref<64x128xf32, #tpu.memory_space<vmem_shared>>) target_semaphore(%run_scoped3A : memref<!tpu.dma_semaphore, #tpu.memory_space<semaphore_mem>>)
      %dma_wait3A = arith.constant 0 : i32
      %dma_wait3A_39 = tpu.memref_slice %arg10[%add3A_11, %dma_wait3A] : memref<10240x128xf32, #tpu.memory_space<vmem_shared>> -> memref<64x128xf32, #tpu.memory_space<vmem_shared>>
      %dma_wait3A_40 = arith.constant 0 : i32
      %dma_wait3A_41 = tpu.memref_slice %arg10[%add3A_11, %dma_wait3A_40] : memref<10240x128xf32, #tpu.memory_space<vmem_shared>> -> memref<64x128xf32, #tpu.memory_space<vmem_shared>>
      tpu.wait_dma2 semaphore(%run_scoped3A : memref<!tpu.dma_semaphore, #tpu.memory_space<semaphore_mem>>) src(%arg9 : memref<64x128xf32, #tpu.memory_space<vmem>>) dst(%dma_wait3A_41 : memref<64x128xf32, #tpu.memory_space<vmem_shared>>)
      tpu.yield
    }) : () -> ()
    %add3A_12 = arith.constant 128 : i32
    %add3A_13 = arith.addi %mul3A_7, %add3A_12 : i32
    "tpu.region"() ({
      %run_scoped3A = tpu.sem_alloc : memref<!tpu.dma_semaphore, #tpu.memory_space<semaphore_mem>>
      %dma_start3A = arith.constant 0 : i32
      %dma_start3A_36 = tpu.memref_slice %arg10[%add3A_13, %dma_start3A] : memref<10240x128xf32, #tpu.memory_space<vmem_shared>> -> memref<64x128xf32, #tpu.memory_space<vmem_shared>>
      %dma_start3A_37 = arith.constant 0 : i32
      %dma_start3A_38 = tpu.memref_slice %arg10[%add3A_13, %dma_start3A_37] : memref<10240x128xf32, #tpu.memory_space<vmem_shared>> -> memref<64x128xf32, #tpu.memory_space<vmem_shared>>
      tpu.enqueue_dma source(%arg9 : memref<64x128xf32, #tpu.memory_space<vmem>>) target(%dma_start3A_38 : memref<64x128xf32, #tpu.memory_space<vmem_shared>>) target_semaphore(%run_scoped3A : memref<!tpu.dma_semaphore, #tpu.memory_space<semaphore_mem>>)
      %dma_wait3A = arith.constant 0 : i32
      %dma_wait3A_39 = tpu.memref_slice %arg10[%add3A_13, %dma_wait3A] : memref<10240x128xf32, #tpu.memory_space<vmem_shared>> -> memref<64x128xf32, #tpu.memory_space<vmem_shared>>
      %dma_wait3A_40 = arith.constant 0 : i32
      %dma_wait3A_41 = tpu.memref_slice %arg10[%add3A_13, %dma_wait3A_40] : memref<10240x128xf32, #tpu.memory_space<vmem_shared>> -> memref<64x128xf32, #tpu.memory_space<vmem_shared>>
      tpu.wait_dma2 semaphore(%run_scoped3A : memref<!tpu.dma_semaphore, #tpu.memory_space<semaphore_mem>>) src(%arg9 : memref<64x128xf32, #tpu.memory_space<vmem>>) dst(%dma_wait3A_41 : memref<64x128xf32, #tpu.memory_space<vmem_shared>>)
      tpu.yield
    }) : () -> ()
    %add3A_14 = arith.constant 192 : i32
    %add3A_15 = arith.addi %mul3A_7, %add3A_14 : i32
    "tpu.region"() ({
      %run_scoped3A = tpu.sem_alloc : memref<!tpu.dma_semaphore, #tpu.memory_space<semaphore_mem>>
      %dma_start3A = arith.constant 0 : i32
      %dma_start3A_36 = tpu.memref_slice %arg10[%add3A_15, %dma_start3A] : memref<10240x128xf32, #tpu.memory_space<vmem_shared>> -> memref<64x128xf32, #tpu.memory_space<vmem_shared>>
      %dma_start3A_37 = arith.constant 0 : i32
      %dma_start3A_38 = tpu.memref_slice %arg10[%add3A_15, %dma_start3A_37] : memref<10240x128xf32, #tpu.memory_space<vmem_shared>> -> memref<64x128xf32, #tpu.memory_space<vmem_shared>>
      tpu.enqueue_dma source(%arg9 : memref<64x128xf32, #tpu.memory_space<vmem>>) target(%dma_start3A_38 : memref<64x128xf32, #tpu.memory_space<vmem_shared>>) target_semaphore(%run_scoped3A : memref<!tpu.dma_semaphore, #tpu.memory_space<semaphore_mem>>)
      %dma_wait3A = arith.constant 0 : i32
      %dma_wait3A_39 = tpu.memref_slice %arg10[%add3A_15, %dma_wait3A] : memref<10240x128xf32, #tpu.memory_space<vmem_shared>> -> memref<64x128xf32, #tpu.memory_space<vmem_shared>>
      %dma_wait3A_40 = arith.constant 0 : i32
      %dma_wait3A_41 = tpu.memref_slice %arg10[%add3A_15, %dma_wait3A_40] : memref<10240x128xf32, #tpu.memory_space<vmem_shared>> -> memref<64x128xf32, #tpu.memory_space<vmem_shared>>
      tpu.wait_dma2 semaphore(%run_scoped3A : memref<!tpu.dma_semaphore, #tpu.memory_space<semaphore_mem>>) src(%arg9 : memref<64x128xf32, #tpu.memory_space<vmem>>) dst(%dma_wait3A_41 : memref<64x128xf32, #tpu.memory_space<vmem_shared>>)
      tpu.yield
    }) : () -> ()
    %add3A_16 = arith.constant 256 : i32
    %add3A_17 = arith.addi %mul3A_7, %add3A_16 : i32
    "tpu.region"() ({
      %run_scoped3A = tpu.sem_alloc : memref<!tpu.dma_semaphore, #tpu.memory_space<semaphore_mem>>
      %dma_start3A = arith.constant 0 : i32
      %dma_start3A_36 = tpu.memref_slice %arg10[%add3A_17, %dma_start3A] : memref<10240x128xf32, #tpu.memory_space<vmem_shared>> -> memref<64x128xf32, #tpu.memory_space<vmem_shared>>
      %dma_start3A_37 = arith.constant 0 : i32
      %dma_start3A_38 = tpu.memref_slice %arg10[%add3A_17, %dma_start3A_37] : memref<10240x128xf32, #tpu.memory_space<vmem_shared>> -> memref<64x128xf32, #tpu.memory_space<vmem_shared>>
      tpu.enqueue_dma source(%arg9 : memref<64x128xf32, #tpu.memory_space<vmem>>) target(%dma_start3A_38 : memref<64x128xf32, #tpu.memory_space<vmem_shared>>) target_semaphore(%run_scoped3A : memref<!tpu.dma_semaphore, #tpu.memory_space<semaphore_mem>>)
      %dma_wait3A = arith.constant 0 : i32
      %dma_wait3A_39 = tpu.memref_slice %arg10[%add3A_17, %dma_wait3A] : memref<10240x128xf32, #tpu.memory_space<vmem_shared>> -> memref<64x128xf32, #tpu.memory_space<vmem_shared>>
      %dma_wait3A_40 = arith.constant 0 : i32
      %dma_wait3A_41 = tpu.memref_slice %arg10[%add3A_17, %dma_wait3A_40] : memref<10240x128xf32, #tpu.memory_space<vmem_shared>> -> memref<64x128xf32, #tpu.memory_space<vmem_shared>>
      tpu.wait_dma2 semaphore(%run_scoped3A : memref<!tpu.dma_semaphore, #tpu.memory_space<semaphore_mem>>) src(%arg9 : memref<64x128xf32, #tpu.memory_space<vmem>>) dst(%dma_wait3A_41 : memref<64x128xf32, #tpu.memory_space<vmem_shared>>)
      tpu.yield
    }) : () -> ()
    %add3A_18 = arith.constant 320 : i32
    %add3A_19 = arith.addi %mul3A_7, %add3A_18 : i32
    "tpu.region"() ({
      %run_scoped3A = tpu.sem_alloc : memref<!tpu.dma_semaphore, #tpu.memory_space<semaphore_mem>>
      %dma_start3A = arith.constant 0 : i32
      %dma_start3A_36 = tpu.memref_slice %arg10[%add3A_19, %dma_start3A] : memref<10240x128xf32, #tpu.memory_space<vmem_shared>> -> memref<64x128xf32, #tpu.memory_space<vmem_shared>>
      %dma_start3A_37 = arith.constant 0 : i32
      %dma_start3A_38 = tpu.memref_slice %arg10[%add3A_19, %dma_start3A_37] : memref<10240x128xf32, #tpu.memory_space<vmem_shared>> -> memref<64x128xf32, #tpu.memory_space<vmem_shared>>
      tpu.enqueue_dma source(%arg9 : memref<64x128xf32, #tpu.memory_space<vmem>>) target(%dma_start3A_38 : memref<64x128xf32, #tpu.memory_space<vmem_shared>>) target_semaphore(%run_scoped3A : memref<!tpu.dma_semaphore, #tpu.memory_space<semaphore_mem>>)
      %dma_wait3A = arith.constant 0 : i32
      %dma_wait3A_39 = tpu.memref_slice %arg10[%add3A_19, %dma_wait3A] : memref<10240x128xf32, #tpu.memory_space<vmem_shared>> -> memref<64x128xf32, #tpu.memory_space<vmem_shared>>
      %dma_wait3A_40 = arith.constant 0 : i32
      %dma_wait3A_41 = tpu.memref_slice %arg10[%add3A_19, %dma_wait3A_40] : memref<10240x128xf32, #tpu.memory_space<vmem_shared>> -> memref<64x128xf32, #tpu.memory_space<vmem_shared>>
      tpu.wait_dma2 semaphore(%run_scoped3A : memref<!tpu.dma_semaphore, #tpu.memory_space<semaphore_mem>>) src(%arg9 : memref<64x128xf32, #tpu.memory_space<vmem>>) dst(%dma_wait3A_41 : memref<64x128xf32, #tpu.memory_space<vmem_shared>>)
      tpu.yield
    }) : () -> ()
    %add3A_20 = arith.constant 384 : i32
    %add3A_21 = arith.addi %mul3A_7, %add3A_20 : i32
    "tpu.region"() ({
      %run_scoped3A = tpu.sem_alloc : memref<!tpu.dma_semaphore, #tpu.memory_space<semaphore_mem>>
      %dma_start3A = arith.constant 0 : i32
      %dma_start3A_36 = tpu.memref_slice %arg10[%add3A_21, %dma_start3A] : memref<10240x128xf32, #tpu.memory_space<vmem_shared>> -> memref<64x128xf32, #tpu.memory_space<vmem_shared>>
      %dma_start3A_37 = arith.constant 0 : i32
      %dma_start3A_38 = tpu.memref_slice %arg10[%add3A_21, %dma_start3A_37] : memref<10240x128xf32, #tpu.memory_space<vmem_shared>> -> memref<64x128xf32, #tpu.memory_space<vmem_shared>>
      tpu.enqueue_dma source(%arg9 : memref<64x128xf32, #tpu.memory_space<vmem>>) target(%dma_start3A_38 : memref<64x128xf32, #tpu.memory_space<vmem_shared>>) target_semaphore(%run_scoped3A : memref<!tpu.dma_semaphore, #tpu.memory_space<semaphore_mem>>)
      %dma_wait3A = arith.constant 0 : i32
      %dma_wait3A_39 = tpu.memref_slice %arg10[%add3A_21, %dma_wait3A] : memref<10240x128xf32, #tpu.memory_space<vmem_shared>> -> memref<64x128xf32, #tpu.memory_space<vmem_shared>>
      %dma_wait3A_40 = arith.constant 0 : i32
      %dma_wait3A_41 = tpu.memref_slice %arg10[%add3A_21, %dma_wait3A_40] : memref<10240x128xf32, #tpu.memory_space<vmem_shared>> -> memref<64x128xf32, #tpu.memory_space<vmem_shared>>
      tpu.wait_dma2 semaphore(%run_scoped3A : memref<!tpu.dma_semaphore, #tpu.memory_space<semaphore_mem>>) src(%arg9 : memref<64x128xf32, #tpu.memory_space<vmem>>) dst(%dma_wait3A_41 : memref<64x128xf32, #tpu.memory_space<vmem_shared>>)
      tpu.yield
    }) : () -> ()
    %add3A_22 = arith.constant 448 : i32
    %add3A_23 = arith.addi %mul3A_7, %add3A_22 : i32
    "tpu.region"() ({
      %run_scoped3A = tpu.sem_alloc : memref<!tpu.dma_semaphore, #tpu.memory_space<semaphore_mem>>
      %dma_start3A = arith.constant 0 : i32
      %dma_start3A_36 = tpu.memref_slice %arg10[%add3A_23, %dma_start3A] : memref<10240x128xf32, #tpu.memory_space<vmem_shared>> -> memref<64x128xf32, #tpu.memory_space<vmem_shared>>
      %dma_start3A_37 = arith.constant 0 : i32
      %dma_start3A_38 = tpu.memref_slice %arg10[%add3A_23, %dma_start3A_37] : memref<10240x128xf32, #tpu.memory_space<vmem_shared>> -> memref<64x128xf32, #tpu.memory_space<vmem_shared>>
      tpu.enqueue_dma source(%arg9 : memref<64x128xf32, #tpu.memory_space<vmem>>) target(%dma_start3A_38 : memref<64x128xf32, #tpu.memory_space<vmem_shared>>) target_semaphore(%run_scoped3A : memref<!tpu.dma_semaphore, #tpu.memory_space<semaphore_mem>>)
      %dma_wait3A = arith.constant 0 : i32
      %dma_wait3A_39 = tpu.memref_slice %arg10[%add3A_23, %dma_wait3A] : memref<10240x128xf32, #tpu.memory_space<vmem_shared>> -> memref<64x128xf32, #tpu.memory_space<vmem_shared>>
      %dma_wait3A_40 = arith.constant 0 : i32
      %dma_wait3A_41 = tpu.memref_slice %arg10[%add3A_23, %dma_wait3A_40] : memref<10240x128xf32, #tpu.memory_space<vmem_shared>> -> memref<64x128xf32, #tpu.memory_space<vmem_shared>>
      tpu.wait_dma2 semaphore(%run_scoped3A : memref<!tpu.dma_semaphore, #tpu.memory_space<semaphore_mem>>) src(%arg9 : memref<64x128xf32, #tpu.memory_space<vmem>>) dst(%dma_wait3A_41 : memref<64x128xf32, #tpu.memory_space<vmem_shared>>)
      tpu.yield
    }) : () -> ()
    %add3A_24 = arith.constant 512 : i32
    %add3A_25 = arith.addi %mul3A_7, %add3A_24 : i32
    "tpu.region"() ({
      %run_scoped3A = tpu.sem_alloc : memref<!tpu.dma_semaphore, #tpu.memory_space<semaphore_mem>>
      %dma_start3A = arith.constant 0 : i32
      %dma_start3A_36 = tpu.memref_slice %arg10[%add3A_25, %dma_start3A] : memref<10240x128xf32, #tpu.memory_space<vmem_shared>> -> memref<64x128xf32, #tpu.memory_space<vmem_shared>>
      %dma_start3A_37 = arith.constant 0 : i32
      %dma_start3A_38 = tpu.memref_slice %arg10[%add3A_25, %dma_start3A_37] : memref<10240x128xf32, #tpu.memory_space<vmem_shared>> -> memref<64x128xf32, #tpu.memory_space<vmem_shared>>
      tpu.enqueue_dma source(%arg9 : memref<64x128xf32, #tpu.memory_space<vmem>>) target(%dma_start3A_38 : memref<64x128xf32, #tpu.memory_space<vmem_shared>>) target_semaphore(%run_scoped3A : memref<!tpu.dma_semaphore, #tpu.memory_space<semaphore_mem>>)
      %dma_wait3A = arith.constant 0 : i32
      %dma_wait3A_39 = tpu.memref_slice %arg10[%add3A_25, %dma_wait3A] : memref<10240x128xf32, #tpu.memory_space<vmem_shared>> -> memref<64x128xf32, #tpu.memory_space<vmem_shared>>
      %dma_wait3A_40 = arith.constant 0 : i32
      %dma_wait3A_41 = tpu.memref_slice %arg10[%add3A_25, %dma_wait3A_40] : memref<10240x128xf32, #tpu.memory_space<vmem_shared>> -> memref<64x128xf32, #tpu.memory_space<vmem_shared>>
      tpu.wait_dma2 semaphore(%run_scoped3A : memref<!tpu.dma_semaphore, #tpu.memory_space<semaphore_mem>>) src(%arg9 : memref<64x128xf32, #tpu.memory_space<vmem>>) dst(%dma_wait3A_41 : memref<64x128xf32, #tpu.memory_space<vmem_shared>>)
      tpu.yield
    }) : () -> ()
    %add3A_26 = arith.constant 576 : i32
    %add3A_27 = arith.addi %mul3A_7, %add3A_26 : i32
    "tpu.region"() ({
      %run_scoped3A = tpu.sem_alloc : memref<!tpu.dma_semaphore, #tpu.memory_space<semaphore_mem>>
      %dma_start3A = arith.constant 0 : i32
      %dma_start3A_36 = tpu.memref_slice %arg10[%add3A_27, %dma_start3A] : memref<10240x128xf32, #tpu.memory_space<vmem_shared>> -> memref<64x128xf32, #tpu.memory_space<vmem_shared>>
      %dma_start3A_37 = arith.constant 0 : i32
      %dma_start3A_38 = tpu.memref_slice %arg10[%add3A_27, %dma_start3A_37] : memref<10240x128xf32, #tpu.memory_space<vmem_shared>> -> memref<64x128xf32, #tpu.memory_space<vmem_shared>>
      tpu.enqueue_dma source(%arg9 : memref<64x128xf32, #tpu.memory_space<vmem>>) target(%dma_start3A_38 : memref<64x128xf32, #tpu.memory_space<vmem_shared>>) target_semaphore(%run_scoped3A : memref<!tpu.dma_semaphore, #tpu.memory_space<semaphore_mem>>)
      %dma_wait3A = arith.constant 0 : i32
      %dma_wait3A_39 = tpu.memref_slice %arg10[%add3A_27, %dma_wait3A] : memref<10240x128xf32, #tpu.memory_space<vmem_shared>> -> memref<64x128xf32, #tpu.memory_space<vmem_shared>>
      %dma_wait3A_40 = arith.constant 0 : i32
      %dma_wait3A_41 = tpu.memref_slice %arg10[%add3A_27, %dma_wait3A_40] : memref<10240x128xf32, #tpu.memory_space<vmem_shared>> -> memref<64x128xf32, #tpu.memory_space<vmem_shared>>
      tpu.wait_dma2 semaphore(%run_scoped3A : memref<!tpu.dma_semaphore, #tpu.memory_space<semaphore_mem>>) src(%arg9 : memref<64x128xf32, #tpu.memory_space<vmem>>) dst(%dma_wait3A_41 : memref<64x128xf32, #tpu.memory_space<vmem_shared>>)
      tpu.yield
    }) : () -> ()
    %barrier3A = arith.constant 0 : index
    tpu.barrier barrier_id(%barrier3A)
    %mul3A_28 = arith.constant 10112 : i32
    %mul3A_29 = arith.muli %add3A, %mul3A_28 : i32
    %scan3A_30 = arith.constant 0 : i32
    %scan3A_31 = arith.constant 79 : i32
    %scan3A_32 = arith.addi %scan3A_30, %scan3A_31 : i32
    %scan3A_33 = arith.constant 1 : i32
    scf.for %scan3A_36 = %scan3A_30 to %scan3A_32 step %scan3A_33  : i32 {
      %mul3A_37 = arith.constant 128 : i32
      %mul3A_38 = arith.muli %scan3A_36, %mul3A_37 : i32
      %add3A_39 = arith.addi %mul3A_29, %mul3A_38 : i32
      "tpu.region"() ({
        %run_scoped3A = tpu.sem_alloc : memref<!tpu.dma_semaphore, #tpu.memory_space<semaphore_mem>>
        %dma_start3A_44 = tpu.memref_slice %arg3[%add3A_39] : memref<323584xi32, #tpu.memory_space<hbm>> -> memref<128xi32, #tpu.memory_space<hbm>>
        %dma_start3A_45 = tpu.memref_slice %arg3[%add3A_39] : memref<323584xi32, #tpu.memory_space<hbm>> -> memref<128xi32, #tpu.memory_space<hbm>>
        tpu.enqueue_dma source(%dma_start3A_45 : memref<128xi32, #tpu.memory_space<hbm>>) target(%arg6 : memref<128xi32, #tpu.memory_space<vmem>>) target_semaphore(%run_scoped3A : memref<!tpu.dma_semaphore, #tpu.memory_space<semaphore_mem>>)
        %dma_wait3A_46 = tpu.memref_slice %arg3[%add3A_39] : memref<323584xi32, #tpu.memory_space<hbm>> -> memref<128xi32, #tpu.memory_space<hbm>>
        %dma_wait3A_47 = tpu.memref_slice %arg3[%add3A_39] : memref<323584xi32, #tpu.memory_space<hbm>> -> memref<128xi32, #tpu.memory_space<hbm>>
        tpu.wait_dma2 semaphore(%run_scoped3A : memref<!tpu.dma_semaphore, #tpu.memory_space<semaphore_mem>>) src(%dma_wait3A_47 : memref<128xi32, #tpu.memory_space<hbm>>) dst(%arg6 : memref<128xi32, #tpu.memory_space<vmem>>)
        tpu.yield
      }) : () -> ()
      "tpu.region"() ({
        %run_scoped3A = tpu.sem_alloc : memref<!tpu.dma_semaphore, #tpu.memory_space<semaphore_mem>>
        %dma_start3A_44 = tpu.memref_slice %arg4[%add3A_39] : memref<323584xi32, #tpu.memory_space<hbm>> -> memref<128xi32, #tpu.memory_space<hbm>>
        %dma_start3A_45 = tpu.memref_slice %arg4[%add3A_39] : memref<323584xi32, #tpu.memory_space<hbm>> -> memref<128xi32, #tpu.memory_space<hbm>>
        tpu.enqueue_dma source(%dma_start3A_45 : memref<128xi32, #tpu.memory_space<hbm>>) target(%arg7 : memref<128xi32, #tpu.memory_space<vmem>>) target_semaphore(%run_scoped3A : memref<!tpu.dma_semaphore, #tpu.memory_space<semaphore_mem>>)
        %dma_wait3A_46 = tpu.memref_slice %arg4[%add3A_39] : memref<323584xi32, #tpu.memory_space<hbm>> -> memref<128xi32, #tpu.memory_space<hbm>>
        %dma_wait3A_47 = tpu.memref_slice %arg4[%add3A_39] : memref<323584xi32, #tpu.memory_space<hbm>> -> memref<128xi32, #tpu.memory_space<hbm>>
        tpu.wait_dma2 semaphore(%run_scoped3A : memref<!tpu.dma_semaphore, #tpu.memory_space<semaphore_mem>>) src(%dma_wait3A_47 : memref<128xi32, #tpu.memory_space<hbm>>) dst(%arg7 : memref<128xi32, #tpu.memory_space<vmem>>)
        tpu.yield
      }) : () -> ()
      %dma_start3A = arith.constant 0 : i32
      %dma_start3A_40 = arith.constant 0 : i32
      %dma_start3A_41 = tpu.memref_slice %arg2[%dma_start3A, %dma_start3A_40] : memref<10000x128xf32, #tpu.memory_space<hbm>> -> memref<10000x128xf32, #tpu.memory_space<hbm>>
      tpu.enqueue_indirect_dma source(%dma_start3A_41 : memref<10000x128xf32, #tpu.memory_space<hbm>>) target(%arg8 : memref<128x128xf32, #tpu.memory_space<vmem>>) offsets(%arg6 : memref<128xi32, #tpu.memory_space<vmem>>) semaphore(%arg11 : memref<!tpu.dma_semaphore, #tpu.memory_space<semaphore_mem>>)
      %dma_wait3A = arith.constant 0 : i32
      %dma_wait3A_42 = arith.constant 0 : i32
      %dma_wait3A_43 = tpu.memref_slice %arg2[%dma_wait3A, %dma_wait3A_42] : memref<10000x128xf32, #tpu.memory_space<hbm>> -> memref<10000x128xf32, #tpu.memory_space<hbm>>
      tpu.wait_indirect_dma semaphore(%arg11 : memref<!tpu.dma_semaphore, #tpu.memory_space<semaphore_mem>>) src(%dma_wait3A_43 : memref<10000x128xf32, #tpu.memory_space<hbm>>) dst(%arg8 : memref<128x128xf32, #tpu.memory_space<vmem>>)
      "tpu.region"() ({
        %run_scoped3A = tpu.sem_alloc : memref<!tpu.dma_semaphore, #tpu.memory_space<semaphore_mem>>
        %dma_start3A_44 = arith.constant 0 : i32
        %dma_start3A_45 = arith.constant 0 : i32
        %dma_start3A_46 = tpu.memref_slice %arg10[%dma_start3A_44, %dma_start3A_45] : memref<10240x128xf32, #tpu.memory_space<vmem_shared>> -> memref<10240x128xf32, #tpu.memory_space<vmem_shared>>
        tpu.enqueue_indirect_dma source(%arg8 : memref<128x128xf32, #tpu.memory_space<vmem>>) target(%dma_start3A_46 : memref<10240x128xf32, #tpu.memory_space<vmem_shared>>) offsets(%arg7 : memref<128xi32, #tpu.memory_space<vmem>>) semaphore(%run_scoped3A : memref<!tpu.dma_semaphore, #tpu.memory_space<semaphore_mem>>) {add = true}
        %dma_wait3A_47 = arith.constant 0 : i32
        %dma_wait3A_48 = arith.constant 0 : i32
        %dma_wait3A_49 = tpu.memref_slice %arg10[%dma_wait3A_47, %dma_wait3A_48] : memref<10240x128xf32, #tpu.memory_space<vmem_shared>> -> memref<10240x128xf32, #tpu.memory_space<vmem_shared>>
        tpu.wait_indirect_dma semaphore(%run_scoped3A : memref<!tpu.dma_semaphore, #tpu.memory_space<semaphore_mem>>) src(%arg8 : memref<128x128xf32, #tpu.memory_space<vmem>>) dst(%dma_wait3A_49 : memref<10240x128xf32, #tpu.memory_space<vmem_shared>>)
        tpu.yield
      }) : () -> ()
    }
    %scan3A_34 = arith.constant 79 : i32
    %barrier3A_35 = arith.constant 0 : index
    tpu.barrier barrier_id(%barrier3A_35)
    "tpu.region"() ({
      %run_scoped3A = tpu.sem_alloc : memref<!tpu.dma_semaphore, #tpu.memory_space<semaphore_mem>>
      %dma_start3A = arith.constant 0 : i32
      %dma_start3A_36 = arith.constant 0 : i32
      %dma_start3A_37 = tpu.memref_slice %arg5[%arg0, %dma_start3A, %dma_start3A_36] : memref<2x10240x128xf32, #tpu.memory_space<hbm>> -> memref<1x10240x128xf32, #tpu.memory_space<hbm>>
      %dma_start3A_38 = tpu.memref_squeeze %dma_start3A_37 : memref<1x10240x128xf32, #tpu.memory_space<hbm>> -> memref<10240x128xf32, #tpu.memory_space<hbm>>
      %dma_start3A_39 = arith.constant 0 : i32
      %dma_start3A_40 = tpu.memref_slice %dma_start3A_38[%mul3A_7, %dma_start3A_39] : memref<10240x128xf32, #tpu.memory_space<hbm>> -> memref<640x128xf32, #tpu.memory_space<hbm>>
      %dma_start3A_41 = arith.constant 0 : i32
      %dma_start3A_42 = tpu.memref_slice %arg10[%mul3A_7, %dma_start3A_41] : memref<10240x128xf32, #tpu.memory_space<vmem_shared>> -> memref<640x128xf32, #tpu.memory_space<vmem_shared>>
      tpu.enqueue_dma source(%dma_start3A_42 : memref<640x128xf32, #tpu.memory_space<vmem_shared>>) target(%dma_start3A_40 : memref<640x128xf32, #tpu.memory_space<hbm>>) target_semaphore(%run_scoped3A : memref<!tpu.dma_semaphore, #tpu.memory_space<semaphore_mem>>)
      %dma_wait3A = arith.constant 0 : i32
      %dma_wait3A_43 = arith.constant 0 : i32
      %dma_wait3A_44 = tpu.memref_slice %arg5[%arg0, %dma_wait3A, %dma_wait3A_43] : memref<2x10240x128xf32, #tpu.memory_space<hbm>> -> memref<1x10240x128xf32, #tpu.memory_space<hbm>>
      %dma_wait3A_45 = tpu.memref_squeeze %dma_wait3A_44 : memref<1x10240x128xf32, #tpu.memory_space<hbm>> -> memref<10240x128xf32, #tpu.memory_space<hbm>>
      %dma_wait3A_46 = arith.constant 0 : i32
      %dma_wait3A_47 = tpu.memref_slice %dma_wait3A_45[%mul3A_7, %dma_wait3A_46] : memref<10240x128xf32, #tpu.memory_space<hbm>> -> memref<640x128xf32, #tpu.memory_space<hbm>>
      %dma_wait3A_48 = arith.constant 0 : i32
      %dma_wait3A_49 = tpu.memref_slice %arg10[%mul3A_7, %dma_wait3A_48] : memref<10240x128xf32, #tpu.memory_space<vmem_shared>> -> memref<640x128xf32, #tpu.memory_space<vmem_shared>>
      tpu.wait_dma2 semaphore(%run_scoped3A : memref<!tpu.dma_semaphore, #tpu.memory_space<semaphore_mem>>) src(%dma_wait3A_49 : memref<640x128xf32, #tpu.memory_space<vmem_shared>>) dst(%dma_wait3A_47 : memref<640x128xf32, #tpu.memory_space<hbm>>)
      tpu.yield
    }) : () -> ()
    return
  }
}

#map = affine_map<(d0, d1) -> (0, 0)>
#map1 = affine_map<(d0, d1) -> (0)>
#map2 = affine_map<(d0, d1) -> (0, 0, 0)>
module attributes {stable_mosaic.version = 14 : i64} {
  func.func @seg_sum(%arg0: i32, %arg1: i32, %arg2: memref<10000x128xf32, #tpu.memory_space<hbm>>, %arg3: memref<323584xi32, #tpu.memory_space<hbm>>, %arg4: memref<323584xi32, #tpu.memory_space<hbm>>, %arg5: memref<2x10240x128xf32, #tpu.memory_space<hbm>>, %arg6: memref<128xi32, #tpu.memory_space<vmem>>, %arg7: memref<128xi32, #tpu.memory_space<vmem>>, %arg8: memref<128x128xf32, #tpu.memory_space<vmem>>, %arg9: memref<64x128xf32, #tpu.memory_space<vmem>>, %arg10: memref<10240x128xf32, #tpu.memory_space<vmem_shared>>, %arg11: memref<!tpu.dma_semaphore, #tpu.memory_space<semaphore_mem>>) attributes {dimension_semantics = [#tpu.dimension_semantics<core_parallel>, #tpu.dimension_semantics<subcore_parallel>], iteration_bounds = array<i64: 2, 16>, scalar_prefetch = 0 : i64, scratch_operands = 6 : i64, tpu.core_type = #tpu.core_type<sc_vector_subcore>, window_params = [{transform_indices = #map}, {transform_indices = #map1}, {transform_indices = #map1}, {transform_indices = #map2}]} {
    %mul3A = arith.constant 2 : i32
    %mul3A_0 = arith.muli %arg1, %mul3A : i32
    %add3A = arith.addi %mul3A_0, %arg0 : i32
    %broadcast_in_dim3A = arith.constant 0.000000e+00 : f32
    %broadcast_in_dim3A_1 = vector.broadcast %broadcast_in_dim3A : f32 to vector<16xf32>
    %scan3A = arith.constant 0 : i32
    %scan3A_2 = arith.constant 64 : i32
    %scan3A_3 = arith.addi %scan3A, %scan3A_2 : i32
    %scan3A_4 = arith.constant 1 : i32
    scf.for %scan3A_36 = %scan3A to %scan3A_3 step %scan3A_4  : i32 {
      %swap3A = arith.index_cast %scan3A_36 : i32 to index
      %swap3A_37 = arith.constant 0 : index
      %swap3A_38 = tpu.vector_load %arg9[%swap3A, %swap3A_37] {strides = array<i32>} : memref<64x128xf32, #tpu.memory_space<vmem>>, vector<1x16xf32>,
      %swap3A_39 = vector.shape_cast %swap3A_38 : vector<1x16xf32> to vector<16xf32>
      %swap3A_40 = vector.shape_cast %broadcast_in_dim3A_1 : vector<16xf32> to vector<1x16xf32>
      tpu.vector_store %arg9[%swap3A, %swap3A_37], %swap3A_40 {strides = array<i32>} : memref<64x128xf32, #tpu.memory_space<vmem>>, vector<1x16xf32>,
      %swap3A_41 = arith.index_cast %scan3A_36 : i32 to index
      %swap3A_42 = arith.constant 16 : index
      %swap3A_43 = tpu.vector_load %arg9[%swap3A_41, %swap3A_42] {strides = array<i32>} : memref<64x128xf32, #tpu.memory_space<vmem>>, vector<1x16xf32>,
      %swap3A_44 = vector.shape_cast %swap3A_43 : vector<1x16xf32> to vector<16xf32>
      %swap3A_45 = vector.shape_cast %broadcast_in_dim3A_1 : vector<16xf32> to vector<1x16xf32>
      tpu.vector_store %arg9[%swap3A_41, %swap3A_42], %swap3A_45 {strides = array<i32>} : memref<64x128xf32, #tpu.memory_space<vmem>>, vector<1x16xf32>,
      %swap3A_46 = arith.index_cast %scan3A_36 : i32 to index
      %swap3A_47 = arith.constant 32 : index
      %swap3A_48 = tpu.vector_load %arg9[%swap3A_46, %swap3A_47] {strides = array<i32>} : memref<64x128xf32, #tpu.memory_space<vmem>>, vector<1x16xf32>,
      %swap3A_49 = vector.shape_cast %swap3A_48 : vector<1x16xf32> to vector<16xf32>
      %swap3A_50 = vector.shape_cast %broadcast_in_dim3A_1 : vector<16xf32> to vector<1x16xf32>
      tpu.vector_store %arg9[%swap3A_46, %swap3A_47], %swap3A_50 {strides = array<i32>} : memref<64x128xf32, #tpu.memory_space<vmem>>, vector<1x16xf32>,
      %swap3A_51 = arith.index_cast %scan3A_36 : i32 to index
      %swap3A_52 = arith.constant 48 : index
      %swap3A_53 = tpu.vector_load %arg9[%swap3A_51, %swap3A_52] {strides = array<i32>} : memref<64x128xf32, #tpu.memory_space<vmem>>, vector<1x16xf32>,
      %swap3A_54 = vector.shape_cast %swap3A_53 : vector<1x16xf32> to vector<16xf32>
      %swap3A_55 = vector.shape_cast %broadcast_in_dim3A_1 : vector<16xf32> to vector<1x16xf32>
      tpu.vector_store %arg9[%swap3A_51, %swap3A_52], %swap3A_55 {strides = array<i32>} : memref<64x128xf32, #tpu.memory_space<vmem>>, vector<1x16xf32>,
      %swap3A_56 = arith.index_cast %scan3A_36 : i32 to index
      %swap3A_57 = arith.constant 64 : index
      %swap3A_58 = tpu.vector_load %arg9[%swap3A_56, %swap3A_57] {strides = array<i32>} : memref<64x128xf32, #tpu.memory_space<vmem>>, vector<1x16xf32>,
      %swap3A_59 = vector.shape_cast %swap3A_58 : vector<1x16xf32> to vector<16xf32>
      %swap3A_60 = vector.shape_cast %broadcast_in_dim3A_1 : vector<16xf32> to vector<1x16xf32>
      tpu.vector_store %arg9[%swap3A_56, %swap3A_57], %swap3A_60 {strides = array<i32>} : memref<64x128xf32, #tpu.memory_space<vmem>>, vector<1x16xf32>,
      %swap3A_61 = arith.index_cast %scan3A_36 : i32 to index
      %swap3A_62 = arith.constant 80 : index
      %swap3A_63 = tpu.vector_load %arg9[%swap3A_61, %swap3A_62] {strides = array<i32>} : memref<64x128xf32, #tpu.memory_space<vmem>>, vector<1x16xf32>,
      %swap3A_64 = vector.shape_cast %swap3A_63 : vector<1x16xf32> to vector<16xf32>
      %swap3A_65 = vector.shape_cast %broadcast_in_dim3A_1 : vector<16xf32> to vector<1x16xf32>
      tpu.vector_store %arg9[%swap3A_61, %swap3A_62], %swap3A_65 {strides = array<i32>} : memref<64x128xf32, #tpu.memory_space<vmem>>, vector<1x16xf32>,
      %swap3A_66 = arith.index_cast %scan3A_36 : i32 to index
      %swap3A_67 = arith.constant 96 : index
      %swap3A_68 = tpu.vector_load %arg9[%swap3A_66, %swap3A_67] {strides = array<i32>} : memref<64x128xf32, #tpu.memory_space<vmem>>, vector<1x16xf32>,
      %swap3A_69 = vector.shape_cast %swap3A_68 : vector<1x16xf32> to vector<16xf32>
      %swap3A_70 = vector.shape_cast %broadcast_in_dim3A_1 : vector<16xf32> to vector<1x16xf32>
      tpu.vector_store %arg9[%swap3A_66, %swap3A_67], %swap3A_70 {strides = array<i32>} : memref<64x128xf32, #tpu.memory_space<vmem>>, vector<1x16xf32>,
      %swap3A_71 = arith.index_cast %scan3A_36 : i32 to index
      %swap3A_72 = arith.constant 112 : index
      %swap3A_73 = tpu.vector_load %arg9[%swap3A_71, %swap3A_72] {strides = array<i32>} : memref<64x128xf32, #tpu.memory_space<vmem>>, vector<1x16xf32>,
      %swap3A_74 = vector.shape_cast %swap3A_73 : vector<1x16xf32> to vector<16xf32>
      %swap3A_75 = vector.shape_cast %broadcast_in_dim3A_1 : vector<16xf32> to vector<1x16xf32>
      tpu.vector_store %arg9[%swap3A_71, %swap3A_72], %swap3A_75 {strides = array<i32>} : memref<64x128xf32, #tpu.memory_space<vmem>>, vector<1x16xf32>,
    }
    %scan3A_5 = arith.constant 64 : i32
    %mul3A_6 = arith.constant 640 : i32
    %mul3A_7 = arith.muli %arg1, %mul3A_6 : i32
    %add3A_8 = arith.constant 0 : i32
    %add3A_9 = arith.addi %mul3A_7, %add3A_8 : i32
    "tpu.region"() ({
      %run_scoped3A = tpu.sem_alloc : memref<!tpu.dma_semaphore, #tpu.memory_space<semaphore_mem>>
      %dma_start3A = arith.constant 0 : i32
      %dma_start3A_36 = tpu.memref_slice %arg10[%add3A_9, %dma_start3A] : memref<10240x128xf32, #tpu.memory_space<vmem_shared>> -> memref<64x128xf32, #tpu.memory_space<vmem_shared>>
      %dma_start3A_37 = arith.constant 0 : i32
      %dma_start3A_38 = tpu.memref_slice %arg10[%add3A_9, %dma_start3A_37] : memref<10240x128xf32, #tpu.memory_space<vmem_shared>> -> memref<64x128xf32, #tpu.memory_space<vmem_shared>>
      tpu.enqueue_dma source(%arg9 : memref<64x128xf32, #tpu.memory_space<vmem>>) target(%dma_start3A_38 : memref<64x128xf32, #tpu.memory_space<vmem_shared>>) target_semaphore(%run_scoped3A : memref<!tpu.dma_semaphore, #tpu.memory_space<semaphore_mem>>)
      %dma_wait3A = arith.constant 0 : i32
      %dma_wait3A_39 = tpu.memref_slice %arg10[%add3A_9, %dma_wait3A] : memref<10240x128xf32, #tpu.memory_space<vmem_shared>> -> memref<64x128xf32, #tpu.memory_space<vmem_shared>>
      %dma_wait3A_40 = arith.constant 0 : i32
      %dma_wait3A_41 = tpu.memref_slice %arg10[%add3A_9, %dma_wait3A_40] : memref<10240x128xf32, #tpu.memory_space<vmem_shared>> -> memref<64x128xf32, #tpu.memory_space<vmem_shared>>
      tpu.wait_dma2 semaphore(%run_scoped3A : memref<!tpu.dma_semaphore, #tpu.memory_space<semaphore_mem>>) src(%arg9 : memref<64x128xf32, #tpu.memory_space<vmem>>) dst(%dma_wait3A_41 : memref<64x128xf32, #tpu.memory_space<vmem_shared>>)
      tpu.yield
    }) : () -> ()
    %add3A_10 = arith.constant 64 : i32
    %add3A_11 = arith.addi %mul3A_7, %add3A_10 : i32
    "tpu.region"() ({
      %run_scoped3A = tpu.sem_alloc : memref<!tpu.dma_semaphore, #tpu.memory_space<semaphore_mem>>
      %dma_start3A = arith.constant 0 : i32
      %dma_start3A_36 = tpu.memref_slice %arg10[%add3A_11, %dma_start3A] : memref<10240x128xf32, #tpu.memory_space<vmem_shared>> -> memref<64x128xf32, #tpu.memory_space<vmem_shared>>
      %dma_start3A_37 = arith.constant 0 : i32
      %dma_start3A_38 = tpu.memref_slice %arg10[%add3A_11, %dma_start3A_37] : memref<10240x128xf32, #tpu.memory_space<vmem_shared>> -> memref<64x128xf32, #tpu.memory_space<vmem_shared>>
      tpu.enqueue_dma source(%arg9 : memref<64x128xf32, #tpu.memory_space<vmem>>) target(%dma_start3A_38 : memref<64x128xf32, #tpu.memory_space<vmem_shared>>) target_semaphore(%run_scoped3A : memref<!tpu.dma_semaphore, #tpu.memory_space<semaphore_mem>>)
      %dma_wait3A = arith.constant 0 : i32
      %dma_wait3A_39 = tpu.memref_slice %arg10[%add3A_11, %dma_wait3A] : memref<10240x128xf32, #tpu.memory_space<vmem_shared>> -> memref<64x128xf32, #tpu.memory_space<vmem_shared>>
      %dma_wait3A_40 = arith.constant 0 : i32
      %dma_wait3A_41 = tpu.memref_slice %arg10[%add3A_11, %dma_wait3A_40] : memref<10240x128xf32, #tpu.memory_space<vmem_shared>> -> memref<64x128xf32, #tpu.memory_space<vmem_shared>>
      tpu.wait_dma2 semaphore(%run_scoped3A : memref<!tpu.dma_semaphore, #tpu.memory_space<semaphore_mem>>) src(%arg9 : memref<64x128xf32, #tpu.memory_space<vmem>>) dst(%dma_wait3A_41 : memref<64x128xf32, #tpu.memory_space<vmem_shared>>)
      tpu.yield
    }) : () -> ()
    %add3A_12 = arith.constant 128 : i32
    %add3A_13 = arith.addi %mul3A_7, %add3A_12 : i32
    "tpu.region"() ({
      %run_scoped3A = tpu.sem_alloc : memref<!tpu.dma_semaphore, #tpu.memory_space<semaphore_mem>>
      %dma_start3A = arith.constant 0 : i32
      %dma_start3A_36 = tpu.memref_slice %arg10[%add3A_13, %dma_start3A] : memref<10240x128xf32, #tpu.memory_space<vmem_shared>> -> memref<64x128xf32, #tpu.memory_space<vmem_shared>>
      %dma_start3A_37 = arith.constant 0 : i32
      %dma_start3A_38 = tpu.memref_slice %arg10[%add3A_13, %dma_start3A_37] : memref<10240x128xf32, #tpu.memory_space<vmem_shared>> -> memref<64x128xf32, #tpu.memory_space<vmem_shared>>
      tpu.enqueue_dma source(%arg9 : memref<64x128xf32, #tpu.memory_space<vmem>>) target(%dma_start3A_38 : memref<64x128xf32, #tpu.memory_space<vmem_shared>>) target_semaphore(%run_scoped3A : memref<!tpu.dma_semaphore, #tpu.memory_space<semaphore_mem>>)
      %dma_wait3A = arith.constant 0 : i32
      %dma_wait3A_39 = tpu.memref_slice %arg10[%add3A_13, %dma_wait3A] : memref<10240x128xf32, #tpu.memory_space<vmem_shared>> -> memref<64x128xf32, #tpu.memory_space<vmem_shared>>
      %dma_wait3A_40 = arith.constant 0 : i32
      %dma_wait3A_41 = tpu.memref_slice %arg10[%add3A_13, %dma_wait3A_40] : memref<10240x128xf32, #tpu.memory_space<vmem_shared>> -> memref<64x128xf32, #tpu.memory_space<vmem_shared>>
      tpu.wait_dma2 semaphore(%run_scoped3A : memref<!tpu.dma_semaphore, #tpu.memory_space<semaphore_mem>>) src(%arg9 : memref<64x128xf32, #tpu.memory_space<vmem>>) dst(%dma_wait3A_41 : memref<64x128xf32, #tpu.memory_space<vmem_shared>>)
      tpu.yield
    }) : () -> ()
    %add3A_14 = arith.constant 192 : i32
    %add3A_15 = arith.addi %mul3A_7, %add3A_14 : i32
    "tpu.region"() ({
      %run_scoped3A = tpu.sem_alloc : memref<!tpu.dma_semaphore, #tpu.memory_space<semaphore_mem>>
      %dma_start3A = arith.constant 0 : i32
      %dma_start3A_36 = tpu.memref_slice %arg10[%add3A_15, %dma_start3A] : memref<10240x128xf32, #tpu.memory_space<vmem_shared>> -> memref<64x128xf32, #tpu.memory_space<vmem_shared>>
      %dma_start3A_37 = arith.constant 0 : i32
      %dma_start3A_38 = tpu.memref_slice %arg10[%add3A_15, %dma_start3A_37] : memref<10240x128xf32, #tpu.memory_space<vmem_shared>> -> memref<64x128xf32, #tpu.memory_space<vmem_shared>>
      tpu.enqueue_dma source(%arg9 : memref<64x128xf32, #tpu.memory_space<vmem>>) target(%dma_start3A_38 : memref<64x128xf32, #tpu.memory_space<vmem_shared>>) target_semaphore(%run_scoped3A : memref<!tpu.dma_semaphore, #tpu.memory_space<semaphore_mem>>)
      %dma_wait3A = arith.constant 0 : i32
      %dma_wait3A_39 = tpu.memref_slice %arg10[%add3A_15, %dma_wait3A] : memref<10240x128xf32, #tpu.memory_space<vmem_shared>> -> memref<64x128xf32, #tpu.memory_space<vmem_shared>>
      %dma_wait3A_40 = arith.constant 0 : i32
      %dma_wait3A_41 = tpu.memref_slice %arg10[%add3A_15, %dma_wait3A_40] : memref<10240x128xf32, #tpu.memory_space<vmem_shared>> -> memref<64x128xf32, #tpu.memory_space<vmem_shared>>
      tpu.wait_dma2 semaphore(%run_scoped3A : memref<!tpu.dma_semaphore, #tpu.memory_space<semaphore_mem>>) src(%arg9 : memref<64x128xf32, #tpu.memory_space<vmem>>) dst(%dma_wait3A_41 : memref<64x128xf32, #tpu.memory_space<vmem_shared>>)
      tpu.yield
    }) : () -> ()
    %add3A_16 = arith.constant 256 : i32
    %add3A_17 = arith.addi %mul3A_7, %add3A_16 : i32
    "tpu.region"() ({
      %run_scoped3A = tpu.sem_alloc : memref<!tpu.dma_semaphore, #tpu.memory_space<semaphore_mem>>
      %dma_start3A = arith.constant 0 : i32
      %dma_start3A_36 = tpu.memref_slice %arg10[%add3A_17, %dma_start3A] : memref<10240x128xf32, #tpu.memory_space<vmem_shared>> -> memref<64x128xf32, #tpu.memory_space<vmem_shared>>
      %dma_start3A_37 = arith.constant 0 : i32
      %dma_start3A_38 = tpu.memref_slice %arg10[%add3A_17, %dma_start3A_37] : memref<10240x128xf32, #tpu.memory_space<vmem_shared>> -> memref<64x128xf32, #tpu.memory_space<vmem_shared>>
      tpu.enqueue_dma source(%arg9 : memref<64x128xf32, #tpu.memory_space<vmem>>) target(%dma_start3A_38 : memref<64x128xf32, #tpu.memory_space<vmem_shared>>) target_semaphore(%run_scoped3A : memref<!tpu.dma_semaphore, #tpu.memory_space<semaphore_mem>>)
      %dma_wait3A = arith.constant 0 : i32
      %dma_wait3A_39 = tpu.memref_slice %arg10[%add3A_17, %dma_wait3A] : memref<10240x128xf32, #tpu.memory_space<vmem_shared>> -> memref<64x128xf32, #tpu.memory_space<vmem_shared>>
      %dma_wait3A_40 = arith.constant 0 : i32
      %dma_wait3A_41 = tpu.memref_slice %arg10[%add3A_17, %dma_wait3A_40] : memref<10240x128xf32, #tpu.memory_space<vmem_shared>> -> memref<64x128xf32, #tpu.memory_space<vmem_shared>>
      tpu.wait_dma2 semaphore(%run_scoped3A : memref<!tpu.dma_semaphore, #tpu.memory_space<semaphore_mem>>) src(%arg9 : memref<64x128xf32, #tpu.memory_space<vmem>>) dst(%dma_wait3A_41 : memref<64x128xf32, #tpu.memory_space<vmem_shared>>)
      tpu.yield
    }) : () -> ()
    %add3A_18 = arith.constant 320 : i32
    %add3A_19 = arith.addi %mul3A_7, %add3A_18 : i32
    "tpu.region"() ({
      %run_scoped3A = tpu.sem_alloc : memref<!tpu.dma_semaphore, #tpu.memory_space<semaphore_mem>>
      %dma_start3A = arith.constant 0 : i32
      %dma_start3A_36 = tpu.memref_slice %arg10[%add3A_19, %dma_start3A] : memref<10240x128xf32, #tpu.memory_space<vmem_shared>> -> memref<64x128xf32, #tpu.memory_space<vmem_shared>>
      %dma_start3A_37 = arith.constant 0 : i32
      %dma_start3A_38 = tpu.memref_slice %arg10[%add3A_19, %dma_start3A_37] : memref<10240x128xf32, #tpu.memory_space<vmem_shared>> -> memref<64x128xf32, #tpu.memory_space<vmem_shared>>
      tpu.enqueue_dma source(%arg9 : memref<64x128xf32, #tpu.memory_space<vmem>>) target(%dma_start3A_38 : memref<64x128xf32, #tpu.memory_space<vmem_shared>>) target_semaphore(%run_scoped3A : memref<!tpu.dma_semaphore, #tpu.memory_space<semaphore_mem>>)
      %dma_wait3A = arith.constant 0 : i32
      %dma_wait3A_39 = tpu.memref_slice %arg10[%add3A_19, %dma_wait3A] : memref<10240x128xf32, #tpu.memory_space<vmem_shared>> -> memref<64x128xf32, #tpu.memory_space<vmem_shared>>
      %dma_wait3A_40 = arith.constant 0 : i32
      %dma_wait3A_41 = tpu.memref_slice %arg10[%add3A_19, %dma_wait3A_40] : memref<10240x128xf32, #tpu.memory_space<vmem_shared>> -> memref<64x128xf32, #tpu.memory_space<vmem_shared>>
      tpu.wait_dma2 semaphore(%run_scoped3A : memref<!tpu.dma_semaphore, #tpu.memory_space<semaphore_mem>>) src(%arg9 : memref<64x128xf32, #tpu.memory_space<vmem>>) dst(%dma_wait3A_41 : memref<64x128xf32, #tpu.memory_space<vmem_shared>>)
      tpu.yield
    }) : () -> ()
    %add3A_20 = arith.constant 384 : i32
    %add3A_21 = arith.addi %mul3A_7, %add3A_20 : i32
    "tpu.region"() ({
      %run_scoped3A = tpu.sem_alloc : memref<!tpu.dma_semaphore, #tpu.memory_space<semaphore_mem>>
      %dma_start3A = arith.constant 0 : i32
      %dma_start3A_36 = tpu.memref_slice %arg10[%add3A_21, %dma_start3A] : memref<10240x128xf32, #tpu.memory_space<vmem_shared>> -> memref<64x128xf32, #tpu.memory_space<vmem_shared>>
      %dma_start3A_37 = arith.constant 0 : i32
      %dma_start3A_38 = tpu.memref_slice %arg10[%add3A_21, %dma_start3A_37] : memref<10240x128xf32, #tpu.memory_space<vmem_shared>> -> memref<64x128xf32, #tpu.memory_space<vmem_shared>>
      tpu.enqueue_dma source(%arg9 : memref<64x128xf32, #tpu.memory_space<vmem>>) target(%dma_start3A_38 : memref<64x128xf32, #tpu.memory_space<vmem_shared>>) target_semaphore(%run_scoped3A : memref<!tpu.dma_semaphore, #tpu.memory_space<semaphore_mem>>)
      %dma_wait3A = arith.constant 0 : i32
      %dma_wait3A_39 = tpu.memref_slice %arg10[%add3A_21, %dma_wait3A] : memref<10240x128xf32, #tpu.memory_space<vmem_shared>> -> memref<64x128xf32, #tpu.memory_space<vmem_shared>>
      %dma_wait3A_40 = arith.constant 0 : i32
      %dma_wait3A_41 = tpu.memref_slice %arg10[%add3A_21, %dma_wait3A_40] : memref<10240x128xf32, #tpu.memory_space<vmem_shared>> -> memref<64x128xf32, #tpu.memory_space<vmem_shared>>
      tpu.wait_dma2 semaphore(%run_scoped3A : memref<!tpu.dma_semaphore, #tpu.memory_space<semaphore_mem>>) src(%arg9 : memref<64x128xf32, #tpu.memory_space<vmem>>) dst(%dma_wait3A_41 : memref<64x128xf32, #tpu.memory_space<vmem_shared>>)
      tpu.yield
    }) : () -> ()
    %add3A_22 = arith.constant 448 : i32
    %add3A_23 = arith.addi %mul3A_7, %add3A_22 : i32
    "tpu.region"() ({
      %run_scoped3A = tpu.sem_alloc : memref<!tpu.dma_semaphore, #tpu.memory_space<semaphore_mem>>
      %dma_start3A = arith.constant 0 : i32
      %dma_start3A_36 = tpu.memref_slice %arg10[%add3A_23, %dma_start3A] : memref<10240x128xf32, #tpu.memory_space<vmem_shared>> -> memref<64x128xf32, #tpu.memory_space<vmem_shared>>
      %dma_start3A_37 = arith.constant 0 : i32
      %dma_start3A_38 = tpu.memref_slice %arg10[%add3A_23, %dma_start3A_37] : memref<10240x128xf32, #tpu.memory_space<vmem_shared>> -> memref<64x128xf32, #tpu.memory_space<vmem_shared>>
      tpu.enqueue_dma source(%arg9 : memref<64x128xf32, #tpu.memory_space<vmem>>) target(%dma_start3A_38 : memref<64x128xf32, #tpu.memory_space<vmem_shared>>) target_semaphore(%run_scoped3A : memref<!tpu.dma_semaphore, #tpu.memory_space<semaphore_mem>>)
      %dma_wait3A = arith.constant 0 : i32
      %dma_wait3A_39 = tpu.memref_slice %arg10[%add3A_23, %dma_wait3A] : memref<10240x128xf32, #tpu.memory_space<vmem_shared>> -> memref<64x128xf32, #tpu.memory_space<vmem_shared>>
      %dma_wait3A_40 = arith.constant 0 : i32
      %dma_wait3A_41 = tpu.memref_slice %arg10[%add3A_23, %dma_wait3A_40] : memref<10240x128xf32, #tpu.memory_space<vmem_shared>> -> memref<64x128xf32, #tpu.memory_space<vmem_shared>>
      tpu.wait_dma2 semaphore(%run_scoped3A : memref<!tpu.dma_semaphore, #tpu.memory_space<semaphore_mem>>) src(%arg9 : memref<64x128xf32, #tpu.memory_space<vmem>>) dst(%dma_wait3A_41 : memref<64x128xf32, #tpu.memory_space<vmem_shared>>)
      tpu.yield
    }) : () -> ()
    %add3A_24 = arith.constant 512 : i32
    %add3A_25 = arith.addi %mul3A_7, %add3A_24 : i32
    "tpu.region"() ({
      %run_scoped3A = tpu.sem_alloc : memref<!tpu.dma_semaphore, #tpu.memory_space<semaphore_mem>>
      %dma_start3A = arith.constant 0 : i32
      %dma_start3A_36 = tpu.memref_slice %arg10[%add3A_25, %dma_start3A] : memref<10240x128xf32, #tpu.memory_space<vmem_shared>> -> memref<64x128xf32, #tpu.memory_space<vmem_shared>>
      %dma_start3A_37 = arith.constant 0 : i32
      %dma_start3A_38 = tpu.memref_slice %arg10[%add3A_25, %dma_start3A_37] : memref<10240x128xf32, #tpu.memory_space<vmem_shared>> -> memref<64x128xf32, #tpu.memory_space<vmem_shared>>
      tpu.enqueue_dma source(%arg9 : memref<64x128xf32, #tpu.memory_space<vmem>>) target(%dma_start3A_38 : memref<64x128xf32, #tpu.memory_space<vmem_shared>>) target_semaphore(%run_scoped3A : memref<!tpu.dma_semaphore, #tpu.memory_space<semaphore_mem>>)
      %dma_wait3A = arith.constant 0 : i32
      %dma_wait3A_39 = tpu.memref_slice %arg10[%add3A_25, %dma_wait3A] : memref<10240x128xf32, #tpu.memory_space<vmem_shared>> -> memref<64x128xf32, #tpu.memory_space<vmem_shared>>
      %dma_wait3A_40 = arith.constant 0 : i32
      %dma_wait3A_41 = tpu.memref_slice %arg10[%add3A_25, %dma_wait3A_40] : memref<10240x128xf32, #tpu.memory_space<vmem_shared>> -> memref<64x128xf32, #tpu.memory_space<vmem_shared>>
      tpu.wait_dma2 semaphore(%run_scoped3A : memref<!tpu.dma_semaphore, #tpu.memory_space<semaphore_mem>>) src(%arg9 : memref<64x128xf32, #tpu.memory_space<vmem>>) dst(%dma_wait3A_41 : memref<64x128xf32, #tpu.memory_space<vmem_shared>>)
      tpu.yield
    }) : () -> ()
    %add3A_26 = arith.constant 576 : i32
    %add3A_27 = arith.addi %mul3A_7, %add3A_26 : i32
    "tpu.region"() ({
      %run_scoped3A = tpu.sem_alloc : memref<!tpu.dma_semaphore, #tpu.memory_space<semaphore_mem>>
      %dma_start3A = arith.constant 0 : i32
      %dma_start3A_36 = tpu.memref_slice %arg10[%add3A_27, %dma_start3A] : memref<10240x128xf32, #tpu.memory_space<vmem_shared>> -> memref<64x128xf32, #tpu.memory_space<vmem_shared>>
      %dma_start3A_37 = arith.constant 0 : i32
      %dma_start3A_38 = tpu.memref_slice %arg10[%add3A_27, %dma_start3A_37] : memref<10240x128xf32, #tpu.memory_space<vmem_shared>> -> memref<64x128xf32, #tpu.memory_space<vmem_shared>>
      tpu.enqueue_dma source(%arg9 : memref<64x128xf32, #tpu.memory_space<vmem>>) target(%dma_start3A_38 : memref<64x128xf32, #tpu.memory_space<vmem_shared>>) target_semaphore(%run_scoped3A : memref<!tpu.dma_semaphore, #tpu.memory_space<semaphore_mem>>)
      %dma_wait3A = arith.constant 0 : i32
      %dma_wait3A_39 = tpu.memref_slice %arg10[%add3A_27, %dma_wait3A] : memref<10240x128xf32, #tpu.memory_space<vmem_shared>> -> memref<64x128xf32, #tpu.memory_space<vmem_shared>>
      %dma_wait3A_40 = arith.constant 0 : i32
      %dma_wait3A_41 = tpu.memref_slice %arg10[%add3A_27, %dma_wait3A_40] : memref<10240x128xf32, #tpu.memory_space<vmem_shared>> -> memref<64x128xf32, #tpu.memory_space<vmem_shared>>
      tpu.wait_dma2 semaphore(%run_scoped3A : memref<!tpu.dma_semaphore, #tpu.memory_space<semaphore_mem>>) src(%arg9 : memref<64x128xf32, #tpu.memory_space<vmem>>) dst(%dma_wait3A_41 : memref<64x128xf32, #tpu.memory_space<vmem_shared>>)
      tpu.yield
    }) : () -> ()
    %barrier3A = arith.constant 0 : index
    tpu.barrier barrier_id(%barrier3A)
    %mul3A_28 = arith.constant 10112 : i32
    %mul3A_29 = arith.muli %add3A, %mul3A_28 : i32
    %scan3A_30 = arith.constant 0 : i32
    %scan3A_31 = arith.constant 79 : i32
    %scan3A_32 = arith.addi %scan3A_30, %scan3A_31 : i32
    %scan3A_33 = arith.constant 1 : i32
    scf.for %scan3A_36 = %scan3A_30 to %scan3A_32 step %scan3A_33  : i32 {
      %mul3A_37 = arith.constant 128 : i32
      %mul3A_38 = arith.muli %scan3A_36, %mul3A_37 : i32
      %add3A_39 = arith.addi %mul3A_29, %mul3A_38 : i32
      "tpu.region"() ({
        %run_scoped3A = tpu.sem_alloc : memref<!tpu.dma_semaphore, #tpu.memory_space<semaphore_mem>>
        %dma_start3A_44 = tpu.memref_slice %arg3[%add3A_39] : memref<323584xi32, #tpu.memory_space<hbm>> -> memref<128xi32, #tpu.memory_space<hbm>>
        %dma_start3A_45 = tpu.memref_slice %arg3[%add3A_39] : memref<323584xi32, #tpu.memory_space<hbm>> -> memref<128xi32, #tpu.memory_space<hbm>>
        tpu.enqueue_dma source(%dma_start3A_45 : memref<128xi32, #tpu.memory_space<hbm>>) target(%arg6 : memref<128xi32, #tpu.memory_space<vmem>>) target_semaphore(%run_scoped3A : memref<!tpu.dma_semaphore, #tpu.memory_space<semaphore_mem>>)
        %dma_wait3A_46 = tpu.memref_slice %arg3[%add3A_39] : memref<323584xi32, #tpu.memory_space<hbm>> -> memref<128xi32, #tpu.memory_space<hbm>>
        %dma_wait3A_47 = tpu.memref_slice %arg3[%add3A_39] : memref<323584xi32, #tpu.memory_space<hbm>> -> memref<128xi32, #tpu.memory_space<hbm>>
        tpu.wait_dma2 semaphore(%run_scoped3A : memref<!tpu.dma_semaphore, #tpu.memory_space<semaphore_mem>>) src(%dma_wait3A_47 : memref<128xi32, #tpu.memory_space<hbm>>) dst(%arg6 : memref<128xi32, #tpu.memory_space<vmem>>)
        tpu.yield
      }) : () -> ()
      "tpu.region"() ({
        %run_scoped3A = tpu.sem_alloc : memref<!tpu.dma_semaphore, #tpu.memory_space<semaphore_mem>>
        %dma_start3A_44 = tpu.memref_slice %arg4[%add3A_39] : memref<323584xi32, #tpu.memory_space<hbm>> -> memref<128xi32, #tpu.memory_space<hbm>>
        %dma_start3A_45 = tpu.memref_slice %arg4[%add3A_39] : memref<323584xi32, #tpu.memory_space<hbm>> -> memref<128xi32, #tpu.memory_space<hbm>>
        tpu.enqueue_dma source(%dma_start3A_45 : memref<128xi32, #tpu.memory_space<hbm>>) target(%arg7 : memref<128xi32, #tpu.memory_space<vmem>>) target_semaphore(%run_scoped3A : memref<!tpu.dma_semaphore, #tpu.memory_space<semaphore_mem>>)
        %dma_wait3A_46 = tpu.memref_slice %arg4[%add3A_39] : memref<323584xi32, #tpu.memory_space<hbm>> -> memref<128xi32, #tpu.memory_space<hbm>>
        %dma_wait3A_47 = tpu.memref_slice %arg4[%add3A_39] : memref<323584xi32, #tpu.memory_space<hbm>> -> memref<128xi32, #tpu.memory_space<hbm>>
        tpu.wait_dma2 semaphore(%run_scoped3A : memref<!tpu.dma_semaphore, #tpu.memory_space<semaphore_mem>>) src(%dma_wait3A_47 : memref<128xi32, #tpu.memory_space<hbm>>) dst(%arg7 : memref<128xi32, #tpu.memory_space<vmem>>)
        tpu.yield
      }) : () -> ()
      %dma_start3A = arith.constant 0 : i32
      %dma_start3A_40 = arith.constant 0 : i32
      %dma_start3A_41 = tpu.memref_slice %arg2[%dma_start3A, %dma_start3A_40] : memref<10000x128xf32, #tpu.memory_space<hbm>> -> memref<10000x128xf32, #tpu.memory_space<hbm>>
      tpu.enqueue_indirect_dma source(%dma_start3A_41 : memref<10000x128xf32, #tpu.memory_space<hbm>>) target(%arg8 : memref<128x128xf32, #tpu.memory_space<vmem>>) offsets(%arg6 : memref<128xi32, #tpu.memory_space<vmem>>) semaphore(%arg11 : memref<!tpu.dma_semaphore, #tpu.memory_space<semaphore_mem>>)
      %dma_wait3A = arith.constant 0 : i32
      %dma_wait3A_42 = arith.constant 0 : i32
      %dma_wait3A_43 = tpu.memref_slice %arg2[%dma_wait3A, %dma_wait3A_42] : memref<10000x128xf32, #tpu.memory_space<hbm>> -> memref<10000x128xf32, #tpu.memory_space<hbm>>
      tpu.wait_indirect_dma semaphore(%arg11 : memref<!tpu.dma_semaphore, #tpu.memory_space<semaphore_mem>>) src(%dma_wait3A_43 : memref<10000x128xf32, #tpu.memory_space<hbm>>) dst(%arg8 : memref<128x128xf32, #tpu.memory_space<vmem>>)
      "tpu.region"() ({
        %run_scoped3A = tpu.sem_alloc : memref<!tpu.dma_semaphore, #tpu.memory_space<semaphore_mem>>
        %dma_start3A_44 = arith.constant 0 : i32
        %dma_start3A_45 = arith.constant 0 : i32
        %dma_start3A_46 = tpu.memref_slice %arg10[%dma_start3A_44, %dma_start3A_45] : memref<10240x128xf32, #tpu.memory_space<vmem_shared>> -> memref<10240x128xf32, #tpu.memory_space<vmem_shared>>
        tpu.enqueue_indirect_dma source(%arg8 : memref<128x128xf32, #tpu.memory_space<vmem>>) target(%dma_start3A_46 : memref<10240x128xf32, #tpu.memory_space<vmem_shared>>) offsets(%arg7 : memref<128xi32, #tpu.memory_space<vmem>>) semaphore(%run_scoped3A : memref<!tpu.dma_semaphore, #tpu.memory_space<semaphore_mem>>) {add = true}
        %dma_wait3A_47 = arith.constant 0 : i32
        %dma_wait3A_48 = arith.constant 0 : i32
        %dma_wait3A_49 = tpu.memref_slice %arg10[%dma_wait3A_47, %dma_wait3A_48] : memref<10240x128xf32, #tpu.memory_space<vmem_shared>> -> memref<10240x128xf32, #tpu.memory_space<vmem_shared>>
        tpu.wait_indirect_dma semaphore(%run_scoped3A : memref<!tpu.dma_semaphore, #tpu.memory_space<semaphore_mem>>) src(%arg8 : memref<128x128xf32, #tpu.memory_space<vmem>>) dst(%dma_wait3A_49 : memref<10240x128xf32, #tpu.memory_space<vmem_shared>>)
        tpu.yield
      }) : () -> ()
    }
    %scan3A_34 = arith.constant 79 : i32
    %barrier3A_35 = arith.constant 0 : index
    tpu.barrier barrier_id(%barrier3A_35)
    "tpu.region"() ({
      %run_scoped3A = tpu.sem_alloc : memref<!tpu.dma_semaphore, #tpu.memory_space<semaphore_mem>>
      %dma_start3A = arith.constant 0 : i32
      %dma_start3A_36 = arith.constant 0 : i32
      %dma_start3A_37 = tpu.memref_slice %arg5[%arg0, %dma_start3A, %dma_start3A_36] : memref<2x10240x128xf32, #tpu.memory_space<hbm>> -> memref<1x10240x128xf32, #tpu.memory_space<hbm>>
      %dma_start3A_38 = tpu.memref_squeeze %dma_start3A_37 : memref<1x10240x128xf32, #tpu.memory_space<hbm>> -> memref<10240x128xf32, #tpu.memory_space<hbm>>
      %dma_start3A_39 = arith.constant 0 : i32
      %dma_start3A_40 = tpu.memref_slice %dma_start3A_38[%mul3A_7, %dma_start3A_39] : memref<10240x128xf32, #tpu.memory_space<hbm>> -> memref<640x128xf32, #tpu.memory_space<hbm>>
      %dma_start3A_41 = arith.constant 0 : i32
      %dma_start3A_42 = tpu.memref_slice %arg10[%mul3A_7, %dma_start3A_41] : memref<10240x128xf32, #tpu.memory_space<vmem_shared>> -> memref<640x128xf32, #tpu.memory_space<vmem_shared>>
      tpu.enqueue_dma source(%dma_start3A_42 : memref<640x128xf32, #tpu.memory_space<vmem_shared>>) target(%dma_start3A_40 : memref<640x128xf32, #tpu.memory_space<hbm>>) target_semaphore(%run_scoped3A : memref<!tpu.dma_semaphore, #tpu.memory_space<semaphore_mem>>)
      %dma_wait3A = arith.constant 0 : i32
      %dma_wait3A_43 = arith.constant 0 : i32
      %dma_wait3A_44 = tpu.memref_slice %arg5[%arg0, %dma_wait3A, %dma_wait3A_43] : memref<2x10240x128xf32, #tpu.memory_space<hbm>> -> memref<1x10240x128xf32, #tpu.memory_space<hbm>>
      %dma_wait3A_45 = tpu.memref_squeeze %dma_wait3A_44 : memref<1x10240x128xf32, #tpu.memory_space<hbm>> -> memref<10240x128xf32, #tpu.memory_space<hbm>>
      %dma_wait3A_46 = arith.constant 0 : i32
      %dma_wait3A_47 = tpu.memref_slice %dma_wait3A_45[%mul3A_7, %dma_wait3A_46] : memref<10240x128xf32, #tpu.memory_space<hbm>> -> memref<640x128xf32, #tpu.memory_space<hbm>>
      %dma_wait3A_48 = arith.constant 0 : i32
      %dma_wait3A_49 = tpu.memref_slice %arg10[%mul3A_7, %dma_wait3A_48] : memref<10240x128xf32, #tpu.memory_space<vmem_shared>> -> memref<640x128xf32, #tpu.memory_space<vmem_shared>>
      tpu.wait_dma2 semaphore(%run_scoped3A : memref<!tpu.dma_semaphore, #tpu.memory_space<semaphore_mem>>) src(%dma_wait3A_49 : memref<640x128xf32, #tpu.memory_space<vmem_shared>>) dst(%dma_wait3A_47 : memref<640x128xf32, #tpu.memory_space<hbm>>)
      tpu.yield
    }) : () -> ()
    return
  }
}

#map = affine_map<(d0, d1) -> (0, 0)>
#map1 = affine_map<(d0, d1) -> (0)>
#map2 = affine_map<(d0, d1) -> (0, 0, 0)>
module attributes {stable_mosaic.version = 14 : i64} {
  func.func @seg_sum(%arg0: i32, %arg1: i32, %arg2: memref<10000x128xf32, #tpu.memory_space<hbm>>, %arg3: memref<323584xi32, #tpu.memory_space<hbm>>, %arg4: memref<323584xi32, #tpu.memory_space<hbm>>, %arg5: memref<2x10240x128xf32, #tpu.memory_space<hbm>>, %arg6: memref<128xi32, #tpu.memory_space<vmem>>, %arg7: memref<128xi32, #tpu.memory_space<vmem>>, %arg8: memref<128x128xf32, #tpu.memory_space<vmem>>, %arg9: memref<64x128xf32, #tpu.memory_space<vmem>>, %arg10: memref<10240x128xf32, #tpu.memory_space<vmem_shared>>, %arg11: memref<!tpu.dma_semaphore, #tpu.memory_space<semaphore_mem>>) attributes {dimension_semantics = [#tpu.dimension_semantics<core_parallel>, #tpu.dimension_semantics<subcore_parallel>], iteration_bounds = array<i64: 2, 16>, scalar_prefetch = 0 : i64, scratch_operands = 6 : i64, tpu.core_type = #tpu.core_type<sc_vector_subcore>, window_params = [{transform_indices = #map}, {transform_indices = #map1}, {transform_indices = #map1}, {transform_indices = #map2}]} {
    %mul3A = arith.constant 2 : i32
    %mul3A_0 = arith.muli %arg1, %mul3A : i32
    %add3A = arith.addi %mul3A_0, %arg0 : i32
    %broadcast_in_dim3A = arith.constant 0.000000e+00 : f32
    %broadcast_in_dim3A_1 = vector.broadcast %broadcast_in_dim3A : f32 to vector<16xf32>
    %scan3A = arith.constant 0 : i32
    %scan3A_2 = arith.constant 64 : i32
    %scan3A_3 = arith.addi %scan3A, %scan3A_2 : i32
    %scan3A_4 = arith.constant 1 : i32
    scf.for %scan3A_36 = %scan3A to %scan3A_3 step %scan3A_4  : i32 {
      %swap3A = arith.index_cast %scan3A_36 : i32 to index
      %swap3A_37 = arith.constant 0 : index
      %swap3A_38 = tpu.vector_load %arg9[%swap3A, %swap3A_37] {strides = array<i32>} : memref<64x128xf32, #tpu.memory_space<vmem>>, vector<1x16xf32>,
      %swap3A_39 = vector.shape_cast %swap3A_38 : vector<1x16xf32> to vector<16xf32>
      %swap3A_40 = vector.shape_cast %broadcast_in_dim3A_1 : vector<16xf32> to vector<1x16xf32>
      tpu.vector_store %arg9[%swap3A, %swap3A_37], %swap3A_40 {strides = array<i32>} : memref<64x128xf32, #tpu.memory_space<vmem>>, vector<1x16xf32>,
      %swap3A_41 = arith.index_cast %scan3A_36 : i32 to index
      %swap3A_42 = arith.constant 16 : index
      %swap3A_43 = tpu.vector_load %arg9[%swap3A_41, %swap3A_42] {strides = array<i32>} : memref<64x128xf32, #tpu.memory_space<vmem>>, vector<1x16xf32>,
      %swap3A_44 = vector.shape_cast %swap3A_43 : vector<1x16xf32> to vector<16xf32>
      %swap3A_45 = vector.shape_cast %broadcast_in_dim3A_1 : vector<16xf32> to vector<1x16xf32>
      tpu.vector_store %arg9[%swap3A_41, %swap3A_42], %swap3A_45 {strides = array<i32>} : memref<64x128xf32, #tpu.memory_space<vmem>>, vector<1x16xf32>,
      %swap3A_46 = arith.index_cast %scan3A_36 : i32 to index
      %swap3A_47 = arith.constant 32 : index
      %swap3A_48 = tpu.vector_load %arg9[%swap3A_46, %swap3A_47] {strides = array<i32>} : memref<64x128xf32, #tpu.memory_space<vmem>>, vector<1x16xf32>,
      %swap3A_49 = vector.shape_cast %swap3A_48 : vector<1x16xf32> to vector<16xf32>
      %swap3A_50 = vector.shape_cast %broadcast_in_dim3A_1 : vector<16xf32> to vector<1x16xf32>
      tpu.vector_store %arg9[%swap3A_46, %swap3A_47], %swap3A_50 {strides = array<i32>} : memref<64x128xf32, #tpu.memory_space<vmem>>, vector<1x16xf32>,
      %swap3A_51 = arith.index_cast %scan3A_36 : i32 to index
      %swap3A_52 = arith.constant 48 : index
      %swap3A_53 = tpu.vector_load %arg9[%swap3A_51, %swap3A_52] {strides = array<i32>} : memref<64x128xf32, #tpu.memory_space<vmem>>, vector<1x16xf32>,
      %swap3A_54 = vector.shape_cast %swap3A_53 : vector<1x16xf32> to vector<16xf32>
      %swap3A_55 = vector.shape_cast %broadcast_in_dim3A_1 : vector<16xf32> to vector<1x16xf32>
      tpu.vector_store %arg9[%swap3A_51, %swap3A_52], %swap3A_55 {strides = array<i32>} : memref<64x128xf32, #tpu.memory_space<vmem>>, vector<1x16xf32>,
      %swap3A_56 = arith.index_cast %scan3A_36 : i32 to index
      %swap3A_57 = arith.constant 64 : index
      %swap3A_58 = tpu.vector_load %arg9[%swap3A_56, %swap3A_57] {strides = array<i32>} : memref<64x128xf32, #tpu.memory_space<vmem>>, vector<1x16xf32>,
      %swap3A_59 = vector.shape_cast %swap3A_58 : vector<1x16xf32> to vector<16xf32>
      %swap3A_60 = vector.shape_cast %broadcast_in_dim3A_1 : vector<16xf32> to vector<1x16xf32>
      tpu.vector_store %arg9[%swap3A_56, %swap3A_57], %swap3A_60 {strides = array<i32>} : memref<64x128xf32, #tpu.memory_space<vmem>>, vector<1x16xf32>,
      %swap3A_61 = arith.index_cast %scan3A_36 : i32 to index
      %swap3A_62 = arith.constant 80 : index
      %swap3A_63 = tpu.vector_load %arg9[%swap3A_61, %swap3A_62] {strides = array<i32>} : memref<64x128xf32, #tpu.memory_space<vmem>>, vector<1x16xf32>,
      %swap3A_64 = vector.shape_cast %swap3A_63 : vector<1x16xf32> to vector<16xf32>
      %swap3A_65 = vector.shape_cast %broadcast_in_dim3A_1 : vector<16xf32> to vector<1x16xf32>
      tpu.vector_store %arg9[%swap3A_61, %swap3A_62], %swap3A_65 {strides = array<i32>} : memref<64x128xf32, #tpu.memory_space<vmem>>, vector<1x16xf32>,
      %swap3A_66 = arith.index_cast %scan3A_36 : i32 to index
      %swap3A_67 = arith.constant 96 : index
      %swap3A_68 = tpu.vector_load %arg9[%swap3A_66, %swap3A_67] {strides = array<i32>} : memref<64x128xf32, #tpu.memory_space<vmem>>, vector<1x16xf32>,
      %swap3A_69 = vector.shape_cast %swap3A_68 : vector<1x16xf32> to vector<16xf32>
      %swap3A_70 = vector.shape_cast %broadcast_in_dim3A_1 : vector<16xf32> to vector<1x16xf32>
      tpu.vector_store %arg9[%swap3A_66, %swap3A_67], %swap3A_70 {strides = array<i32>} : memref<64x128xf32, #tpu.memory_space<vmem>>, vector<1x16xf32>,
      %swap3A_71 = arith.index_cast %scan3A_36 : i32 to index
      %swap3A_72 = arith.constant 112 : index
      %swap3A_73 = tpu.vector_load %arg9[%swap3A_71, %swap3A_72] {strides = array<i32>} : memref<64x128xf32, #tpu.memory_space<vmem>>, vector<1x16xf32>,
      %swap3A_74 = vector.shape_cast %swap3A_73 : vector<1x16xf32> to vector<16xf32>
      %swap3A_75 = vector.shape_cast %broadcast_in_dim3A_1 : vector<16xf32> to vector<1x16xf32>
      tpu.vector_store %arg9[%swap3A_71, %swap3A_72], %swap3A_75 {strides = array<i32>} : memref<64x128xf32, #tpu.memory_space<vmem>>, vector<1x16xf32>,
    }
    %scan3A_5 = arith.constant 64 : i32
    %mul3A_6 = arith.constant 640 : i32
    %mul3A_7 = arith.muli %arg1, %mul3A_6 : i32
    %add3A_8 = arith.constant 0 : i32
    %add3A_9 = arith.addi %mul3A_7, %add3A_8 : i32
    "tpu.region"() ({
      %run_scoped3A = tpu.sem_alloc : memref<!tpu.dma_semaphore, #tpu.memory_space<semaphore_mem>>
      %dma_start3A = arith.constant 0 : i32
      %dma_start3A_36 = tpu.memref_slice %arg10[%add3A_9, %dma_start3A] : memref<10240x128xf32, #tpu.memory_space<vmem_shared>> -> memref<64x128xf32, #tpu.memory_space<vmem_shared>>
      %dma_start3A_37 = arith.constant 0 : i32
      %dma_start3A_38 = tpu.memref_slice %arg10[%add3A_9, %dma_start3A_37] : memref<10240x128xf32, #tpu.memory_space<vmem_shared>> -> memref<64x128xf32, #tpu.memory_space<vmem_shared>>
      tpu.enqueue_dma source(%arg9 : memref<64x128xf32, #tpu.memory_space<vmem>>) target(%dma_start3A_38 : memref<64x128xf32, #tpu.memory_space<vmem_shared>>) target_semaphore(%run_scoped3A : memref<!tpu.dma_semaphore, #tpu.memory_space<semaphore_mem>>)
      %dma_wait3A = arith.constant 0 : i32
      %dma_wait3A_39 = tpu.memref_slice %arg10[%add3A_9, %dma_wait3A] : memref<10240x128xf32, #tpu.memory_space<vmem_shared>> -> memref<64x128xf32, #tpu.memory_space<vmem_shared>>
      %dma_wait3A_40 = arith.constant 0 : i32
      %dma_wait3A_41 = tpu.memref_slice %arg10[%add3A_9, %dma_wait3A_40] : memref<10240x128xf32, #tpu.memory_space<vmem_shared>> -> memref<64x128xf32, #tpu.memory_space<vmem_shared>>
      tpu.wait_dma2 semaphore(%run_scoped3A : memref<!tpu.dma_semaphore, #tpu.memory_space<semaphore_mem>>) src(%arg9 : memref<64x128xf32, #tpu.memory_space<vmem>>) dst(%dma_wait3A_41 : memref<64x128xf32, #tpu.memory_space<vmem_shared>>)
      tpu.yield
    }) : () -> ()
    %add3A_10 = arith.constant 64 : i32
    %add3A_11 = arith.addi %mul3A_7, %add3A_10 : i32
    "tpu.region"() ({
      %run_scoped3A = tpu.sem_alloc : memref<!tpu.dma_semaphore, #tpu.memory_space<semaphore_mem>>
      %dma_start3A = arith.constant 0 : i32
      %dma_start3A_36 = tpu.memref_slice %arg10[%add3A_11, %dma_start3A] : memref<10240x128xf32, #tpu.memory_space<vmem_shared>> -> memref<64x128xf32, #tpu.memory_space<vmem_shared>>
      %dma_start3A_37 = arith.constant 0 : i32
      %dma_start3A_38 = tpu.memref_slice %arg10[%add3A_11, %dma_start3A_37] : memref<10240x128xf32, #tpu.memory_space<vmem_shared>> -> memref<64x128xf32, #tpu.memory_space<vmem_shared>>
      tpu.enqueue_dma source(%arg9 : memref<64x128xf32, #tpu.memory_space<vmem>>) target(%dma_start3A_38 : memref<64x128xf32, #tpu.memory_space<vmem_shared>>) target_semaphore(%run_scoped3A : memref<!tpu.dma_semaphore, #tpu.memory_space<semaphore_mem>>)
      %dma_wait3A = arith.constant 0 : i32
      %dma_wait3A_39 = tpu.memref_slice %arg10[%add3A_11, %dma_wait3A] : memref<10240x128xf32, #tpu.memory_space<vmem_shared>> -> memref<64x128xf32, #tpu.memory_space<vmem_shared>>
      %dma_wait3A_40 = arith.constant 0 : i32
      %dma_wait3A_41 = tpu.memref_slice %arg10[%add3A_11, %dma_wait3A_40] : memref<10240x128xf32, #tpu.memory_space<vmem_shared>> -> memref<64x128xf32, #tpu.memory_space<vmem_shared>>
      tpu.wait_dma2 semaphore(%run_scoped3A : memref<!tpu.dma_semaphore, #tpu.memory_space<semaphore_mem>>) src(%arg9 : memref<64x128xf32, #tpu.memory_space<vmem>>) dst(%dma_wait3A_41 : memref<64x128xf32, #tpu.memory_space<vmem_shared>>)
      tpu.yield
    }) : () -> ()
    %add3A_12 = arith.constant 128 : i32
    %add3A_13 = arith.addi %mul3A_7, %add3A_12 : i32
    "tpu.region"() ({
      %run_scoped3A = tpu.sem_alloc : memref<!tpu.dma_semaphore, #tpu.memory_space<semaphore_mem>>
      %dma_start3A = arith.constant 0 : i32
      %dma_start3A_36 = tpu.memref_slice %arg10[%add3A_13, %dma_start3A] : memref<10240x128xf32, #tpu.memory_space<vmem_shared>> -> memref<64x128xf32, #tpu.memory_space<vmem_shared>>
      %dma_start3A_37 = arith.constant 0 : i32
      %dma_start3A_38 = tpu.memref_slice %arg10[%add3A_13, %dma_start3A_37] : memref<10240x128xf32, #tpu.memory_space<vmem_shared>> -> memref<64x128xf32, #tpu.memory_space<vmem_shared>>
      tpu.enqueue_dma source(%arg9 : memref<64x128xf32, #tpu.memory_space<vmem>>) target(%dma_start3A_38 : memref<64x128xf32, #tpu.memory_space<vmem_shared>>) target_semaphore(%run_scoped3A : memref<!tpu.dma_semaphore, #tpu.memory_space<semaphore_mem>>)
      %dma_wait3A = arith.constant 0 : i32
      %dma_wait3A_39 = tpu.memref_slice %arg10[%add3A_13, %dma_wait3A] : memref<10240x128xf32, #tpu.memory_space<vmem_shared>> -> memref<64x128xf32, #tpu.memory_space<vmem_shared>>
      %dma_wait3A_40 = arith.constant 0 : i32
      %dma_wait3A_41 = tpu.memref_slice %arg10[%add3A_13, %dma_wait3A_40] : memref<10240x128xf32, #tpu.memory_space<vmem_shared>> -> memref<64x128xf32, #tpu.memory_space<vmem_shared>>
      tpu.wait_dma2 semaphore(%run_scoped3A : memref<!tpu.dma_semaphore, #tpu.memory_space<semaphore_mem>>) src(%arg9 : memref<64x128xf32, #tpu.memory_space<vmem>>) dst(%dma_wait3A_41 : memref<64x128xf32, #tpu.memory_space<vmem_shared>>)
      tpu.yield
    }) : () -> ()
    %add3A_14 = arith.constant 192 : i32
    %add3A_15 = arith.addi %mul3A_7, %add3A_14 : i32
    "tpu.region"() ({
      %run_scoped3A = tpu.sem_alloc : memref<!tpu.dma_semaphore, #tpu.memory_space<semaphore_mem>>
      %dma_start3A = arith.constant 0 : i32
      %dma_start3A_36 = tpu.memref_slice %arg10[%add3A_15, %dma_start3A] : memref<10240x128xf32, #tpu.memory_space<vmem_shared>> -> memref<64x128xf32, #tpu.memory_space<vmem_shared>>
      %dma_start3A_37 = arith.constant 0 : i32
      %dma_start3A_38 = tpu.memref_slice %arg10[%add3A_15, %dma_start3A_37] : memref<10240x128xf32, #tpu.memory_space<vmem_shared>> -> memref<64x128xf32, #tpu.memory_space<vmem_shared>>
      tpu.enqueue_dma source(%arg9 : memref<64x128xf32, #tpu.memory_space<vmem>>) target(%dma_start3A_38 : memref<64x128xf32, #tpu.memory_space<vmem_shared>>) target_semaphore(%run_scoped3A : memref<!tpu.dma_semaphore, #tpu.memory_space<semaphore_mem>>)
      %dma_wait3A = arith.constant 0 : i32
      %dma_wait3A_39 = tpu.memref_slice %arg10[%add3A_15, %dma_wait3A] : memref<10240x128xf32, #tpu.memory_space<vmem_shared>> -> memref<64x128xf32, #tpu.memory_space<vmem_shared>>
      %dma_wait3A_40 = arith.constant 0 : i32
      %dma_wait3A_41 = tpu.memref_slice %arg10[%add3A_15, %dma_wait3A_40] : memref<10240x128xf32, #tpu.memory_space<vmem_shared>> -> memref<64x128xf32, #tpu.memory_space<vmem_shared>>
      tpu.wait_dma2 semaphore(%run_scoped3A : memref<!tpu.dma_semaphore, #tpu.memory_space<semaphore_mem>>) src(%arg9 : memref<64x128xf32, #tpu.memory_space<vmem>>) dst(%dma_wait3A_41 : memref<64x128xf32, #tpu.memory_space<vmem_shared>>)
      tpu.yield
    }) : () -> ()
    %add3A_16 = arith.constant 256 : i32
    %add3A_17 = arith.addi %mul3A_7, %add3A_16 : i32
    "tpu.region"() ({
      %run_scoped3A = tpu.sem_alloc : memref<!tpu.dma_semaphore, #tpu.memory_space<semaphore_mem>>
      %dma_start3A = arith.constant 0 : i32
      %dma_start3A_36 = tpu.memref_slice %arg10[%add3A_17, %dma_start3A] : memref<10240x128xf32, #tpu.memory_space<vmem_shared>> -> memref<64x128xf32, #tpu.memory_space<vmem_shared>>
      %dma_start3A_37 = arith.constant 0 : i32
      %dma_start3A_38 = tpu.memref_slice %arg10[%add3A_17, %dma_start3A_37] : memref<10240x128xf32, #tpu.memory_space<vmem_shared>> -> memref<64x128xf32, #tpu.memory_space<vmem_shared>>
      tpu.enqueue_dma source(%arg9 : memref<64x128xf32, #tpu.memory_space<vmem>>) target(%dma_start3A_38 : memref<64x128xf32, #tpu.memory_space<vmem_shared>>) target_semaphore(%run_scoped3A : memref<!tpu.dma_semaphore, #tpu.memory_space<semaphore_mem>>)
      %dma_wait3A = arith.constant 0 : i32
      %dma_wait3A_39 = tpu.memref_slice %arg10[%add3A_17, %dma_wait3A] : memref<10240x128xf32, #tpu.memory_space<vmem_shared>> -> memref<64x128xf32, #tpu.memory_space<vmem_shared>>
      %dma_wait3A_40 = arith.constant 0 : i32
      %dma_wait3A_41 = tpu.memref_slice %arg10[%add3A_17, %dma_wait3A_40] : memref<10240x128xf32, #tpu.memory_space<vmem_shared>> -> memref<64x128xf32, #tpu.memory_space<vmem_shared>>
      tpu.wait_dma2 semaphore(%run_scoped3A : memref<!tpu.dma_semaphore, #tpu.memory_space<semaphore_mem>>) src(%arg9 : memref<64x128xf32, #tpu.memory_space<vmem>>) dst(%dma_wait3A_41 : memref<64x128xf32, #tpu.memory_space<vmem_shared>>)
      tpu.yield
    }) : () -> ()
    %add3A_18 = arith.constant 320 : i32
    %add3A_19 = arith.addi %mul3A_7, %add3A_18 : i32
    "tpu.region"() ({
      %run_scoped3A = tpu.sem_alloc : memref<!tpu.dma_semaphore, #tpu.memory_space<semaphore_mem>>
      %dma_start3A = arith.constant 0 : i32
      %dma_start3A_36 = tpu.memref_slice %arg10[%add3A_19, %dma_start3A] : memref<10240x128xf32, #tpu.memory_space<vmem_shared>> -> memref<64x128xf32, #tpu.memory_space<vmem_shared>>
      %dma_start3A_37 = arith.constant 0 : i32
      %dma_start3A_38 = tpu.memref_slice %arg10[%add3A_19, %dma_start3A_37] : memref<10240x128xf32, #tpu.memory_space<vmem_shared>> -> memref<64x128xf32, #tpu.memory_space<vmem_shared>>
      tpu.enqueue_dma source(%arg9 : memref<64x128xf32, #tpu.memory_space<vmem>>) target(%dma_start3A_38 : memref<64x128xf32, #tpu.memory_space<vmem_shared>>) target_semaphore(%run_scoped3A : memref<!tpu.dma_semaphore, #tpu.memory_space<semaphore_mem>>)
      %dma_wait3A = arith.constant 0 : i32
      %dma_wait3A_39 = tpu.memref_slice %arg10[%add3A_19, %dma_wait3A] : memref<10240x128xf32, #tpu.memory_space<vmem_shared>> -> memref<64x128xf32, #tpu.memory_space<vmem_shared>>
      %dma_wait3A_40 = arith.constant 0 : i32
      %dma_wait3A_41 = tpu.memref_slice %arg10[%add3A_19, %dma_wait3A_40] : memref<10240x128xf32, #tpu.memory_space<vmem_shared>> -> memref<64x128xf32, #tpu.memory_space<vmem_shared>>
      tpu.wait_dma2 semaphore(%run_scoped3A : memref<!tpu.dma_semaphore, #tpu.memory_space<semaphore_mem>>) src(%arg9 : memref<64x128xf32, #tpu.memory_space<vmem>>) dst(%dma_wait3A_41 : memref<64x128xf32, #tpu.memory_space<vmem_shared>>)
      tpu.yield
    }) : () -> ()
    %add3A_20 = arith.constant 384 : i32
    %add3A_21 = arith.addi %mul3A_7, %add3A_20 : i32
    "tpu.region"() ({
      %run_scoped3A = tpu.sem_alloc : memref<!tpu.dma_semaphore, #tpu.memory_space<semaphore_mem>>
      %dma_start3A = arith.constant 0 : i32
      %dma_start3A_36 = tpu.memref_slice %arg10[%add3A_21, %dma_start3A] : memref<10240x128xf32, #tpu.memory_space<vmem_shared>> -> memref<64x128xf32, #tpu.memory_space<vmem_shared>>
      %dma_start3A_37 = arith.constant 0 : i32
      %dma_start3A_38 = tpu.memref_slice %arg10[%add3A_21, %dma_start3A_37] : memref<10240x128xf32, #tpu.memory_space<vmem_shared>> -> memref<64x128xf32, #tpu.memory_space<vmem_shared>>
      tpu.enqueue_dma source(%arg9 : memref<64x128xf32, #tpu.memory_space<vmem>>) target(%dma_start3A_38 : memref<64x128xf32, #tpu.memory_space<vmem_shared>>) target_semaphore(%run_scoped3A : memref<!tpu.dma_semaphore, #tpu.memory_space<semaphore_mem>>)
      %dma_wait3A = arith.constant 0 : i32
      %dma_wait3A_39 = tpu.memref_slice %arg10[%add3A_21, %dma_wait3A] : memref<10240x128xf32, #tpu.memory_space<vmem_shared>> -> memref<64x128xf32, #tpu.memory_space<vmem_shared>>
      %dma_wait3A_40 = arith.constant 0 : i32
      %dma_wait3A_41 = tpu.memref_slice %arg10[%add3A_21, %dma_wait3A_40] : memref<10240x128xf32, #tpu.memory_space<vmem_shared>> -> memref<64x128xf32, #tpu.memory_space<vmem_shared>>
      tpu.wait_dma2 semaphore(%run_scoped3A : memref<!tpu.dma_semaphore, #tpu.memory_space<semaphore_mem>>) src(%arg9 : memref<64x128xf32, #tpu.memory_space<vmem>>) dst(%dma_wait3A_41 : memref<64x128xf32, #tpu.memory_space<vmem_shared>>)
      tpu.yield
    }) : () -> ()
    %add3A_22 = arith.constant 448 : i32
    %add3A_23 = arith.addi %mul3A_7, %add3A_22 : i32
    "tpu.region"() ({
      %run_scoped3A = tpu.sem_alloc : memref<!tpu.dma_semaphore, #tpu.memory_space<semaphore_mem>>
      %dma_start3A = arith.constant 0 : i32
      %dma_start3A_36 = tpu.memref_slice %arg10[%add3A_23, %dma_start3A] : memref<10240x128xf32, #tpu.memory_space<vmem_shared>> -> memref<64x128xf32, #tpu.memory_space<vmem_shared>>
      %dma_start3A_37 = arith.constant 0 : i32
      %dma_start3A_38 = tpu.memref_slice %arg10[%add3A_23, %dma_start3A_37] : memref<10240x128xf32, #tpu.memory_space<vmem_shared>> -> memref<64x128xf32, #tpu.memory_space<vmem_shared>>
      tpu.enqueue_dma source(%arg9 : memref<64x128xf32, #tpu.memory_space<vmem>>) target(%dma_start3A_38 : memref<64x128xf32, #tpu.memory_space<vmem_shared>>) target_semaphore(%run_scoped3A : memref<!tpu.dma_semaphore, #tpu.memory_space<semaphore_mem>>)
      %dma_wait3A = arith.constant 0 : i32
      %dma_wait3A_39 = tpu.memref_slice %arg10[%add3A_23, %dma_wait3A] : memref<10240x128xf32, #tpu.memory_space<vmem_shared>> -> memref<64x128xf32, #tpu.memory_space<vmem_shared>>
      %dma_wait3A_40 = arith.constant 0 : i32
      %dma_wait3A_41 = tpu.memref_slice %arg10[%add3A_23, %dma_wait3A_40] : memref<10240x128xf32, #tpu.memory_space<vmem_shared>> -> memref<64x128xf32, #tpu.memory_space<vmem_shared>>
      tpu.wait_dma2 semaphore(%run_scoped3A : memref<!tpu.dma_semaphore, #tpu.memory_space<semaphore_mem>>) src(%arg9 : memref<64x128xf32, #tpu.memory_space<vmem>>) dst(%dma_wait3A_41 : memref<64x128xf32, #tpu.memory_space<vmem_shared>>)
      tpu.yield
    }) : () -> ()
    %add3A_24 = arith.constant 512 : i32
    %add3A_25 = arith.addi %mul3A_7, %add3A_24 : i32
    "tpu.region"() ({
      %run_scoped3A = tpu.sem_alloc : memref<!tpu.dma_semaphore, #tpu.memory_space<semaphore_mem>>
      %dma_start3A = arith.constant 0 : i32
      %dma_start3A_36 = tpu.memref_slice %arg10[%add3A_25, %dma_start3A] : memref<10240x128xf32, #tpu.memory_space<vmem_shared>> -> memref<64x128xf32, #tpu.memory_space<vmem_shared>>
      %dma_start3A_37 = arith.constant 0 : i32
      %dma_start3A_38 = tpu.memref_slice %arg10[%add3A_25, %dma_start3A_37] : memref<10240x128xf32, #tpu.memory_space<vmem_shared>> -> memref<64x128xf32, #tpu.memory_space<vmem_shared>>
      tpu.enqueue_dma source(%arg9 : memref<64x128xf32, #tpu.memory_space<vmem>>) target(%dma_start3A_38 : memref<64x128xf32, #tpu.memory_space<vmem_shared>>) target_semaphore(%run_scoped3A : memref<!tpu.dma_semaphore, #tpu.memory_space<semaphore_mem>>)
      %dma_wait3A = arith.constant 0 : i32
      %dma_wait3A_39 = tpu.memref_slice %arg10[%add3A_25, %dma_wait3A] : memref<10240x128xf32, #tpu.memory_space<vmem_shared>> -> memref<64x128xf32, #tpu.memory_space<vmem_shared>>
      %dma_wait3A_40 = arith.constant 0 : i32
      %dma_wait3A_41 = tpu.memref_slice %arg10[%add3A_25, %dma_wait3A_40] : memref<10240x128xf32, #tpu.memory_space<vmem_shared>> -> memref<64x128xf32, #tpu.memory_space<vmem_shared>>
      tpu.wait_dma2 semaphore(%run_scoped3A : memref<!tpu.dma_semaphore, #tpu.memory_space<semaphore_mem>>) src(%arg9 : memref<64x128xf32, #tpu.memory_space<vmem>>) dst(%dma_wait3A_41 : memref<64x128xf32, #tpu.memory_space<vmem_shared>>)
      tpu.yield
    }) : () -> ()
    %add3A_26 = arith.constant 576 : i32
    %add3A_27 = arith.addi %mul3A_7, %add3A_26 : i32
    "tpu.region"() ({
      %run_scoped3A = tpu.sem_alloc : memref<!tpu.dma_semaphore, #tpu.memory_space<semaphore_mem>>
      %dma_start3A = arith.constant 0 : i32
      %dma_start3A_36 = tpu.memref_slice %arg10[%add3A_27, %dma_start3A] : memref<10240x128xf32, #tpu.memory_space<vmem_shared>> -> memref<64x128xf32, #tpu.memory_space<vmem_shared>>
      %dma_start3A_37 = arith.constant 0 : i32
      %dma_start3A_38 = tpu.memref_slice %arg10[%add3A_27, %dma_start3A_37] : memref<10240x128xf32, #tpu.memory_space<vmem_shared>> -> memref<64x128xf32, #tpu.memory_space<vmem_shared>>
      tpu.enqueue_dma source(%arg9 : memref<64x128xf32, #tpu.memory_space<vmem>>) target(%dma_start3A_38 : memref<64x128xf32, #tpu.memory_space<vmem_shared>>) target_semaphore(%run_scoped3A : memref<!tpu.dma_semaphore, #tpu.memory_space<semaphore_mem>>)
      %dma_wait3A = arith.constant 0 : i32
      %dma_wait3A_39 = tpu.memref_slice %arg10[%add3A_27, %dma_wait3A] : memref<10240x128xf32, #tpu.memory_space<vmem_shared>> -> memref<64x128xf32, #tpu.memory_space<vmem_shared>>
      %dma_wait3A_40 = arith.constant 0 : i32
      %dma_wait3A_41 = tpu.memref_slice %arg10[%add3A_27, %dma_wait3A_40] : memref<10240x128xf32, #tpu.memory_space<vmem_shared>> -> memref<64x128xf32, #tpu.memory_space<vmem_shared>>
      tpu.wait_dma2 semaphore(%run_scoped3A : memref<!tpu.dma_semaphore, #tpu.memory_space<semaphore_mem>>) src(%arg9 : memref<64x128xf32, #tpu.memory_space<vmem>>) dst(%dma_wait3A_41 : memref<64x128xf32, #tpu.memory_space<vmem_shared>>)
      tpu.yield
    }) : () -> ()
    %barrier3A = arith.constant 0 : index
    tpu.barrier barrier_id(%barrier3A)
    %mul3A_28 = arith.constant 10112 : i32
    %mul3A_29 = arith.muli %add3A, %mul3A_28 : i32
    %scan3A_30 = arith.constant 0 : i32
    %scan3A_31 = arith.constant 79 : i32
    %scan3A_32 = arith.addi %scan3A_30, %scan3A_31 : i32
    %scan3A_33 = arith.constant 1 : i32
    scf.for %scan3A_36 = %scan3A_30 to %scan3A_32 step %scan3A_33  : i32 {
      %mul3A_37 = arith.constant 128 : i32
      %mul3A_38 = arith.muli %scan3A_36, %mul3A_37 : i32
      %add3A_39 = arith.addi %mul3A_29, %mul3A_38 : i32
      "tpu.region"() ({
        %run_scoped3A = tpu.sem_alloc : memref<!tpu.dma_semaphore, #tpu.memory_space<semaphore_mem>>
        %dma_start3A_44 = tpu.memref_slice %arg3[%add3A_39] : memref<323584xi32, #tpu.memory_space<hbm>> -> memref<128xi32, #tpu.memory_space<hbm>>
        %dma_start3A_45 = tpu.memref_slice %arg3[%add3A_39] : memref<323584xi32, #tpu.memory_space<hbm>> -> memref<128xi32, #tpu.memory_space<hbm>>
        tpu.enqueue_dma source(%dma_start3A_45 : memref<128xi32, #tpu.memory_space<hbm>>) target(%arg6 : memref<128xi32, #tpu.memory_space<vmem>>) target_semaphore(%run_scoped3A : memref<!tpu.dma_semaphore, #tpu.memory_space<semaphore_mem>>)
        %dma_wait3A_46 = tpu.memref_slice %arg3[%add3A_39] : memref<323584xi32, #tpu.memory_space<hbm>> -> memref<128xi32, #tpu.memory_space<hbm>>
        %dma_wait3A_47 = tpu.memref_slice %arg3[%add3A_39] : memref<323584xi32, #tpu.memory_space<hbm>> -> memref<128xi32, #tpu.memory_space<hbm>>
        tpu.wait_dma2 semaphore(%run_scoped3A : memref<!tpu.dma_semaphore, #tpu.memory_space<semaphore_mem>>) src(%dma_wait3A_47 : memref<128xi32, #tpu.memory_space<hbm>>) dst(%arg6 : memref<128xi32, #tpu.memory_space<vmem>>)
        tpu.yield
      }) : () -> ()
      "tpu.region"() ({
        %run_scoped3A = tpu.sem_alloc : memref<!tpu.dma_semaphore, #tpu.memory_space<semaphore_mem>>
        %dma_start3A_44 = tpu.memref_slice %arg4[%add3A_39] : memref<323584xi32, #tpu.memory_space<hbm>> -> memref<128xi32, #tpu.memory_space<hbm>>
        %dma_start3A_45 = tpu.memref_slice %arg4[%add3A_39] : memref<323584xi32, #tpu.memory_space<hbm>> -> memref<128xi32, #tpu.memory_space<hbm>>
        tpu.enqueue_dma source(%dma_start3A_45 : memref<128xi32, #tpu.memory_space<hbm>>) target(%arg7 : memref<128xi32, #tpu.memory_space<vmem>>) target_semaphore(%run_scoped3A : memref<!tpu.dma_semaphore, #tpu.memory_space<semaphore_mem>>)
        %dma_wait3A_46 = tpu.memref_slice %arg4[%add3A_39] : memref<323584xi32, #tpu.memory_space<hbm>> -> memref<128xi32, #tpu.memory_space<hbm>>
        %dma_wait3A_47 = tpu.memref_slice %arg4[%add3A_39] : memref<323584xi32, #tpu.memory_space<hbm>> -> memref<128xi32, #tpu.memory_space<hbm>>
        tpu.wait_dma2 semaphore(%run_scoped3A : memref<!tpu.dma_semaphore, #tpu.memory_space<semaphore_mem>>) src(%dma_wait3A_47 : memref<128xi32, #tpu.memory_space<hbm>>) dst(%arg7 : memref<128xi32, #tpu.memory_space<vmem>>)
        tpu.yield
      }) : () -> ()
      %dma_start3A = arith.constant 0 : i32
      %dma_start3A_40 = arith.constant 0 : i32
      %dma_start3A_41 = tpu.memref_slice %arg2[%dma_start3A, %dma_start3A_40] : memref<10000x128xf32, #tpu.memory_space<hbm>> -> memref<10000x128xf32, #tpu.memory_space<hbm>>
      tpu.enqueue_indirect_dma source(%dma_start3A_41 : memref<10000x128xf32, #tpu.memory_space<hbm>>) target(%arg8 : memref<128x128xf32, #tpu.memory_space<vmem>>) offsets(%arg6 : memref<128xi32, #tpu.memory_space<vmem>>) semaphore(%arg11 : memref<!tpu.dma_semaphore, #tpu.memory_space<semaphore_mem>>)
      %dma_wait3A = arith.constant 0 : i32
      %dma_wait3A_42 = arith.constant 0 : i32
      %dma_wait3A_43 = tpu.memref_slice %arg2[%dma_wait3A, %dma_wait3A_42] : memref<10000x128xf32, #tpu.memory_space<hbm>> -> memref<10000x128xf32, #tpu.memory_space<hbm>>
      tpu.wait_indirect_dma semaphore(%arg11 : memref<!tpu.dma_semaphore, #tpu.memory_space<semaphore_mem>>) src(%dma_wait3A_43 : memref<10000x128xf32, #tpu.memory_space<hbm>>) dst(%arg8 : memref<128x128xf32, #tpu.memory_space<vmem>>)
      "tpu.region"() ({
        %run_scoped3A = tpu.sem_alloc : memref<!tpu.dma_semaphore, #tpu.memory_space<semaphore_mem>>
        %dma_start3A_44 = arith.constant 0 : i32
        %dma_start3A_45 = arith.constant 0 : i32
        %dma_start3A_46 = tpu.memref_slice %arg10[%dma_start3A_44, %dma_start3A_45] : memref<10240x128xf32, #tpu.memory_space<vmem_shared>> -> memref<10240x128xf32, #tpu.memory_space<vmem_shared>>
        tpu.enqueue_indirect_dma source(%arg8 : memref<128x128xf32, #tpu.memory_space<vmem>>) target(%dma_start3A_46 : memref<10240x128xf32, #tpu.memory_space<vmem_shared>>) offsets(%arg7 : memref<128xi32, #tpu.memory_space<vmem>>) semaphore(%run_scoped3A : memref<!tpu.dma_semaphore, #tpu.memory_space<semaphore_mem>>) {add = true}
        %dma_wait3A_47 = arith.constant 0 : i32
        %dma_wait3A_48 = arith.constant 0 : i32
        %dma_wait3A_49 = tpu.memref_slice %arg10[%dma_wait3A_47, %dma_wait3A_48] : memref<10240x128xf32, #tpu.memory_space<vmem_shared>> -> memref<10240x128xf32, #tpu.memory_space<vmem_shared>>
        tpu.wait_indirect_dma semaphore(%run_scoped3A : memref<!tpu.dma_semaphore, #tpu.memory_space<semaphore_mem>>) src(%arg8 : memref<128x128xf32, #tpu.memory_space<vmem>>) dst(%dma_wait3A_49 : memref<10240x128xf32, #tpu.memory_space<vmem_shared>>)
        tpu.yield
      }) : () -> ()
    }
    %scan3A_34 = arith.constant 79 : i32
    %barrier3A_35 = arith.constant 0 : index
    tpu.barrier barrier_id(%barrier3A_35)
    "tpu.region"() ({
      %run_scoped3A = tpu.sem_alloc : memref<!tpu.dma_semaphore, #tpu.memory_space<semaphore_mem>>
      %dma_start3A = arith.constant 0 : i32
      %dma_start3A_36 = arith.constant 0 : i32
      %dma_start3A_37 = tpu.memref_slice %arg5[%arg0, %dma_start3A, %dma_start3A_36] : memref<2x10240x128xf32, #tpu.memory_space<hbm>> -> memref<1x10240x128xf32, #tpu.memory_space<hbm>>
      %dma_start3A_38 = tpu.memref_squeeze %dma_start3A_37 : memref<1x10240x128xf32, #tpu.memory_space<hbm>> -> memref<10240x128xf32, #tpu.memory_space<hbm>>
      %dma_start3A_39 = arith.constant 0 : i32
      %dma_start3A_40 = tpu.memref_slice %dma_start3A_38[%mul3A_7, %dma_start3A_39] : memref<10240x128xf32, #tpu.memory_space<hbm>> -> memref<640x128xf32, #tpu.memory_space<hbm>>
      %dma_start3A_41 = arith.constant 0 : i32
      %dma_start3A_42 = tpu.memref_slice %arg10[%mul3A_7, %dma_start3A_41] : memref<10240x128xf32, #tpu.memory_space<vmem_shared>> -> memref<640x128xf32, #tpu.memory_space<vmem_shared>>
      tpu.enqueue_dma source(%dma_start3A_42 : memref<640x128xf32, #tpu.memory_space<vmem_shared>>) target(%dma_start3A_40 : memref<640x128xf32, #tpu.memory_space<hbm>>) target_semaphore(%run_scoped3A : memref<!tpu.dma_semaphore, #tpu.memory_space<semaphore_mem>>)
      %dma_wait3A = arith.constant 0 : i32
      %dma_wait3A_43 = arith.constant 0 : i32
      %dma_wait3A_44 = tpu.memref_slice %arg5[%arg0, %dma_wait3A, %dma_wait3A_43] : memref<2x10240x128xf32, #tpu.memory_space<hbm>> -> memref<1x10240x128xf32, #tpu.memory_space<hbm>>
      %dma_wait3A_45 = tpu.memref_squeeze %dma_wait3A_44 : memref<1x10240x128xf32, #tpu.memory_space<hbm>> -> memref<10240x128xf32, #tpu.memory_space<hbm>>
      %dma_wait3A_46 = arith.constant 0 : i32
      %dma_wait3A_47 = tpu.memref_slice %dma_wait3A_45[%mul3A_7, %dma_wait3A_46] : memref<10240x128xf32, #tpu.memory_space<hbm>> -> memref<640x128xf32, #tpu.memory_space<hbm>>
      %dma_wait3A_48 = arith.constant 0 : i32
      %dma_wait3A_49 = tpu.memref_slice %arg10[%mul3A_7, %dma_wait3A_48] : memref<10240x128xf32, #tpu.memory_space<vmem_shared>> -> memref<640x128xf32, #tpu.memory_space<vmem_shared>>
      tpu.wait_dma2 semaphore(%run_scoped3A : memref<!tpu.dma_semaphore, #tpu.memory_space<semaphore_mem>>) src(%dma_wait3A_49 : memref<640x128xf32, #tpu.memory_space<vmem_shared>>) dst(%dma_wait3A_47 : memref<640x128xf32, #tpu.memory_space<hbm>>)
      tpu.yield
    }) : () -> ()
    return
  }
}

#map = affine_map<(d0, d1) -> (0, 0)>
#map1 = affine_map<(d0, d1) -> (0)>
#map2 = affine_map<(d0, d1) -> (0, 0, 0)>
module attributes {stable_mosaic.version = 14 : i64} {
  func.func @seg_sum(%arg0: i32, %arg1: i32, %arg2: memref<10000x128xf32, #tpu.memory_space<hbm>>, %arg3: memref<323584xi32, #tpu.memory_space<hbm>>, %arg4: memref<323584xi32, #tpu.memory_space<hbm>>, %arg5: memref<2x10240x128xf32, #tpu.memory_space<hbm>>, %arg6: memref<128xi32, #tpu.memory_space<vmem>>, %arg7: memref<128xi32, #tpu.memory_space<vmem>>, %arg8: memref<128x128xf32, #tpu.memory_space<vmem>>, %arg9: memref<64x128xf32, #tpu.memory_space<vmem>>, %arg10: memref<10240x128xf32, #tpu.memory_space<vmem_shared>>, %arg11: memref<!tpu.dma_semaphore, #tpu.memory_space<semaphore_mem>>) attributes {dimension_semantics = [#tpu.dimension_semantics<core_parallel>, #tpu.dimension_semantics<subcore_parallel>], iteration_bounds = array<i64: 2, 16>, scalar_prefetch = 0 : i64, scratch_operands = 6 : i64, tpu.core_type = #tpu.core_type<sc_vector_subcore>, window_params = [{transform_indices = #map}, {transform_indices = #map1}, {transform_indices = #map1}, {transform_indices = #map2}]} {
    %mul3A = arith.constant 2 : i32
    %mul3A_0 = arith.muli %arg1, %mul3A : i32
    %add3A = arith.addi %mul3A_0, %arg0 : i32
    %broadcast_in_dim3A = arith.constant 0.000000e+00 : f32
    %broadcast_in_dim3A_1 = vector.broadcast %broadcast_in_dim3A : f32 to vector<16xf32>
    %scan3A = arith.constant 0 : i32
    %scan3A_2 = arith.constant 64 : i32
    %scan3A_3 = arith.addi %scan3A, %scan3A_2 : i32
    %scan3A_4 = arith.constant 1 : i32
    scf.for %scan3A_36 = %scan3A to %scan3A_3 step %scan3A_4  : i32 {
      %swap3A = arith.index_cast %scan3A_36 : i32 to index
      %swap3A_37 = arith.constant 0 : index
      %swap3A_38 = tpu.vector_load %arg9[%swap3A, %swap3A_37] {strides = array<i32>} : memref<64x128xf32, #tpu.memory_space<vmem>>, vector<1x16xf32>,
      %swap3A_39 = vector.shape_cast %swap3A_38 : vector<1x16xf32> to vector<16xf32>
      %swap3A_40 = vector.shape_cast %broadcast_in_dim3A_1 : vector<16xf32> to vector<1x16xf32>
      tpu.vector_store %arg9[%swap3A, %swap3A_37], %swap3A_40 {strides = array<i32>} : memref<64x128xf32, #tpu.memory_space<vmem>>, vector<1x16xf32>,
      %swap3A_41 = arith.index_cast %scan3A_36 : i32 to index
      %swap3A_42 = arith.constant 16 : index
      %swap3A_43 = tpu.vector_load %arg9[%swap3A_41, %swap3A_42] {strides = array<i32>} : memref<64x128xf32, #tpu.memory_space<vmem>>, vector<1x16xf32>,
      %swap3A_44 = vector.shape_cast %swap3A_43 : vector<1x16xf32> to vector<16xf32>
      %swap3A_45 = vector.shape_cast %broadcast_in_dim3A_1 : vector<16xf32> to vector<1x16xf32>
      tpu.vector_store %arg9[%swap3A_41, %swap3A_42], %swap3A_45 {strides = array<i32>} : memref<64x128xf32, #tpu.memory_space<vmem>>, vector<1x16xf32>,
      %swap3A_46 = arith.index_cast %scan3A_36 : i32 to index
      %swap3A_47 = arith.constant 32 : index
      %swap3A_48 = tpu.vector_load %arg9[%swap3A_46, %swap3A_47] {strides = array<i32>} : memref<64x128xf32, #tpu.memory_space<vmem>>, vector<1x16xf32>,
      %swap3A_49 = vector.shape_cast %swap3A_48 : vector<1x16xf32> to vector<16xf32>
      %swap3A_50 = vector.shape_cast %broadcast_in_dim3A_1 : vector<16xf32> to vector<1x16xf32>
      tpu.vector_store %arg9[%swap3A_46, %swap3A_47], %swap3A_50 {strides = array<i32>} : memref<64x128xf32, #tpu.memory_space<vmem>>, vector<1x16xf32>,
      %swap3A_51 = arith.index_cast %scan3A_36 : i32 to index
      %swap3A_52 = arith.constant 48 : index
      %swap3A_53 = tpu.vector_load %arg9[%swap3A_51, %swap3A_52] {strides = array<i32>} : memref<64x128xf32, #tpu.memory_space<vmem>>, vector<1x16xf32>,
      %swap3A_54 = vector.shape_cast %swap3A_53 : vector<1x16xf32> to vector<16xf32>
      %swap3A_55 = vector.shape_cast %broadcast_in_dim3A_1 : vector<16xf32> to vector<1x16xf32>
      tpu.vector_store %arg9[%swap3A_51, %swap3A_52], %swap3A_55 {strides = array<i32>} : memref<64x128xf32, #tpu.memory_space<vmem>>, vector<1x16xf32>,
      %swap3A_56 = arith.index_cast %scan3A_36 : i32 to index
      %swap3A_57 = arith.constant 64 : index
      %swap3A_58 = tpu.vector_load %arg9[%swap3A_56, %swap3A_57] {strides = array<i32>} : memref<64x128xf32, #tpu.memory_space<vmem>>, vector<1x16xf32>,
      %swap3A_59 = vector.shape_cast %swap3A_58 : vector<1x16xf32> to vector<16xf32>
      %swap3A_60 = vector.shape_cast %broadcast_in_dim3A_1 : vector<16xf32> to vector<1x16xf32>
      tpu.vector_store %arg9[%swap3A_56, %swap3A_57], %swap3A_60 {strides = array<i32>} : memref<64x128xf32, #tpu.memory_space<vmem>>, vector<1x16xf32>,
      %swap3A_61 = arith.index_cast %scan3A_36 : i32 to index
      %swap3A_62 = arith.constant 80 : index
      %swap3A_63 = tpu.vector_load %arg9[%swap3A_61, %swap3A_62] {strides = array<i32>} : memref<64x128xf32, #tpu.memory_space<vmem>>, vector<1x16xf32>,
      %swap3A_64 = vector.shape_cast %swap3A_63 : vector<1x16xf32> to vector<16xf32>
      %swap3A_65 = vector.shape_cast %broadcast_in_dim3A_1 : vector<16xf32> to vector<1x16xf32>
      tpu.vector_store %arg9[%swap3A_61, %swap3A_62], %swap3A_65 {strides = array<i32>} : memref<64x128xf32, #tpu.memory_space<vmem>>, vector<1x16xf32>,
      %swap3A_66 = arith.index_cast %scan3A_36 : i32 to index
      %swap3A_67 = arith.constant 96 : index
      %swap3A_68 = tpu.vector_load %arg9[%swap3A_66, %swap3A_67] {strides = array<i32>} : memref<64x128xf32, #tpu.memory_space<vmem>>, vector<1x16xf32>,
      %swap3A_69 = vector.shape_cast %swap3A_68 : vector<1x16xf32> to vector<16xf32>
      %swap3A_70 = vector.shape_cast %broadcast_in_dim3A_1 : vector<16xf32> to vector<1x16xf32>
      tpu.vector_store %arg9[%swap3A_66, %swap3A_67], %swap3A_70 {strides = array<i32>} : memref<64x128xf32, #tpu.memory_space<vmem>>, vector<1x16xf32>,
      %swap3A_71 = arith.index_cast %scan3A_36 : i32 to index
      %swap3A_72 = arith.constant 112 : index
      %swap3A_73 = tpu.vector_load %arg9[%swap3A_71, %swap3A_72] {strides = array<i32>} : memref<64x128xf32, #tpu.memory_space<vmem>>, vector<1x16xf32>,
      %swap3A_74 = vector.shape_cast %swap3A_73 : vector<1x16xf32> to vector<16xf32>
      %swap3A_75 = vector.shape_cast %broadcast_in_dim3A_1 : vector<16xf32> to vector<1x16xf32>
      tpu.vector_store %arg9[%swap3A_71, %swap3A_72], %swap3A_75 {strides = array<i32>} : memref<64x128xf32, #tpu.memory_space<vmem>>, vector<1x16xf32>,
    }
    %scan3A_5 = arith.constant 64 : i32
    %mul3A_6 = arith.constant 640 : i32
    %mul3A_7 = arith.muli %arg1, %mul3A_6 : i32
    %add3A_8 = arith.constant 0 : i32
    %add3A_9 = arith.addi %mul3A_7, %add3A_8 : i32
    "tpu.region"() ({
      %run_scoped3A = tpu.sem_alloc : memref<!tpu.dma_semaphore, #tpu.memory_space<semaphore_mem>>
      %dma_start3A = arith.constant 0 : i32
      %dma_start3A_36 = tpu.memref_slice %arg10[%add3A_9, %dma_start3A] : memref<10240x128xf32, #tpu.memory_space<vmem_shared>> -> memref<64x128xf32, #tpu.memory_space<vmem_shared>>
      %dma_start3A_37 = arith.constant 0 : i32
      %dma_start3A_38 = tpu.memref_slice %arg10[%add3A_9, %dma_start3A_37] : memref<10240x128xf32, #tpu.memory_space<vmem_shared>> -> memref<64x128xf32, #tpu.memory_space<vmem_shared>>
      tpu.enqueue_dma source(%arg9 : memref<64x128xf32, #tpu.memory_space<vmem>>) target(%dma_start3A_38 : memref<64x128xf32, #tpu.memory_space<vmem_shared>>) target_semaphore(%run_scoped3A : memref<!tpu.dma_semaphore, #tpu.memory_space<semaphore_mem>>)
      %dma_wait3A = arith.constant 0 : i32
      %dma_wait3A_39 = tpu.memref_slice %arg10[%add3A_9, %dma_wait3A] : memref<10240x128xf32, #tpu.memory_space<vmem_shared>> -> memref<64x128xf32, #tpu.memory_space<vmem_shared>>
      %dma_wait3A_40 = arith.constant 0 : i32
      %dma_wait3A_41 = tpu.memref_slice %arg10[%add3A_9, %dma_wait3A_40] : memref<10240x128xf32, #tpu.memory_space<vmem_shared>> -> memref<64x128xf32, #tpu.memory_space<vmem_shared>>
      tpu.wait_dma2 semaphore(%run_scoped3A : memref<!tpu.dma_semaphore, #tpu.memory_space<semaphore_mem>>) src(%arg9 : memref<64x128xf32, #tpu.memory_space<vmem>>) dst(%dma_wait3A_41 : memref<64x128xf32, #tpu.memory_space<vmem_shared>>)
      tpu.yield
    }) : () -> ()
    %add3A_10 = arith.constant 64 : i32
    %add3A_11 = arith.addi %mul3A_7, %add3A_10 : i32
    "tpu.region"() ({
      %run_scoped3A = tpu.sem_alloc : memref<!tpu.dma_semaphore, #tpu.memory_space<semaphore_mem>>
      %dma_start3A = arith.constant 0 : i32
      %dma_start3A_36 = tpu.memref_slice %arg10[%add3A_11, %dma_start3A] : memref<10240x128xf32, #tpu.memory_space<vmem_shared>> -> memref<64x128xf32, #tpu.memory_space<vmem_shared>>
      %dma_start3A_37 = arith.constant 0 : i32
      %dma_start3A_38 = tpu.memref_slice %arg10[%add3A_11, %dma_start3A_37] : memref<10240x128xf32, #tpu.memory_space<vmem_shared>> -> memref<64x128xf32, #tpu.memory_space<vmem_shared>>
      tpu.enqueue_dma source(%arg9 : memref<64x128xf32, #tpu.memory_space<vmem>>) target(%dma_start3A_38 : memref<64x128xf32, #tpu.memory_space<vmem_shared>>) target_semaphore(%run_scoped3A : memref<!tpu.dma_semaphore, #tpu.memory_space<semaphore_mem>>)
      %dma_wait3A = arith.constant 0 : i32
      %dma_wait3A_39 = tpu.memref_slice %arg10[%add3A_11, %dma_wait3A] : memref<10240x128xf32, #tpu.memory_space<vmem_shared>> -> memref<64x128xf32, #tpu.memory_space<vmem_shared>>
      %dma_wait3A_40 = arith.constant 0 : i32
      %dma_wait3A_41 = tpu.memref_slice %arg10[%add3A_11, %dma_wait3A_40] : memref<10240x128xf32, #tpu.memory_space<vmem_shared>> -> memref<64x128xf32, #tpu.memory_space<vmem_shared>>
      tpu.wait_dma2 semaphore(%run_scoped3A : memref<!tpu.dma_semaphore, #tpu.memory_space<semaphore_mem>>) src(%arg9 : memref<64x128xf32, #tpu.memory_space<vmem>>) dst(%dma_wait3A_41 : memref<64x128xf32, #tpu.memory_space<vmem_shared>>)
      tpu.yield
    }) : () -> ()
    %add3A_12 = arith.constant 128 : i32
    %add3A_13 = arith.addi %mul3A_7, %add3A_12 : i32
    "tpu.region"() ({
      %run_scoped3A = tpu.sem_alloc : memref<!tpu.dma_semaphore, #tpu.memory_space<semaphore_mem>>
      %dma_start3A = arith.constant 0 : i32
      %dma_start3A_36 = tpu.memref_slice %arg10[%add3A_13, %dma_start3A] : memref<10240x128xf32, #tpu.memory_space<vmem_shared>> -> memref<64x128xf32, #tpu.memory_space<vmem_shared>>
      %dma_start3A_37 = arith.constant 0 : i32
      %dma_start3A_38 = tpu.memref_slice %arg10[%add3A_13, %dma_start3A_37] : memref<10240x128xf32, #tpu.memory_space<vmem_shared>> -> memref<64x128xf32, #tpu.memory_space<vmem_shared>>
      tpu.enqueue_dma source(%arg9 : memref<64x128xf32, #tpu.memory_space<vmem>>) target(%dma_start3A_38 : memref<64x128xf32, #tpu.memory_space<vmem_shared>>) target_semaphore(%run_scoped3A : memref<!tpu.dma_semaphore, #tpu.memory_space<semaphore_mem>>)
      %dma_wait3A = arith.constant 0 : i32
      %dma_wait3A_39 = tpu.memref_slice %arg10[%add3A_13, %dma_wait3A] : memref<10240x128xf32, #tpu.memory_space<vmem_shared>> -> memref<64x128xf32, #tpu.memory_space<vmem_shared>>
      %dma_wait3A_40 = arith.constant 0 : i32
      %dma_wait3A_41 = tpu.memref_slice %arg10[%add3A_13, %dma_wait3A_40] : memref<10240x128xf32, #tpu.memory_space<vmem_shared>> -> memref<64x128xf32, #tpu.memory_space<vmem_shared>>
      tpu.wait_dma2 semaphore(%run_scoped3A : memref<!tpu.dma_semaphore, #tpu.memory_space<semaphore_mem>>) src(%arg9 : memref<64x128xf32, #tpu.memory_space<vmem>>) dst(%dma_wait3A_41 : memref<64x128xf32, #tpu.memory_space<vmem_shared>>)
      tpu.yield
    }) : () -> ()
    %add3A_14 = arith.constant 192 : i32
    %add3A_15 = arith.addi %mul3A_7, %add3A_14 : i32
    "tpu.region"() ({
      %run_scoped3A = tpu.sem_alloc : memref<!tpu.dma_semaphore, #tpu.memory_space<semaphore_mem>>
      %dma_start3A = arith.constant 0 : i32
      %dma_start3A_36 = tpu.memref_slice %arg10[%add3A_15, %dma_start3A] : memref<10240x128xf32, #tpu.memory_space<vmem_shared>> -> memref<64x128xf32, #tpu.memory_space<vmem_shared>>
      %dma_start3A_37 = arith.constant 0 : i32
      %dma_start3A_38 = tpu.memref_slice %arg10[%add3A_15, %dma_start3A_37] : memref<10240x128xf32, #tpu.memory_space<vmem_shared>> -> memref<64x128xf32, #tpu.memory_space<vmem_shared>>
      tpu.enqueue_dma source(%arg9 : memref<64x128xf32, #tpu.memory_space<vmem>>) target(%dma_start3A_38 : memref<64x128xf32, #tpu.memory_space<vmem_shared>>) target_semaphore(%run_scoped3A : memref<!tpu.dma_semaphore, #tpu.memory_space<semaphore_mem>>)
      %dma_wait3A = arith.constant 0 : i32
      %dma_wait3A_39 = tpu.memref_slice %arg10[%add3A_15, %dma_wait3A] : memref<10240x128xf32, #tpu.memory_space<vmem_shared>> -> memref<64x128xf32, #tpu.memory_space<vmem_shared>>
      %dma_wait3A_40 = arith.constant 0 : i32
      %dma_wait3A_41 = tpu.memref_slice %arg10[%add3A_15, %dma_wait3A_40] : memref<10240x128xf32, #tpu.memory_space<vmem_shared>> -> memref<64x128xf32, #tpu.memory_space<vmem_shared>>
      tpu.wait_dma2 semaphore(%run_scoped3A : memref<!tpu.dma_semaphore, #tpu.memory_space<semaphore_mem>>) src(%arg9 : memref<64x128xf32, #tpu.memory_space<vmem>>) dst(%dma_wait3A_41 : memref<64x128xf32, #tpu.memory_space<vmem_shared>>)
      tpu.yield
    }) : () -> ()
    %add3A_16 = arith.constant 256 : i32
    %add3A_17 = arith.addi %mul3A_7, %add3A_16 : i32
    "tpu.region"() ({
      %run_scoped3A = tpu.sem_alloc : memref<!tpu.dma_semaphore, #tpu.memory_space<semaphore_mem>>
      %dma_start3A = arith.constant 0 : i32
      %dma_start3A_36 = tpu.memref_slice %arg10[%add3A_17, %dma_start3A] : memref<10240x128xf32, #tpu.memory_space<vmem_shared>> -> memref<64x128xf32, #tpu.memory_space<vmem_shared>>
      %dma_start3A_37 = arith.constant 0 : i32
      %dma_start3A_38 = tpu.memref_slice %arg10[%add3A_17, %dma_start3A_37] : memref<10240x128xf32, #tpu.memory_space<vmem_shared>> -> memref<64x128xf32, #tpu.memory_space<vmem_shared>>
      tpu.enqueue_dma source(%arg9 : memref<64x128xf32, #tpu.memory_space<vmem>>) target(%dma_start3A_38 : memref<64x128xf32, #tpu.memory_space<vmem_shared>>) target_semaphore(%run_scoped3A : memref<!tpu.dma_semaphore, #tpu.memory_space<semaphore_mem>>)
      %dma_wait3A = arith.constant 0 : i32
      %dma_wait3A_39 = tpu.memref_slice %arg10[%add3A_17, %dma_wait3A] : memref<10240x128xf32, #tpu.memory_space<vmem_shared>> -> memref<64x128xf32, #tpu.memory_space<vmem_shared>>
      %dma_wait3A_40 = arith.constant 0 : i32
      %dma_wait3A_41 = tpu.memref_slice %arg10[%add3A_17, %dma_wait3A_40] : memref<10240x128xf32, #tpu.memory_space<vmem_shared>> -> memref<64x128xf32, #tpu.memory_space<vmem_shared>>
      tpu.wait_dma2 semaphore(%run_scoped3A : memref<!tpu.dma_semaphore, #tpu.memory_space<semaphore_mem>>) src(%arg9 : memref<64x128xf32, #tpu.memory_space<vmem>>) dst(%dma_wait3A_41 : memref<64x128xf32, #tpu.memory_space<vmem_shared>>)
      tpu.yield
    }) : () -> ()
    %add3A_18 = arith.constant 320 : i32
    %add3A_19 = arith.addi %mul3A_7, %add3A_18 : i32
    "tpu.region"() ({
      %run_scoped3A = tpu.sem_alloc : memref<!tpu.dma_semaphore, #tpu.memory_space<semaphore_mem>>
      %dma_start3A = arith.constant 0 : i32
      %dma_start3A_36 = tpu.memref_slice %arg10[%add3A_19, %dma_start3A] : memref<10240x128xf32, #tpu.memory_space<vmem_shared>> -> memref<64x128xf32, #tpu.memory_space<vmem_shared>>
      %dma_start3A_37 = arith.constant 0 : i32
      %dma_start3A_38 = tpu.memref_slice %arg10[%add3A_19, %dma_start3A_37] : memref<10240x128xf32, #tpu.memory_space<vmem_shared>> -> memref<64x128xf32, #tpu.memory_space<vmem_shared>>
      tpu.enqueue_dma source(%arg9 : memref<64x128xf32, #tpu.memory_space<vmem>>) target(%dma_start3A_38 : memref<64x128xf32, #tpu.memory_space<vmem_shared>>) target_semaphore(%run_scoped3A : memref<!tpu.dma_semaphore, #tpu.memory_space<semaphore_mem>>)
      %dma_wait3A = arith.constant 0 : i32
      %dma_wait3A_39 = tpu.memref_slice %arg10[%add3A_19, %dma_wait3A] : memref<10240x128xf32, #tpu.memory_space<vmem_shared>> -> memref<64x128xf32, #tpu.memory_space<vmem_shared>>
      %dma_wait3A_40 = arith.constant 0 : i32
      %dma_wait3A_41 = tpu.memref_slice %arg10[%add3A_19, %dma_wait3A_40] : memref<10240x128xf32, #tpu.memory_space<vmem_shared>> -> memref<64x128xf32, #tpu.memory_space<vmem_shared>>
      tpu.wait_dma2 semaphore(%run_scoped3A : memref<!tpu.dma_semaphore, #tpu.memory_space<semaphore_mem>>) src(%arg9 : memref<64x128xf32, #tpu.memory_space<vmem>>) dst(%dma_wait3A_41 : memref<64x128xf32, #tpu.memory_space<vmem_shared>>)
      tpu.yield
    }) : () -> ()
    %add3A_20 = arith.constant 384 : i32
    %add3A_21 = arith.addi %mul3A_7, %add3A_20 : i32
    "tpu.region"() ({
      %run_scoped3A = tpu.sem_alloc : memref<!tpu.dma_semaphore, #tpu.memory_space<semaphore_mem>>
      %dma_start3A = arith.constant 0 : i32
      %dma_start3A_36 = tpu.memref_slice %arg10[%add3A_21, %dma_start3A] : memref<10240x128xf32, #tpu.memory_space<vmem_shared>> -> memref<64x128xf32, #tpu.memory_space<vmem_shared>>
      %dma_start3A_37 = arith.constant 0 : i32
      %dma_start3A_38 = tpu.memref_slice %arg10[%add3A_21, %dma_start3A_37] : memref<10240x128xf32, #tpu.memory_space<vmem_shared>> -> memref<64x128xf32, #tpu.memory_space<vmem_shared>>
      tpu.enqueue_dma source(%arg9 : memref<64x128xf32, #tpu.memory_space<vmem>>) target(%dma_start3A_38 : memref<64x128xf32, #tpu.memory_space<vmem_shared>>) target_semaphore(%run_scoped3A : memref<!tpu.dma_semaphore, #tpu.memory_space<semaphore_mem>>)
      %dma_wait3A = arith.constant 0 : i32
      %dma_wait3A_39 = tpu.memref_slice %arg10[%add3A_21, %dma_wait3A] : memref<10240x128xf32, #tpu.memory_space<vmem_shared>> -> memref<64x128xf32, #tpu.memory_space<vmem_shared>>
      %dma_wait3A_40 = arith.constant 0 : i32
      %dma_wait3A_41 = tpu.memref_slice %arg10[%add3A_21, %dma_wait3A_40] : memref<10240x128xf32, #tpu.memory_space<vmem_shared>> -> memref<64x128xf32, #tpu.memory_space<vmem_shared>>
      tpu.wait_dma2 semaphore(%run_scoped3A : memref<!tpu.dma_semaphore, #tpu.memory_space<semaphore_mem>>) src(%arg9 : memref<64x128xf32, #tpu.memory_space<vmem>>) dst(%dma_wait3A_41 : memref<64x128xf32, #tpu.memory_space<vmem_shared>>)
      tpu.yield
    }) : () -> ()
    %add3A_22 = arith.constant 448 : i32
    %add3A_23 = arith.addi %mul3A_7, %add3A_22 : i32
    "tpu.region"() ({
      %run_scoped3A = tpu.sem_alloc : memref<!tpu.dma_semaphore, #tpu.memory_space<semaphore_mem>>
      %dma_start3A = arith.constant 0 : i32
      %dma_start3A_36 = tpu.memref_slice %arg10[%add3A_23, %dma_start3A] : memref<10240x128xf32, #tpu.memory_space<vmem_shared>> -> memref<64x128xf32, #tpu.memory_space<vmem_shared>>
      %dma_start3A_37 = arith.constant 0 : i32
      %dma_start3A_38 = tpu.memref_slice %arg10[%add3A_23, %dma_start3A_37] : memref<10240x128xf32, #tpu.memory_space<vmem_shared>> -> memref<64x128xf32, #tpu.memory_space<vmem_shared>>
      tpu.enqueue_dma source(%arg9 : memref<64x128xf32, #tpu.memory_space<vmem>>) target(%dma_start3A_38 : memref<64x128xf32, #tpu.memory_space<vmem_shared>>) target_semaphore(%run_scoped3A : memref<!tpu.dma_semaphore, #tpu.memory_space<semaphore_mem>>)
      %dma_wait3A = arith.constant 0 : i32
      %dma_wait3A_39 = tpu.memref_slice %arg10[%add3A_23, %dma_wait3A] : memref<10240x128xf32, #tpu.memory_space<vmem_shared>> -> memref<64x128xf32, #tpu.memory_space<vmem_shared>>
      %dma_wait3A_40 = arith.constant 0 : i32
      %dma_wait3A_41 = tpu.memref_slice %arg10[%add3A_23, %dma_wait3A_40] : memref<10240x128xf32, #tpu.memory_space<vmem_shared>> -> memref<64x128xf32, #tpu.memory_space<vmem_shared>>
      tpu.wait_dma2 semaphore(%run_scoped3A : memref<!tpu.dma_semaphore, #tpu.memory_space<semaphore_mem>>) src(%arg9 : memref<64x128xf32, #tpu.memory_space<vmem>>) dst(%dma_wait3A_41 : memref<64x128xf32, #tpu.memory_space<vmem_shared>>)
      tpu.yield
    }) : () -> ()
    %add3A_24 = arith.constant 512 : i32
    %add3A_25 = arith.addi %mul3A_7, %add3A_24 : i32
    "tpu.region"() ({
      %run_scoped3A = tpu.sem_alloc : memref<!tpu.dma_semaphore, #tpu.memory_space<semaphore_mem>>
      %dma_start3A = arith.constant 0 : i32
      %dma_start3A_36 = tpu.memref_slice %arg10[%add3A_25, %dma_start3A] : memref<10240x128xf32, #tpu.memory_space<vmem_shared>> -> memref<64x128xf32, #tpu.memory_space<vmem_shared>>
      %dma_start3A_37 = arith.constant 0 : i32
      %dma_start3A_38 = tpu.memref_slice %arg10[%add3A_25, %dma_start3A_37] : memref<10240x128xf32, #tpu.memory_space<vmem_shared>> -> memref<64x128xf32, #tpu.memory_space<vmem_shared>>
      tpu.enqueue_dma source(%arg9 : memref<64x128xf32, #tpu.memory_space<vmem>>) target(%dma_start3A_38 : memref<64x128xf32, #tpu.memory_space<vmem_shared>>) target_semaphore(%run_scoped3A : memref<!tpu.dma_semaphore, #tpu.memory_space<semaphore_mem>>)
      %dma_wait3A = arith.constant 0 : i32
      %dma_wait3A_39 = tpu.memref_slice %arg10[%add3A_25, %dma_wait3A] : memref<10240x128xf32, #tpu.memory_space<vmem_shared>> -> memref<64x128xf32, #tpu.memory_space<vmem_shared>>
      %dma_wait3A_40 = arith.constant 0 : i32
      %dma_wait3A_41 = tpu.memref_slice %arg10[%add3A_25, %dma_wait3A_40] : memref<10240x128xf32, #tpu.memory_space<vmem_shared>> -> memref<64x128xf32, #tpu.memory_space<vmem_shared>>
      tpu.wait_dma2 semaphore(%run_scoped3A : memref<!tpu.dma_semaphore, #tpu.memory_space<semaphore_mem>>) src(%arg9 : memref<64x128xf32, #tpu.memory_space<vmem>>) dst(%dma_wait3A_41 : memref<64x128xf32, #tpu.memory_space<vmem_shared>>)
      tpu.yield
    }) : () -> ()
    %add3A_26 = arith.constant 576 : i32
    %add3A_27 = arith.addi %mul3A_7, %add3A_26 : i32
    "tpu.region"() ({
      %run_scoped3A = tpu.sem_alloc : memref<!tpu.dma_semaphore, #tpu.memory_space<semaphore_mem>>
      %dma_start3A = arith.constant 0 : i32
      %dma_start3A_36 = tpu.memref_slice %arg10[%add3A_27, %dma_start3A] : memref<10240x128xf32, #tpu.memory_space<vmem_shared>> -> memref<64x128xf32, #tpu.memory_space<vmem_shared>>
      %dma_start3A_37 = arith.constant 0 : i32
      %dma_start3A_38 = tpu.memref_slice %arg10[%add3A_27, %dma_start3A_37] : memref<10240x128xf32, #tpu.memory_space<vmem_shared>> -> memref<64x128xf32, #tpu.memory_space<vmem_shared>>
      tpu.enqueue_dma source(%arg9 : memref<64x128xf32, #tpu.memory_space<vmem>>) target(%dma_start3A_38 : memref<64x128xf32, #tpu.memory_space<vmem_shared>>) target_semaphore(%run_scoped3A : memref<!tpu.dma_semaphore, #tpu.memory_space<semaphore_mem>>)
      %dma_wait3A = arith.constant 0 : i32
      %dma_wait3A_39 = tpu.memref_slice %arg10[%add3A_27, %dma_wait3A] : memref<10240x128xf32, #tpu.memory_space<vmem_shared>> -> memref<64x128xf32, #tpu.memory_space<vmem_shared>>
      %dma_wait3A_40 = arith.constant 0 : i32
      %dma_wait3A_41 = tpu.memref_slice %arg10[%add3A_27, %dma_wait3A_40] : memref<10240x128xf32, #tpu.memory_space<vmem_shared>> -> memref<64x128xf32, #tpu.memory_space<vmem_shared>>
      tpu.wait_dma2 semaphore(%run_scoped3A : memref<!tpu.dma_semaphore, #tpu.memory_space<semaphore_mem>>) src(%arg9 : memref<64x128xf32, #tpu.memory_space<vmem>>) dst(%dma_wait3A_41 : memref<64x128xf32, #tpu.memory_space<vmem_shared>>)
      tpu.yield
    }) : () -> ()
    %barrier3A = arith.constant 0 : index
    tpu.barrier barrier_id(%barrier3A)
    %mul3A_28 = arith.constant 10112 : i32
    %mul3A_29 = arith.muli %add3A, %mul3A_28 : i32
    %scan3A_30 = arith.constant 0 : i32
    %scan3A_31 = arith.constant 79 : i32
    %scan3A_32 = arith.addi %scan3A_30, %scan3A_31 : i32
    %scan3A_33 = arith.constant 1 : i32
    scf.for %scan3A_36 = %scan3A_30 to %scan3A_32 step %scan3A_33  : i32 {
      %mul3A_37 = arith.constant 128 : i32
      %mul3A_38 = arith.muli %scan3A_36, %mul3A_37 : i32
      %add3A_39 = arith.addi %mul3A_29, %mul3A_38 : i32
      "tpu.region"() ({
        %run_scoped3A = tpu.sem_alloc : memref<!tpu.dma_semaphore, #tpu.memory_space<semaphore_mem>>
        %dma_start3A_44 = tpu.memref_slice %arg3[%add3A_39] : memref<323584xi32, #tpu.memory_space<hbm>> -> memref<128xi32, #tpu.memory_space<hbm>>
        %dma_start3A_45 = tpu.memref_slice %arg3[%add3A_39] : memref<323584xi32, #tpu.memory_space<hbm>> -> memref<128xi32, #tpu.memory_space<hbm>>
        tpu.enqueue_dma source(%dma_start3A_45 : memref<128xi32, #tpu.memory_space<hbm>>) target(%arg6 : memref<128xi32, #tpu.memory_space<vmem>>) target_semaphore(%run_scoped3A : memref<!tpu.dma_semaphore, #tpu.memory_space<semaphore_mem>>)
        %dma_wait3A_46 = tpu.memref_slice %arg3[%add3A_39] : memref<323584xi32, #tpu.memory_space<hbm>> -> memref<128xi32, #tpu.memory_space<hbm>>
        %dma_wait3A_47 = tpu.memref_slice %arg3[%add3A_39] : memref<323584xi32, #tpu.memory_space<hbm>> -> memref<128xi32, #tpu.memory_space<hbm>>
        tpu.wait_dma2 semaphore(%run_scoped3A : memref<!tpu.dma_semaphore, #tpu.memory_space<semaphore_mem>>) src(%dma_wait3A_47 : memref<128xi32, #tpu.memory_space<hbm>>) dst(%arg6 : memref<128xi32, #tpu.memory_space<vmem>>)
        tpu.yield
      }) : () -> ()
      "tpu.region"() ({
        %run_scoped3A = tpu.sem_alloc : memref<!tpu.dma_semaphore, #tpu.memory_space<semaphore_mem>>
        %dma_start3A_44 = tpu.memref_slice %arg4[%add3A_39] : memref<323584xi32, #tpu.memory_space<hbm>> -> memref<128xi32, #tpu.memory_space<hbm>>
        %dma_start3A_45 = tpu.memref_slice %arg4[%add3A_39] : memref<323584xi32, #tpu.memory_space<hbm>> -> memref<128xi32, #tpu.memory_space<hbm>>
        tpu.enqueue_dma source(%dma_start3A_45 : memref<128xi32, #tpu.memory_space<hbm>>) target(%arg7 : memref<128xi32, #tpu.memory_space<vmem>>) target_semaphore(%run_scoped3A : memref<!tpu.dma_semaphore, #tpu.memory_space<semaphore_mem>>)
        %dma_wait3A_46 = tpu.memref_slice %arg4[%add3A_39] : memref<323584xi32, #tpu.memory_space<hbm>> -> memref<128xi32, #tpu.memory_space<hbm>>
        %dma_wait3A_47 = tpu.memref_slice %arg4[%add3A_39] : memref<323584xi32, #tpu.memory_space<hbm>> -> memref<128xi32, #tpu.memory_space<hbm>>
        tpu.wait_dma2 semaphore(%run_scoped3A : memref<!tpu.dma_semaphore, #tpu.memory_space<semaphore_mem>>) src(%dma_wait3A_47 : memref<128xi32, #tpu.memory_space<hbm>>) dst(%arg7 : memref<128xi32, #tpu.memory_space<vmem>>)
        tpu.yield
      }) : () -> ()
      %dma_start3A = arith.constant 0 : i32
      %dma_start3A_40 = arith.constant 0 : i32
      %dma_start3A_41 = tpu.memref_slice %arg2[%dma_start3A, %dma_start3A_40] : memref<10000x128xf32, #tpu.memory_space<hbm>> -> memref<10000x128xf32, #tpu.memory_space<hbm>>
      tpu.enqueue_indirect_dma source(%dma_start3A_41 : memref<10000x128xf32, #tpu.memory_space<hbm>>) target(%arg8 : memref<128x128xf32, #tpu.memory_space<vmem>>) offsets(%arg6 : memref<128xi32, #tpu.memory_space<vmem>>) semaphore(%arg11 : memref<!tpu.dma_semaphore, #tpu.memory_space<semaphore_mem>>)
      %dma_wait3A = arith.constant 0 : i32
      %dma_wait3A_42 = arith.constant 0 : i32
      %dma_wait3A_43 = tpu.memref_slice %arg2[%dma_wait3A, %dma_wait3A_42] : memref<10000x128xf32, #tpu.memory_space<hbm>> -> memref<10000x128xf32, #tpu.memory_space<hbm>>
      tpu.wait_indirect_dma semaphore(%arg11 : memref<!tpu.dma_semaphore, #tpu.memory_space<semaphore_mem>>) src(%dma_wait3A_43 : memref<10000x128xf32, #tpu.memory_space<hbm>>) dst(%arg8 : memref<128x128xf32, #tpu.memory_space<vmem>>)
      "tpu.region"() ({
        %run_scoped3A = tpu.sem_alloc : memref<!tpu.dma_semaphore, #tpu.memory_space<semaphore_mem>>
        %dma_start3A_44 = arith.constant 0 : i32
        %dma_start3A_45 = arith.constant 0 : i32
        %dma_start3A_46 = tpu.memref_slice %arg10[%dma_start3A_44, %dma_start3A_45] : memref<10240x128xf32, #tpu.memory_space<vmem_shared>> -> memref<10240x128xf32, #tpu.memory_space<vmem_shared>>
        tpu.enqueue_indirect_dma source(%arg8 : memref<128x128xf32, #tpu.memory_space<vmem>>) target(%dma_start3A_46 : memref<10240x128xf32, #tpu.memory_space<vmem_shared>>) offsets(%arg7 : memref<128xi32, #tpu.memory_space<vmem>>) semaphore(%run_scoped3A : memref<!tpu.dma_semaphore, #tpu.memory_space<semaphore_mem>>) {add = true}
        %dma_wait3A_47 = arith.constant 0 : i32
        %dma_wait3A_48 = arith.constant 0 : i32
        %dma_wait3A_49 = tpu.memref_slice %arg10[%dma_wait3A_47, %dma_wait3A_48] : memref<10240x128xf32, #tpu.memory_space<vmem_shared>> -> memref<10240x128xf32, #tpu.memory_space<vmem_shared>>
        tpu.wait_indirect_dma semaphore(%run_scoped3A : memref<!tpu.dma_semaphore, #tpu.memory_space<semaphore_mem>>) src(%arg8 : memref<128x128xf32, #tpu.memory_space<vmem>>) dst(%dma_wait3A_49 : memref<10240x128xf32, #tpu.memory_space<vmem_shared>>)
        tpu.yield
      }) : () -> ()
    }
    %scan3A_34 = arith.constant 79 : i32
    %barrier3A_35 = arith.constant 0 : index
    tpu.barrier barrier_id(%barrier3A_35)
    "tpu.region"() ({
      %run_scoped3A = tpu.sem_alloc : memref<!tpu.dma_semaphore, #tpu.memory_space<semaphore_mem>>
      %dma_start3A = arith.constant 0 : i32
      %dma_start3A_36 = arith.constant 0 : i32
      %dma_start3A_37 = tpu.memref_slice %arg5[%arg0, %dma_start3A, %dma_start3A_36] : memref<2x10240x128xf32, #tpu.memory_space<hbm>> -> memref<1x10240x128xf32, #tpu.memory_space<hbm>>
      %dma_start3A_38 = tpu.memref_squeeze %dma_start3A_37 : memref<1x10240x128xf32, #tpu.memory_space<hbm>> -> memref<10240x128xf32, #tpu.memory_space<hbm>>
      %dma_start3A_39 = arith.constant 0 : i32
      %dma_start3A_40 = tpu.memref_slice %dma_start3A_38[%mul3A_7, %dma_start3A_39] : memref<10240x128xf32, #tpu.memory_space<hbm>> -> memref<640x128xf32, #tpu.memory_space<hbm>>
      %dma_start3A_41 = arith.constant 0 : i32
      %dma_start3A_42 = tpu.memref_slice %arg10[%mul3A_7, %dma_start3A_41] : memref<10240x128xf32, #tpu.memory_space<vmem_shared>> -> memref<640x128xf32, #tpu.memory_space<vmem_shared>>
      tpu.enqueue_dma source(%dma_start3A_42 : memref<640x128xf32, #tpu.memory_space<vmem_shared>>) target(%dma_start3A_40 : memref<640x128xf32, #tpu.memory_space<hbm>>) target_semaphore(%run_scoped3A : memref<!tpu.dma_semaphore, #tpu.memory_space<semaphore_mem>>)
      %dma_wait3A = arith.constant 0 : i32
      %dma_wait3A_43 = arith.constant 0 : i32
      %dma_wait3A_44 = tpu.memref_slice %arg5[%arg0, %dma_wait3A, %dma_wait3A_43] : memref<2x10240x128xf32, #tpu.memory_space<hbm>> -> memref<1x10240x128xf32, #tpu.memory_space<hbm>>
      %dma_wait3A_45 = tpu.memref_squeeze %dma_wait3A_44 : memref<1x10240x128xf32, #tpu.memory_space<hbm>> -> memref<10240x128xf32, #tpu.memory_space<hbm>>
      %dma_wait3A_46 = arith.constant 0 : i32
      %dma_wait3A_47 = tpu.memref_slice %dma_wait3A_45[%mul3A_7, %dma_wait3A_46] : memref<10240x128xf32, #tpu.memory_space<hbm>> -> memref<640x128xf32, #tpu.memory_space<hbm>>
      %dma_wait3A_48 = arith.constant 0 : i32
      %dma_wait3A_49 = tpu.memref_slice %arg10[%mul3A_7, %dma_wait3A_48] : memref<10240x128xf32, #tpu.memory_space<vmem_shared>> -> memref<640x128xf32, #tpu.memory_space<vmem_shared>>
      tpu.wait_dma2 semaphore(%run_scoped3A : memref<!tpu.dma_semaphore, #tpu.memory_space<semaphore_mem>>) src(%dma_wait3A_49 : memref<640x128xf32, #tpu.memory_space<vmem_shared>>) dst(%dma_wait3A_47 : memref<640x128xf32, #tpu.memory_space<hbm>>)
      tpu.yield
    }) : () -> ()
    return
  }
}

#map = affine_map<(d0, d1) -> (0, 0)>
#map1 = affine_map<(d0, d1) -> (0)>
#map2 = affine_map<(d0, d1) -> (0, 0, 0)>
module attributes {stable_mosaic.version = 14 : i64} {
  func.func @seg_sum(%arg0: i32, %arg1: i32, %arg2: memref<10000x128xf32, #tpu.memory_space<hbm>>, %arg3: memref<10240xi32, #tpu.memory_space<hbm>>, %arg4: memref<10240xi32, #tpu.memory_space<hbm>>, %arg5: memref<2x128x128xf32, #tpu.memory_space<hbm>>, %arg6: memref<64xi32, #tpu.memory_space<vmem>>, %arg7: memref<64xi32, #tpu.memory_space<vmem>>, %arg8: memref<64x128xf32, #tpu.memory_space<vmem>>, %arg9: memref<8x128xf32, #tpu.memory_space<vmem>>, %arg10: memref<128x128xf32, #tpu.memory_space<vmem_shared>>, %arg11: memref<!tpu.dma_semaphore, #tpu.memory_space<semaphore_mem>>) attributes {dimension_semantics = [#tpu.dimension_semantics<core_parallel>, #tpu.dimension_semantics<subcore_parallel>], iteration_bounds = array<i64: 2, 16>, scalar_prefetch = 0 : i64, scratch_operands = 6 : i64, tpu.core_type = #tpu.core_type<sc_vector_subcore>, window_params = [{transform_indices = #map}, {transform_indices = #map1}, {transform_indices = #map1}, {transform_indices = #map2}]} {
    %mul3A = arith.constant 2 : i32
    %mul3A_0 = arith.muli %arg1, %mul3A : i32
    %add3A = arith.addi %mul3A_0, %arg0 : i32
    %broadcast_in_dim3A = arith.constant 0.000000e+00 : f32
    %broadcast_in_dim3A_1 = vector.broadcast %broadcast_in_dim3A : f32 to vector<16xf32>
    %scan3A = arith.constant 0 : i32
    %scan3A_2 = arith.constant 8 : i32
    %scan3A_3 = arith.addi %scan3A, %scan3A_2 : i32
    %scan3A_4 = arith.constant 1 : i32
    scf.for %scan3A_18 = %scan3A to %scan3A_3 step %scan3A_4  : i32 {
      %swap3A = arith.index_cast %scan3A_18 : i32 to index
      %swap3A_19 = arith.constant 0 : index
      %swap3A_20 = tpu.vector_load %arg9[%swap3A, %swap3A_19] {strides = array<i32>} : memref<8x128xf32, #tpu.memory_space<vmem>>, vector<1x16xf32>,
      %swap3A_21 = vector.shape_cast %swap3A_20 : vector<1x16xf32> to vector<16xf32>
      %swap3A_22 = vector.shape_cast %broadcast_in_dim3A_1 : vector<16xf32> to vector<1x16xf32>
      tpu.vector_store %arg9[%swap3A, %swap3A_19], %swap3A_22 {strides = array<i32>} : memref<8x128xf32, #tpu.memory_space<vmem>>, vector<1x16xf32>,
      %swap3A_23 = arith.index_cast %scan3A_18 : i32 to index
      %swap3A_24 = arith.constant 16 : index
      %swap3A_25 = tpu.vector_load %arg9[%swap3A_23, %swap3A_24] {strides = array<i32>} : memref<8x128xf32, #tpu.memory_space<vmem>>, vector<1x16xf32>,
      %swap3A_26 = vector.shape_cast %swap3A_25 : vector<1x16xf32> to vector<16xf32>
      %swap3A_27 = vector.shape_cast %broadcast_in_dim3A_1 : vector<16xf32> to vector<1x16xf32>
      tpu.vector_store %arg9[%swap3A_23, %swap3A_24], %swap3A_27 {strides = array<i32>} : memref<8x128xf32, #tpu.memory_space<vmem>>, vector<1x16xf32>,
      %swap3A_28 = arith.index_cast %scan3A_18 : i32 to index
      %swap3A_29 = arith.constant 32 : index
      %swap3A_30 = tpu.vector_load %arg9[%swap3A_28, %swap3A_29] {strides = array<i32>} : memref<8x128xf32, #tpu.memory_space<vmem>>, vector<1x16xf32>,
      %swap3A_31 = vector.shape_cast %swap3A_30 : vector<1x16xf32> to vector<16xf32>
      %swap3A_32 = vector.shape_cast %broadcast_in_dim3A_1 : vector<16xf32> to vector<1x16xf32>
      tpu.vector_store %arg9[%swap3A_28, %swap3A_29], %swap3A_32 {strides = array<i32>} : memref<8x128xf32, #tpu.memory_space<vmem>>, vector<1x16xf32>,
      %swap3A_33 = arith.index_cast %scan3A_18 : i32 to index
      %swap3A_34 = arith.constant 48 : index
      %swap3A_35 = tpu.vector_load %arg9[%swap3A_33, %swap3A_34] {strides = array<i32>} : memref<8x128xf32, #tpu.memory_space<vmem>>, vector<1x16xf32>,
      %swap3A_36 = vector.shape_cast %swap3A_35 : vector<1x16xf32> to vector<16xf32>
      %swap3A_37 = vector.shape_cast %broadcast_in_dim3A_1 : vector<16xf32> to vector<1x16xf32>
      tpu.vector_store %arg9[%swap3A_33, %swap3A_34], %swap3A_37 {strides = array<i32>} : memref<8x128xf32, #tpu.memory_space<vmem>>, vector<1x16xf32>,
      %swap3A_38 = arith.index_cast %scan3A_18 : i32 to index
      %swap3A_39 = arith.constant 64 : index
      %swap3A_40 = tpu.vector_load %arg9[%swap3A_38, %swap3A_39] {strides = array<i32>} : memref<8x128xf32, #tpu.memory_space<vmem>>, vector<1x16xf32>,
      %swap3A_41 = vector.shape_cast %swap3A_40 : vector<1x16xf32> to vector<16xf32>
      %swap3A_42 = vector.shape_cast %broadcast_in_dim3A_1 : vector<16xf32> to vector<1x16xf32>
      tpu.vector_store %arg9[%swap3A_38, %swap3A_39], %swap3A_42 {strides = array<i32>} : memref<8x128xf32, #tpu.memory_space<vmem>>, vector<1x16xf32>,
      %swap3A_43 = arith.index_cast %scan3A_18 : i32 to index
      %swap3A_44 = arith.constant 80 : index
      %swap3A_45 = tpu.vector_load %arg9[%swap3A_43, %swap3A_44] {strides = array<i32>} : memref<8x128xf32, #tpu.memory_space<vmem>>, vector<1x16xf32>,
      %swap3A_46 = vector.shape_cast %swap3A_45 : vector<1x16xf32> to vector<16xf32>
      %swap3A_47 = vector.shape_cast %broadcast_in_dim3A_1 : vector<16xf32> to vector<1x16xf32>
      tpu.vector_store %arg9[%swap3A_43, %swap3A_44], %swap3A_47 {strides = array<i32>} : memref<8x128xf32, #tpu.memory_space<vmem>>, vector<1x16xf32>,
      %swap3A_48 = arith.index_cast %scan3A_18 : i32 to index
      %swap3A_49 = arith.constant 96 : index
      %swap3A_50 = tpu.vector_load %arg9[%swap3A_48, %swap3A_49] {strides = array<i32>} : memref<8x128xf32, #tpu.memory_space<vmem>>, vector<1x16xf32>,
      %swap3A_51 = vector.shape_cast %swap3A_50 : vector<1x16xf32> to vector<16xf32>
      %swap3A_52 = vector.shape_cast %broadcast_in_dim3A_1 : vector<16xf32> to vector<1x16xf32>
      tpu.vector_store %arg9[%swap3A_48, %swap3A_49], %swap3A_52 {strides = array<i32>} : memref<8x128xf32, #tpu.memory_space<vmem>>, vector<1x16xf32>,
      %swap3A_53 = arith.index_cast %scan3A_18 : i32 to index
      %swap3A_54 = arith.constant 112 : index
      %swap3A_55 = tpu.vector_load %arg9[%swap3A_53, %swap3A_54] {strides = array<i32>} : memref<8x128xf32, #tpu.memory_space<vmem>>, vector<1x16xf32>,
      %swap3A_56 = vector.shape_cast %swap3A_55 : vector<1x16xf32> to vector<16xf32>
      %swap3A_57 = vector.shape_cast %broadcast_in_dim3A_1 : vector<16xf32> to vector<1x16xf32>
      tpu.vector_store %arg9[%swap3A_53, %swap3A_54], %swap3A_57 {strides = array<i32>} : memref<8x128xf32, #tpu.memory_space<vmem>>, vector<1x16xf32>,
    }
    %scan3A_5 = arith.constant 8 : i32
    %mul3A_6 = arith.constant 8 : i32
    %mul3A_7 = arith.muli %arg1, %mul3A_6 : i32
    %add3A_8 = arith.constant 0 : i32
    %add3A_9 = arith.addi %mul3A_7, %add3A_8 : i32
    "tpu.region"() ({
      %run_scoped3A = tpu.sem_alloc : memref<!tpu.dma_semaphore, #tpu.memory_space<semaphore_mem>>
      %dma_start3A = arith.constant 0 : i32
      %dma_start3A_18 = tpu.memref_slice %arg10[%add3A_9, %dma_start3A] : memref<128x128xf32, #tpu.memory_space<vmem_shared>> -> memref<8x128xf32, #tpu.memory_space<vmem_shared>>
      %dma_start3A_19 = arith.constant 0 : i32
      %dma_start3A_20 = tpu.memref_slice %arg10[%add3A_9, %dma_start3A_19] : memref<128x128xf32, #tpu.memory_space<vmem_shared>> -> memref<8x128xf32, #tpu.memory_space<vmem_shared>>
      tpu.enqueue_dma source(%arg9 : memref<8x128xf32, #tpu.memory_space<vmem>>) target(%dma_start3A_20 : memref<8x128xf32, #tpu.memory_space<vmem_shared>>) target_semaphore(%run_scoped3A : memref<!tpu.dma_semaphore, #tpu.memory_space<semaphore_mem>>)
      %dma_wait3A = arith.constant 0 : i32
      %dma_wait3A_21 = tpu.memref_slice %arg10[%add3A_9, %dma_wait3A] : memref<128x128xf32, #tpu.memory_space<vmem_shared>> -> memref<8x128xf32, #tpu.memory_space<vmem_shared>>
      %dma_wait3A_22 = arith.constant 0 : i32
      %dma_wait3A_23 = tpu.memref_slice %arg10[%add3A_9, %dma_wait3A_22] : memref<128x128xf32, #tpu.memory_space<vmem_shared>> -> memref<8x128xf32, #tpu.memory_space<vmem_shared>>
      tpu.wait_dma2 semaphore(%run_scoped3A : memref<!tpu.dma_semaphore, #tpu.memory_space<semaphore_mem>>) src(%arg9 : memref<8x128xf32, #tpu.memory_space<vmem>>) dst(%dma_wait3A_23 : memref<8x128xf32, #tpu.memory_space<vmem_shared>>)
      tpu.yield
    }) : () -> ()
    %barrier3A = arith.constant 0 : index
    tpu.barrier barrier_id(%barrier3A)
    %mul3A_10 = arith.constant 320 : i32
    %mul3A_11 = arith.muli %add3A, %mul3A_10 : i32
    %scan3A_12 = arith.constant 0 : i32
    %scan3A_13 = arith.constant 5 : i32
    %scan3A_14 = arith.addi %scan3A_12, %scan3A_13 : i32
    %scan3A_15 = arith.constant 1 : i32
    scf.for %scan3A_18 = %scan3A_12 to %scan3A_14 step %scan3A_15  : i32 {
      %mul3A_19 = arith.constant 64 : i32
      %mul3A_20 = arith.muli %scan3A_18, %mul3A_19 : i32
      %add3A_21 = arith.addi %mul3A_11, %mul3A_20 : i32
      "tpu.region"() ({
        %run_scoped3A = tpu.sem_alloc : memref<!tpu.dma_semaphore, #tpu.memory_space<semaphore_mem>>
        %dma_start3A_26 = tpu.memref_slice %arg3[%add3A_21] : memref<10240xi32, #tpu.memory_space<hbm>> -> memref<64xi32, #tpu.memory_space<hbm>>
        %dma_start3A_27 = tpu.memref_slice %arg3[%add3A_21] : memref<10240xi32, #tpu.memory_space<hbm>> -> memref<64xi32, #tpu.memory_space<hbm>>
        tpu.enqueue_dma source(%dma_start3A_27 : memref<64xi32, #tpu.memory_space<hbm>>) target(%arg6 : memref<64xi32, #tpu.memory_space<vmem>>) target_semaphore(%run_scoped3A : memref<!tpu.dma_semaphore, #tpu.memory_space<semaphore_mem>>)
        %dma_wait3A_28 = tpu.memref_slice %arg3[%add3A_21] : memref<10240xi32, #tpu.memory_space<hbm>> -> memref<64xi32, #tpu.memory_space<hbm>>
        %dma_wait3A_29 = tpu.memref_slice %arg3[%add3A_21] : memref<10240xi32, #tpu.memory_space<hbm>> -> memref<64xi32, #tpu.memory_space<hbm>>
        tpu.wait_dma2 semaphore(%run_scoped3A : memref<!tpu.dma_semaphore, #tpu.memory_space<semaphore_mem>>) src(%dma_wait3A_29 : memref<64xi32, #tpu.memory_space<hbm>>) dst(%arg6 : memref<64xi32, #tpu.memory_space<vmem>>)
        tpu.yield
      }) : () -> ()
      "tpu.region"() ({
        %run_scoped3A = tpu.sem_alloc : memref<!tpu.dma_semaphore, #tpu.memory_space<semaphore_mem>>
        %dma_start3A_26 = tpu.memref_slice %arg4[%add3A_21] : memref<10240xi32, #tpu.memory_space<hbm>> -> memref<64xi32, #tpu.memory_space<hbm>>
        %dma_start3A_27 = tpu.memref_slice %arg4[%add3A_21] : memref<10240xi32, #tpu.memory_space<hbm>> -> memref<64xi32, #tpu.memory_space<hbm>>
        tpu.enqueue_dma source(%dma_start3A_27 : memref<64xi32, #tpu.memory_space<hbm>>) target(%arg7 : memref<64xi32, #tpu.memory_space<vmem>>) target_semaphore(%run_scoped3A : memref<!tpu.dma_semaphore, #tpu.memory_space<semaphore_mem>>)
        %dma_wait3A_28 = tpu.memref_slice %arg4[%add3A_21] : memref<10240xi32, #tpu.memory_space<hbm>> -> memref<64xi32, #tpu.memory_space<hbm>>
        %dma_wait3A_29 = tpu.memref_slice %arg4[%add3A_21] : memref<10240xi32, #tpu.memory_space<hbm>> -> memref<64xi32, #tpu.memory_space<hbm>>
        tpu.wait_dma2 semaphore(%run_scoped3A : memref<!tpu.dma_semaphore, #tpu.memory_space<semaphore_mem>>) src(%dma_wait3A_29 : memref<64xi32, #tpu.memory_space<hbm>>) dst(%arg7 : memref<64xi32, #tpu.memory_space<vmem>>)
        tpu.yield
      }) : () -> ()
      %dma_start3A = arith.constant 0 : i32
      %dma_start3A_22 = arith.constant 0 : i32
      %dma_start3A_23 = tpu.memref_slice %arg2[%dma_start3A, %dma_start3A_22] : memref<10000x128xf32, #tpu.memory_space<hbm>> -> memref<10000x128xf32, #tpu.memory_space<hbm>>
      tpu.enqueue_indirect_dma source(%dma_start3A_23 : memref<10000x128xf32, #tpu.memory_space<hbm>>) target(%arg8 : memref<64x128xf32, #tpu.memory_space<vmem>>) offsets(%arg6 : memref<64xi32, #tpu.memory_space<vmem>>) semaphore(%arg11 : memref<!tpu.dma_semaphore, #tpu.memory_space<semaphore_mem>>)
      %dma_wait3A = arith.constant 0 : i32
      %dma_wait3A_24 = arith.constant 0 : i32
      %dma_wait3A_25 = tpu.memref_slice %arg2[%dma_wait3A, %dma_wait3A_24] : memref<10000x128xf32, #tpu.memory_space<hbm>> -> memref<10000x128xf32, #tpu.memory_space<hbm>>
      tpu.wait_indirect_dma semaphore(%arg11 : memref<!tpu.dma_semaphore, #tpu.memory_space<semaphore_mem>>) src(%dma_wait3A_25 : memref<10000x128xf32, #tpu.memory_space<hbm>>) dst(%arg8 : memref<64x128xf32, #tpu.memory_space<vmem>>)
      "tpu.region"() ({
        %run_scoped3A = tpu.sem_alloc : memref<!tpu.dma_semaphore, #tpu.memory_space<semaphore_mem>>
        %dma_start3A_26 = arith.constant 0 : i32
        %dma_start3A_27 = arith.constant 0 : i32
        %dma_start3A_28 = tpu.memref_slice %arg10[%dma_start3A_26, %dma_start3A_27] : memref<128x128xf32, #tpu.memory_space<vmem_shared>> -> memref<128x128xf32, #tpu.memory_space<vmem_shared>>
        tpu.enqueue_indirect_dma source(%arg8 : memref<64x128xf32, #tpu.memory_space<vmem>>) target(%dma_start3A_28 : memref<128x128xf32, #tpu.memory_space<vmem_shared>>) offsets(%arg7 : memref<64xi32, #tpu.memory_space<vmem>>) semaphore(%run_scoped3A : memref<!tpu.dma_semaphore, #tpu.memory_space<semaphore_mem>>) {add = true}
        %dma_wait3A_29 = arith.constant 0 : i32
        %dma_wait3A_30 = arith.constant 0 : i32
        %dma_wait3A_31 = tpu.memref_slice %arg10[%dma_wait3A_29, %dma_wait3A_30] : memref<128x128xf32, #tpu.memory_space<vmem_shared>> -> memref<128x128xf32, #tpu.memory_space<vmem_shared>>
        tpu.wait_indirect_dma semaphore(%run_scoped3A : memref<!tpu.dma_semaphore, #tpu.memory_space<semaphore_mem>>) src(%arg8 : memref<64x128xf32, #tpu.memory_space<vmem>>) dst(%dma_wait3A_31 : memref<128x128xf32, #tpu.memory_space<vmem_shared>>)
        tpu.yield
      }) : () -> ()
    }
    %scan3A_16 = arith.constant 5 : i32
    %barrier3A_17 = arith.constant 0 : index
    tpu.barrier barrier_id(%barrier3A_17)
    "tpu.region"() ({
      %run_scoped3A = tpu.sem_alloc : memref<!tpu.dma_semaphore, #tpu.memory_space<semaphore_mem>>
      %dma_start3A = arith.constant 0 : i32
      %dma_start3A_18 = arith.constant 0 : i32
      %dma_start3A_19 = tpu.memref_slice %arg5[%arg0, %dma_start3A, %dma_start3A_18] : memref<2x128x128xf32, #tpu.memory_space<hbm>> -> memref<1x128x128xf32, #tpu.memory_space<hbm>>
      %dma_start3A_20 = tpu.memref_squeeze %dma_start3A_19 : memref<1x128x128xf32, #tpu.memory_space<hbm>> -> memref<128x128xf32, #tpu.memory_space<hbm>>
      %dma_start3A_21 = arith.constant 0 : i32
      %dma_start3A_22 = tpu.memref_slice %dma_start3A_20[%mul3A_7, %dma_start3A_21] : memref<128x128xf32, #tpu.memory_space<hbm>> -> memref<8x128xf32, #tpu.memory_space<hbm>>
      %dma_start3A_23 = arith.constant 0 : i32
      %dma_start3A_24 = tpu.memref_slice %arg10[%mul3A_7, %dma_start3A_23] : memref<128x128xf32, #tpu.memory_space<vmem_shared>> -> memref<8x128xf32, #tpu.memory_space<vmem_shared>>
      tpu.enqueue_dma source(%dma_start3A_24 : memref<8x128xf32, #tpu.memory_space<vmem_shared>>) target(%dma_start3A_22 : memref<8x128xf32, #tpu.memory_space<hbm>>) target_semaphore(%run_scoped3A : memref<!tpu.dma_semaphore, #tpu.memory_space<semaphore_mem>>)
      %dma_wait3A = arith.constant 0 : i32
      %dma_wait3A_25 = arith.constant 0 : i32
      %dma_wait3A_26 = tpu.memref_slice %arg5[%arg0, %dma_wait3A, %dma_wait3A_25] : memref<2x128x128xf32, #tpu.memory_space<hbm>> -> memref<1x128x128xf32, #tpu.memory_space<hbm>>
      %dma_wait3A_27 = tpu.memref_squeeze %dma_wait3A_26 : memref<1x128x128xf32, #tpu.memory_space<hbm>> -> memref<128x128xf32, #tpu.memory_space<hbm>>
      %dma_wait3A_28 = arith.constant 0 : i32
      %dma_wait3A_29 = tpu.memref_slice %dma_wait3A_27[%mul3A_7, %dma_wait3A_28] : memref<128x128xf32, #tpu.memory_space<hbm>> -> memref<8x128xf32, #tpu.memory_space<hbm>>
      %dma_wait3A_30 = arith.constant 0 : i32
      %dma_wait3A_31 = tpu.memref_slice %arg10[%mul3A_7, %dma_wait3A_30] : memref<128x128xf32, #tpu.memory_space<vmem_shared>> -> memref<8x128xf32, #tpu.memory_space<vmem_shared>>
      tpu.wait_dma2 semaphore(%run_scoped3A : memref<!tpu.dma_semaphore, #tpu.memory_space<semaphore_mem>>) src(%dma_wait3A_31 : memref<8x128xf32, #tpu.memory_space<vmem_shared>>) dst(%dma_wait3A_29 : memref<8x128xf32, #tpu.memory_space<hbm>>)
      tpu.yield
    }) : () -> ()
    return
  }
}

module attributes {stable_mosaic.version = 14 : i64} {
  func.func @_norm_block(%arg0: i32, %arg1: memref<200x128xf32, #tpu.memory_space<vmem>>, %arg2: memref<8x128xf32, #tpu.memory_space<vmem>>, %arg3: memref<8x128xf32, #tpu.memory_space<vmem>>, %arg4: memref<1x128xf32, #tpu.memory_space<vmem>>, %arg5: memref<1x128xf32, #tpu.memory_space<vmem>>, %arg6: memref<200x128xf32, #tpu.memory_space<vmem>>) attributes {dimension_semantics = [#tpu.dimension_semantics<arbitrary>], iteration_bounds = array<i64: 50>, scalar_prefetch = 0 : i64, scratch_operands = 0 : i64, tpu.core_type = #tpu.core_type<tc>, window_params = [{transform_indices = @transform_0, window_bounds = array<i64: 200, 128>}, {pipeline_mode = #tpu.pipeline_mode<synchronous>, transform_indices = @transform_1, window_bounds = array<i64: 8, 128>}, {pipeline_mode = #tpu.pipeline_mode<synchronous>, transform_indices = @transform_2, window_bounds = array<i64: 8, 128>}, {pipeline_mode = #tpu.pipeline_mode<synchronous>, transform_indices = @transform_3, window_bounds = array<i64: 1, 128>}, {pipeline_mode = #tpu.pipeline_mode<synchronous>, transform_indices = @transform_4, window_bounds = array<i64: 1, 128>}, {transform_indices = @transform_5, window_bounds = array<i64: 200, 128>}]} {
    %get3A = arith.constant 0 : index
    %get3A_0 = arith.constant 0 : index
    %get3A_1 = vector.load %arg2[%get3A, %get3A_0] : memref<8x128xf32, #tpu.memory_space<vmem>>, vector<8x128xf32>
    %reduce_sum3A = arith.constant dense<0.000000e+00> : vector<128xf32>
    %reduce_sum3A_2 = vector.multi_reduction <add>, %get3A_1, %reduce_sum3A [0] : vector<8x128xf32> to vector<128xf32>
    %broadcast_in_dim3A = vector.shape_cast %reduce_sum3A_2 : vector<128xf32> to vector<1x128xf32>
    %mul3A = arith.constant 9.99999974E-5 : f32
    %mul3A_3 = vector.broadcast %mul3A : f32 to vector<1x128xf32>
    %mul3A_4 = arith.mulf %broadcast_in_dim3A, %mul3A_3 : vector<1x128xf32>
    %get3A_5 = arith.constant 0 : index
    %get3A_6 = arith.constant 0 : index
    %get3A_7 = vector.load %arg3[%get3A_5, %get3A_6] : memref<8x128xf32, #tpu.memory_space<vmem>>, vector<8x128xf32>
    %reduce_sum3A_8 = arith.constant dense<0.000000e+00> : vector<128xf32>
    %reduce_sum3A_9 = vector.multi_reduction <add>, %get3A_7, %reduce_sum3A_8 [0] : vector<8x128xf32> to vector<128xf32>
    %broadcast_in_dim3A_10 = vector.shape_cast %reduce_sum3A_9 : vector<128xf32> to vector<1x128xf32>
    %mul3A_11 = arith.constant 9.99999974E-5 : f32
    %mul3A_12 = vector.broadcast %mul3A_11 : f32 to vector<1x128xf32>
    %mul3A_13 = arith.mulf %broadcast_in_dim3A_10, %mul3A_12 : vector<1x128xf32>
    %mul3A_14 = arith.mulf %mul3A_4, %mul3A_4 : vector<1x128xf32>
    %sub3A = arith.subf %mul3A_13, %mul3A_14 : vector<1x128xf32>
    %add3A = arith.constant 9.99999974E-6 : f32
    %add3A_15 = vector.broadcast %add3A : f32 to vector<1x128xf32>
    %add3A_16 = arith.addf %sub3A, %add3A_15 : vector<1x128xf32>
    %rsqrt3A = math.rsqrt %add3A_16 : vector<1x128xf32>
    %get3A_17 = arith.constant 0 : index
    %get3A_18 = arith.constant 0 : index
    %get3A_19 = vector.load %arg4[%get3A_17, %get3A_18] : memref<1x128xf32, #tpu.memory_space<vmem>>, vector<1x128xf32>
    %mul3A_20 = arith.mulf %rsqrt3A, %get3A_19 : vector<1x128xf32>
    %get3A_21 = arith.constant 0 : index
    %get3A_22 = arith.constant 0 : index
    %get3A_23 = vector.load %arg1[%get3A_21, %get3A_22] : memref<200x128xf32, #tpu.memory_space<vmem>>, vector<200x128xf32>
    %sub3A_24 = vector.broadcast %mul3A_4 : vector<1x128xf32> to vector<200x128xf32>
    %sub3A_25 = arith.subf %get3A_23, %sub3A_24 : vector<200x128xf32>
    %mul3A_26 = vector.broadcast %mul3A_20 : vector<1x128xf32> to vector<200x128xf32>
    %mul3A_27 = arith.mulf %sub3A_25, %mul3A_26 : vector<200x128xf32>
    %get3A_28 = arith.constant 0 : index
    %get3A_29 = arith.constant 0 : index
    %get3A_30 = vector.load %arg5[%get3A_28, %get3A_29] : memref<1x128xf32, #tpu.memory_space<vmem>>, vector<1x128xf32>
    %add3A_31 = vector.broadcast %get3A_30 : vector<1x128xf32> to vector<200x128xf32>
    %add3A_32 = arith.addf %mul3A_27, %add3A_31 : vector<200x128xf32>
    %swap3A = arith.constant 0 : index
    %swap3A_33 = arith.constant 0 : index
    %swap3A_34 = vector.load %arg6[%swap3A, %swap3A_33] : memref<200x128xf32, #tpu.memory_space<vmem>>, vector<200x128xf32>
    tpu.vector_store %arg6[%swap3A, %swap3A_33], %add3A_32 {strides = array<i32>} : memref<200x128xf32, #tpu.memory_space<vmem>>, vector<200x128xf32>,
    return
  }
  func.func @transform_0(%arg0: i32) -> (i32, i32) {
    %c0_i32 = arith.constant 0 : i32
    %c0_i32_0 = arith.constant 0 : i32
    return %arg0, %c0_i32 : i32, i32
  }
  func.func @transform_1(%arg0: i32) -> (i32, i32) {
    %c0_i32 = arith.constant 0 : i32
    %c0_i32_0 = arith.constant 0 : i32
    %c0_i32_1 = arith.constant 0 : i32
    return %c0_i32, %c0_i32_0 : i32, i32
  }
  func.func @transform_2(%arg0: i32) -> (i32, i32) {
    %c0_i32 = arith.constant 0 : i32
    %c0_i32_0 = arith.constant 0 : i32
    %c0_i32_1 = arith.constant 0 : i32
    return %c0_i32, %c0_i32_0 : i32, i32
  }
  func.func @transform_3(%arg0: i32) -> (i32, i32) {
    %c0_i32 = arith.constant 0 : i32
    %c0_i32_0 = arith.constant 0 : i32
    %c0_i32_1 = arith.constant 0 : i32
    return %c0_i32, %c0_i32_0 : i32, i32
  }
  func.func @transform_4(%arg0: i32) -> (i32, i32) {
    %c0_i32 = arith.constant 0 : i32
    %c0_i32_0 = arith.constant 0 : i32
    %c0_i32_1 = arith.constant 0 : i32
    return %c0_i32, %c0_i32_0 : i32, i32
  }
  func.func @transform_5(%arg0: i32) -> (i32, i32) {
    %c0_i32 = arith.constant 0 : i32
    %c0_i32_0 = arith.constant 0 : i32
    return %arg0, %c0_i32 : i32, i32
  }
}

module attributes {stable_mosaic.version = 14 : i64} {
  func.func @_mlp_block(%arg0: i32, %arg1: memref<200x128xf32, #tpu.memory_space<vmem>>, %arg2: memref<2x200x128xf32, #tpu.memory_space<vmem>>, %arg3: memref<128x128xf32, #tpu.memory_space<vmem>>, %arg4: memref<1x128xf32, #tpu.memory_space<vmem>>, %arg5: memref<128x128xf32, #tpu.memory_space<vmem>>, %arg6: memref<1x128xf32, #tpu.memory_space<vmem>>, %arg7: memref<200x128xf32, #tpu.memory_space<vmem>>, %arg8: memref<8x128xf32, #tpu.memory_space<vmem>>, %arg9: memref<8x128xf32, #tpu.memory_space<vmem>>) attributes {dimension_semantics = [#tpu.dimension_semantics<arbitrary>], iteration_bounds = array<i64: 50>, scalar_prefetch = 0 : i64, scratch_operands = 0 : i64, tpu.core_type = #tpu.core_type<tc>, window_params = [{transform_indices = @transform_0, window_bounds = array<i64: 200, 128>}, {transform_indices = @transform_1, window_bounds = array<i64: 2, 200, 128>}, {pipeline_mode = #tpu.pipeline_mode<synchronous>, transform_indices = @transform_2, window_bounds = array<i64: 128, 128>}, {pipeline_mode = #tpu.pipeline_mode<synchronous>, transform_indices = @transform_3, window_bounds = array<i64: 1, 128>}, {pipeline_mode = #tpu.pipeline_mode<synchronous>, transform_indices = @transform_4, window_bounds = array<i64: 128, 128>}, {pipeline_mode = #tpu.pipeline_mode<synchronous>, transform_indices = @transform_5, window_bounds = array<i64: 1, 128>}, {transform_indices = @transform_6, window_bounds = array<i64: 200, 128>}, {pipeline_mode = #tpu.pipeline_mode<synchronous>, transform_indices = @transform_7, window_bounds = array<i64: 8, 128>}, {pipeline_mode = #tpu.pipeline_mode<synchronous>, transform_indices = @transform_8, window_bounds = array<i64: 8, 128>}]} {
    %get3A = arith.constant 0 : index
    %get3A_0 = arith.constant 0 : index
    %get3A_1 = vector.load %arg1[%get3A, %get3A_0] : memref<200x128xf32, #tpu.memory_space<vmem>>, vector<200x128xf32>
    %get3A_2 = arith.constant 0 : index
    %get3A_3 = arith.constant 0 : index
    %get3A_4 = arith.constant 0 : index
    %get3A_5 = vector.load %arg2[%get3A_2, %get3A_3, %get3A_4] : memref<2x200x128xf32, #tpu.memory_space<vmem>>, vector<1x200x128xf32>
    %get3A_6 = vector.shape_cast %get3A_5 : vector<1x200x128xf32> to vector<200x128xf32>
    %add3A = arith.addf %get3A_1, %get3A_6 : vector<200x128xf32>
    %get3A_7 = arith.constant 1 : index
    %get3A_8 = arith.constant 0 : index
    %get3A_9 = arith.constant 0 : index
    %get3A_10 = vector.load %arg2[%get3A_7, %get3A_8, %get3A_9] : memref<2x200x128xf32, #tpu.memory_space<vmem>>, vector<1x200x128xf32>
    %get3A_11 = vector.shape_cast %get3A_10 : vector<1x200x128xf32> to vector<200x128xf32>
    %add3A_12 = arith.addf %add3A, %get3A_11 : vector<200x128xf32>
    %get3A_13 = arith.constant 0 : index
    %get3A_14 = arith.constant 0 : index
    %get3A_15 = vector.load %arg3[%get3A_13, %get3A_14] : memref<128x128xf32, #tpu.memory_space<vmem>>, vector<128x128xf32>
    %dot_general3A = arith.constant dense<0.000000e+00> : vector<200x128xf32>
    %dot_general3A_16 = tpu.matmul %add3A_12, %get3A_15, %dot_general3A {dimension_numbers = #tpu.dot_dimension_numbers<[1], [0], [0], [1], [0, 0, 1, 1], [], []>, transpose_lhs_hint = false} : vector<200x128xf32>, vector<128x128xf32>, vector<200x128xf32> -> vector<200x128xf32>
    %get3A_17 = arith.constant 0 : index
    %get3A_18 = arith.constant 0 : index
    %get3A_19 = vector.load %arg4[%get3A_17, %get3A_18] : memref<1x128xf32, #tpu.memory_space<vmem>>, vector<1x128xf32>
    %add3A_20 = vector.broadcast %get3A_19 : vector<1x128xf32> to vector<200x128xf32>
    %add3A_21 = arith.addf %dot_general3A_16, %add3A_20 : vector<200x128xf32>
    %max3A = arith.constant 0.000000e+00 : f32
    %max3A_22 = vector.broadcast %max3A : f32 to vector<200x128xf32>
    %max3A_23 = arith.maximumf %add3A_21, %max3A_22 : vector<200x128xf32>
    %get3A_24 = arith.constant 0 : index
    %get3A_25 = arith.constant 0 : index
    %get3A_26 = vector.load %arg5[%get3A_24, %get3A_25] : memref<128x128xf32, #tpu.memory_space<vmem>>, vector<128x128xf32>
    %dot_general3A_27 = arith.constant dense<0.000000e+00> : vector<200x128xf32>
    %dot_general3A_28 = tpu.matmul %max3A_23, %get3A_26, %dot_general3A_27 {dimension_numbers = #tpu.dot_dimension_numbers<[1], [0], [0], [1], [0, 0, 1, 1], [], []>, transpose_lhs_hint = false} : vector<200x128xf32>, vector<128x128xf32>, vector<200x128xf32> -> vector<200x128xf32>
    %get3A_29 = arith.constant 0 : index
    %get3A_30 = arith.constant 0 : index
    %get3A_31 = vector.load %arg6[%get3A_29, %get3A_30] : memref<1x128xf32, #tpu.memory_space<vmem>>, vector<1x128xf32>
    %add3A_32 = vector.broadcast %get3A_31 : vector<1x128xf32> to vector<200x128xf32>
    %add3A_33 = arith.addf %dot_general3A_28, %add3A_32 : vector<200x128xf32>
    %max3A_34 = arith.constant 0.000000e+00 : f32
    %max3A_35 = vector.broadcast %max3A_34 : f32 to vector<200x128xf32>
    %max3A_36 = arith.maximumf %add3A_33, %max3A_35 : vector<200x128xf32>
    %swap3A = arith.constant 0 : index
    %swap3A_37 = arith.constant 0 : index
    %swap3A_38 = vector.load %arg7[%swap3A, %swap3A_37] : memref<200x128xf32, #tpu.memory_space<vmem>>, vector<200x128xf32>
    tpu.vector_store %arg7[%swap3A, %swap3A_37], %max3A_36 {strides = array<i32>} : memref<200x128xf32, #tpu.memory_space<vmem>>, vector<200x128xf32>,
    %eq3A = arith.constant 0 : i32
    %eq3A_39 = arith.cmpi eq, %arg0, %eq3A : i32
    %convert_element_type3A = arith.extui %eq3A_39 : i1 to i32
    %cond3A = arith.constant 0 : i32
    %cond3A_40 = arith.cmpi ne, %convert_element_type3A, %cond3A : i32
    scf.if %cond3A_40 {
      %broadcast_in_dim3A = arith.constant 0.000000e+00 : f32
      %broadcast_in_dim3A_58 = vector.broadcast %broadcast_in_dim3A : f32 to vector<8x128xf32>
      %swap3A_59 = arith.constant 0 : index
      %swap3A_60 = arith.constant 0 : index
      %swap3A_61 = vector.load %arg8[%swap3A_59, %swap3A_60] : memref<8x128xf32, #tpu.memory_space<vmem>>, vector<8x128xf32>
      tpu.vector_store %arg8[%swap3A_59, %swap3A_60], %broadcast_in_dim3A_58 {strides = array<i32>} : memref<8x128xf32, #tpu.memory_space<vmem>>, vector<8x128xf32>,
      %broadcast_in_dim3A_62 = arith.constant 0.000000e+00 : f32
      %broadcast_in_dim3A_63 = vector.broadcast %broadcast_in_dim3A_62 : f32 to vector<8x128xf32>
      %swap3A_64 = arith.constant 0 : index
      %swap3A_65 = arith.constant 0 : index
      %swap3A_66 = vector.load %arg9[%swap3A_64, %swap3A_65] : memref<8x128xf32, #tpu.memory_space<vmem>>, vector<8x128xf32>
      tpu.vector_store %arg9[%swap3A_64, %swap3A_65], %broadcast_in_dim3A_63 {strides = array<i32>} : memref<8x128xf32, #tpu.memory_space<vmem>>, vector<8x128xf32>,
    } else {
    }
    %reshape3A = vector.shape_cast %max3A_36 : vector<200x128xf32> to vector<25x8x128xf32>
    %get3A_41 = arith.constant 0 : index
    %get3A_42 = arith.constant 0 : index
    %get3A_43 = vector.load %arg8[%get3A_41, %get3A_42] : memref<8x128xf32, #tpu.memory_space<vmem>>, vector<8x128xf32>
    %reduce_sum3A = arith.constant dense<0.000000e+00> : vector<8x128xf32>
    %reduce_sum3A_44 = vector.multi_reduction <add>, %reshape3A, %reduce_sum3A [0] : vector<25x8x128xf32> to vector<8x128xf32>
    %add3A_45 = arith.addf %get3A_43, %reduce_sum3A_44 : vector<8x128xf32>
    %swap3A_46 = arith.constant 0 : index
    %swap3A_47 = arith.constant 0 : index
    %swap3A_48 = vector.load %arg8[%swap3A_46, %swap3A_47] : memref<8x128xf32, #tpu.memory_space<vmem>>, vector<8x128xf32>
    tpu.vector_store %arg8[%swap3A_46, %swap3A_47], %add3A_45 {strides = array<i32>} : memref<8x128xf32, #tpu.memory_space<vmem>>, vector<8x128xf32>,
    %get3A_49 = arith.constant 0 : index
    %get3A_50 = arith.constant 0 : index
    %get3A_51 = vector.load %arg9[%get3A_49, %get3A_50] : memref<8x128xf32, #tpu.memory_space<vmem>>, vector<8x128xf32>
    %mul3A = arith.mulf %reshape3A, %reshape3A : vector<25x8x128xf32>
    %reduce_sum3A_52 = arith.constant dense<0.000000e+00> : vector<8x128xf32>
    %reduce_sum3A_53 = vector.multi_reduction <add>, %mul3A, %reduce_sum3A_52 [0] : vector<25x8x128xf32> to vector<8x128xf32>
    %add3A_54 = arith.addf %get3A_51, %reduce_sum3A_53 : vector<8x128xf32>
    %swap3A_55 = arith.constant 0 : index
    %swap3A_56 = arith.constant 0 : index
    %swap3A_57 = vector.load %arg9[%swap3A_55, %swap3A_56] : memref<8x128xf32, #tpu.memory_space<vmem>>, vector<8x128xf32>
    tpu.vector_store %arg9[%swap3A_55, %swap3A_56], %add3A_54 {strides = array<i32>} : memref<8x128xf32, #tpu.memory_space<vmem>>, vector<8x128xf32>,
    return
  }
  func.func @transform_0(%arg0: i32) -> (i32, i32) {
    %c0_i32 = arith.constant 0 : i32
    %c0_i32_0 = arith.constant 0 : i32
    return %arg0, %c0_i32 : i32, i32
  }
  func.func @transform_1(%arg0: i32) -> (i32, i32, i32) {
    %c0_i32 = arith.constant 0 : i32
    %c0_i32_0 = arith.constant 0 : i32
    %c0_i32_1 = arith.constant 0 : i32
    return %c0_i32, %arg0, %c0_i32_0 : i32, i32, i32
  }
  func.func @transform_2(%arg0: i32) -> (i32, i32) {
    %c0_i32 = arith.constant 0 : i32
    %c0_i32_0 = arith.constant 0 : i32
    %c0_i32_1 = arith.constant 0 : i32
    return %c0_i32, %c0_i32_0 : i32, i32
  }
  func.func @transform_3(%arg0: i32) -> (i32, i32) {
    %c0_i32 = arith.constant 0 : i32
    %c0_i32_0 = arith.constant 0 : i32
    %c0_i32_1 = arith.constant 0 : i32
    return %c0_i32, %c0_i32_0 : i32, i32
  }
  func.func @transform_4(%arg0: i32) -> (i32, i32) {
    %c0_i32 = arith.constant 0 : i32
    %c0_i32_0 = arith.constant 0 : i32
    %c0_i32_1 = arith.constant 0 : i32
    return %c0_i32, %c0_i32_0 : i32, i32
  }
  func.func @transform_5(%arg0: i32) -> (i32, i32) {
    %c0_i32 = arith.constant 0 : i32
    %c0_i32_0 = arith.constant 0 : i32
    %c0_i32_1 = arith.constant 0 : i32
    return %c0_i32, %c0_i32_0 : i32, i32
  }
  func.func @transform_6(%arg0: i32) -> (i32, i32) {
    %c0_i32 = arith.constant 0 : i32
    %c0_i32_0 = arith.constant 0 : i32
    return %arg0, %c0_i32 : i32, i32
  }
  func.func @transform_7(%arg0: i32) -> (i32, i32) {
    %c0_i32 = arith.constant 0 : i32
    %c0_i32_0 = arith.constant 0 : i32
    %c0_i32_1 = arith.constant 0 : i32
    return %c0_i32, %c0_i32_0 : i32, i32
  }
  func.func @transform_8(%arg0: i32) -> (i32, i32) {
    %c0_i32 = arith.constant 0 : i32
    %c0_i32_0 = arith.constant 0 : i32
    %c0_i32_1 = arith.constant 0 : i32
    return %c0_i32, %c0_i32_0 : i32, i32
  }
}

module attributes {stable_mosaic.version = 14 : i64} {
  func.func @_final_block(%arg0: i32, %arg1: memref<2x64x128xf32, #tpu.memory_space<vmem>>, %arg2: memref<128x128xf32, #tpu.memory_space<vmem>>, %arg3: memref<1x128xf32, #tpu.memory_space<vmem>>, %arg4: memref<64x128xf32, #tpu.memory_space<vmem>>) attributes {dimension_semantics = [#tpu.dimension_semantics<arbitrary>], iteration_bounds = array<i64: 1>, scalar_prefetch = 0 : i64, scratch_operands = 0 : i64, tpu.core_type = #tpu.core_type<tc>, window_params = [{pipeline_mode = #tpu.pipeline_mode<synchronous>, transform_indices = @transform_0, window_bounds = array<i64: 2, 64, 128>}, {pipeline_mode = #tpu.pipeline_mode<synchronous>, transform_indices = @transform_1, window_bounds = array<i64: 128, 128>}, {pipeline_mode = #tpu.pipeline_mode<synchronous>, transform_indices = @transform_2, window_bounds = array<i64: 1, 128>}, {pipeline_mode = #tpu.pipeline_mode<synchronous>, transform_indices = @transform_3, window_bounds = array<i64: 64, 128>}]} {
    %get3A = arith.constant 0 : index
    %get3A_0 = arith.constant 0 : index
    %get3A_1 = arith.constant 0 : index
    %get3A_2 = vector.load %arg1[%get3A, %get3A_0, %get3A_1] : memref<2x64x128xf32, #tpu.memory_space<vmem>>, vector<1x64x128xf32>
    %get3A_3 = vector.shape_cast %get3A_2 : vector<1x64x128xf32> to vector<64x128xf32>
    %get3A_4 = arith.constant 1 : index
    %get3A_5 = arith.constant 0 : index
    %get3A_6 = arith.constant 0 : index
    %get3A_7 = vector.load %arg1[%get3A_4, %get3A_5, %get3A_6] : memref<2x64x128xf32, #tpu.memory_space<vmem>>, vector<1x64x128xf32>
    %get3A_8 = vector.shape_cast %get3A_7 : vector<1x64x128xf32> to vector<64x128xf32>
    %add3A = arith.addf %get3A_3, %get3A_8 : vector<64x128xf32>
    %get3A_9 = arith.constant 0 : index
    %get3A_10 = arith.constant 0 : index
    %get3A_11 = vector.load %arg2[%get3A_9, %get3A_10] : memref<128x128xf32, #tpu.memory_space<vmem>>, vector<128x128xf32>
    %dot_general3A = arith.constant dense<0.000000e+00> : vector<64x128xf32>
    %dot_general3A_12 = tpu.matmul %add3A, %get3A_11, %dot_general3A {dimension_numbers = #tpu.dot_dimension_numbers<[1], [0], [0], [1], [0, 0, 1, 1], [], []>, transpose_lhs_hint = false} : vector<64x128xf32>, vector<128x128xf32>, vector<64x128xf32> -> vector<64x128xf32>
    %get3A_13 = arith.constant 0 : index
    %get3A_14 = arith.constant 0 : index
    %get3A_15 = vector.load %arg3[%get3A_13, %get3A_14] : memref<1x128xf32, #tpu.memory_space<vmem>>, vector<1x128xf32>
    %add3A_16 = vector.broadcast %get3A_15 : vector<1x128xf32> to vector<64x128xf32>
    %add3A_17 = arith.addf %dot_general3A_12, %add3A_16 : vector<64x128xf32>
    %max3A = arith.constant 0.000000e+00 : f32
    %max3A_18 = vector.broadcast %max3A : f32 to vector<64x128xf32>
    %max3A_19 = arith.maximumf %add3A_17, %max3A_18 : vector<64x128xf32>
    %swap3A = arith.constant 0 : index
    %swap3A_20 = arith.constant 0 : index
    %swap3A_21 = vector.load %arg4[%swap3A, %swap3A_20] : memref<64x128xf32, #tpu.memory_space<vmem>>, vector<64x128xf32>
    tpu.vector_store %arg4[%swap3A, %swap3A_20], %max3A_19 {strides = array<i32>} : memref<64x128xf32, #tpu.memory_space<vmem>>, vector<64x128xf32>,
    return
  }
  func.func @transform_0(%arg0: i32) -> (i32, i32, i32) {
    %c0_i32 = arith.constant 0 : i32
    %c0_i32_0 = arith.constant 0 : i32
    %c0_i32_1 = arith.constant 0 : i32
    %c0_i32_2 = arith.constant 0 : i32
    return %c0_i32, %c0_i32_0, %c0_i32_1 : i32, i32, i32
  }
  func.func @transform_1(%arg0: i32) -> (i32, i32) {
    %c0_i32 = arith.constant 0 : i32
    %c0_i32_0 = arith.constant 0 : i32
    %c0_i32_1 = arith.constant 0 : i32
    return %c0_i32, %c0_i32_0 : i32, i32
  }
  func.func @transform_2(%arg0: i32) -> (i32, i32) {
    %c0_i32 = arith.constant 0 : i32
    %c0_i32_0 = arith.constant 0 : i32
    %c0_i32_1 = arith.constant 0 : i32
    return %c0_i32, %c0_i32_0 : i32, i32
  }
  func.func @transform_3(%arg0: i32) -> (i32, i32) {
    %c0_i32 = arith.constant 0 : i32
    %c0_i32_0 = arith.constant 0 : i32
    %c0_i32_1 = arith.constant 0 : i32
    return %c0_i32, %c0_i32_0 : i32, i32
  }
}

</mosaic_0001>

<sc_bundles>
// kernel: kernel.16.cloned.1.call-start
scs
__scs_entry_jumppad:
0x0: {  	(pc) =	sbr.rel $0x88, $3  }
0x1: {  	(tag) =	ssettag $0x0;
	lr =	simm.s32 $0x1  }
0x2: {  	[smem:$0x3F84] =	sst lr;
	_ =	strace $0xD0000000  }
0x3: {  	_ = 	snop  }
0x4: {  	_ = 	snop  }
0x5: {  	_ = 	snop  }
0x6: {  	_ = 	snop  }
0x7: {  	_ = 	snop  }
__scs_overlays_trampoline_lowered:
0x8: {  	[smem:$0x3F93] =	sst s0  }
0x9: {  	[smem:$0x3F94] =	sst s1  }
0xa: {  	[smem:$0x3F95] =	sst s2  }
0xb: {  	[smem:$0x3F96] =	sst s3  }
0xc: {  	[smem:$0x3F97] =	sst s4  }
0xd: {  	[smem:$0x3F98] =	sst s5  }
0xe: {  	[smem:$0x3F99] =	sst s6  }
0xf: {  	[smem:$0x3F9A] =	sst s7  }
0x10: {  	[smem:$0x3F9B] =	sst s8  }
0x11: {  	[smem:$0x3F9C] =	sst s9;
	s0 =	simm.s32 @!p0 $0x0  }
0x12: {  	s1 =	sld [smem:$0x3F82];
	s0 =	simm.s32 @p0 $0x1  }
0x13: {  	[smem:$0x3F9D] =	sst s0;
	s0 =	simm.s32 @!p1 $0x0  }
0x14: {  	s2 =	sld [smem:$0x3F81];
	s0 =	simm.s32 @p1 $0x1  }
0x15: {  	[smem:$0x3F9E] =	sst s0;
	s0 =	simm.s32 @!p2 $0x0  }
0x16: {  	s3 =	sld [smem:$0x3FDB];
	s0 =	simm.s32 @p2 $0x1  }
0x17: {  	s4 =	simm.s32 $0x1BF5;
	[smem:$0x3FA0] =	sst s0  }
0x18: {  	s0 =	sld [smem:$0x3F83];
	_ =	swait.ge [sflag:s4], $0x0  }
0x19: {  	s7 =	sld [smem:$0x3F84]  }
0x1a: {  	s8 =	sadd.s32 $0xFFFFE003, lr  }
0x1b: {  	s9 =	sadd.s32 $0xFFFFFEF7, lr;
	s5 =	simm.s32 $0xFFFFFFFF;
	p2 =	slt.u32 s8, $0xFFFFF086  }
0x1c: {  	p1 =	slt.u32 s9, $0xF7A;
	s5 =	simm.s32 @!p2 $0x0  }
0x1d: {  	s5 =	simm.s32 @p1 $0x1;
	p0 =	seq.s32 s7, s2  }
0x1e: {  	s7 =	smul.u32 @!p0 $0xF7A, s2;
	p2 =	seq.s32 @!p0 s5, $0x0  }
0x1f: {  	s9 =	smul.u32 $0xF7A, s1;
	s8 =	simm.s32 @!p0 $0x1BF5;
	p2 =	por !p2, p0  }
0x20: {  	[sflag:s8] =	ssyncset.s32 @!p0 $0xFFFFF086;
	s6 =	sadd.s32 @!p0 s3, s7;
	s7 =	simm.s32 @!p0 $0x108  }
0x21: {  	s3 =	sadd.s32 s3, s9;
	s6 =	sadd.s32 @!p0 $0x88, s6;
	s7 =	simm.s32 @p2 $0x1082  }
0x22: {  	[simem:s7], [sflag:s8] =	dma.local @!p0 [hbm:s6], $0xF7A  }
0x23: {  	s9 =	sor.u32 $0xD0000000, s2;
	s6 =	simm.s32 $0x108;
	_ =	swait.ge @!p0 [sflag:s8], $0x0  }
0x24: {  	s3 =	sadd.s32 $0x88, s3;
	s6 =	simm.s32 @!p1 $0x1082;
	[sflag:s4] =	ssyncset.s32 $0xFFFFF086  }
0x25: {  	[simem:s6], [sflag:s4] =	dma.local [hbm:s3], $0xF7A  }
0x26: {  	[smem:$0x3F84] =	sst s1;
	(tag) =	ssettag s2;
	_ =	strace s9  }
0x27: {  	s1 =	sld [smem:$0x3F94]  }
0x28: {  	s2 =	sld [smem:$0x3F95]  }
0x29: {  	s4 =	sld [smem:$0x3F97]  }
0x2a: {  	p0 =	seq.s32 s5, $0x0;
	s5 =	sld [smem:$0x3F98]  }
0x2b: {  	s6 =	sld [smem:$0x3F99]  }
0x2c: {  	s7 =	sld [smem:$0x3F9A]  }
0x2d: {  	s3 =	simm.s32 $0x108;
	s8 =	sld [smem:$0x3F9B]  }
0x2e: {  	s3 =	simm.s32 @!p0 $0x1082;
	s9 =	sld [smem:$0x3F9C]  }
0x2f: {  	lr =	sadd.s32 s0, s3;
	s0 =	sld [smem:$0x3F93]  }
0x30: {  	s3 =	sld [smem:$0x3F96]  }
0x31: {  	[smem:$0x3F9F] =	sst s10  }
0x32: {  	s10 =	sld [smem:$0x3F9D];
	_ =	sdelay $0x3  }
0x33: {  	p0 =	seq.s32 s10, $0x1;
	s10 =	sld [smem:$0x3F9F];
	_ =	sdelay $0x3  }
0x34: {  	[smem:$0x3F9F] =	sst s10  }
0x35: {  	s10 =	sld [smem:$0x3F9E];
	_ =	sdelay $0x3  }
0x36: {  	p1 =	seq.s32 s10, $0x1;
	s10 =	sld [smem:$0x3F9F];
	_ =	sdelay $0x3  }
0x37: {  	[smem:$0x3F9F] =	sst s10  }
0x38: {  	s10 =	sld [smem:$0x3FA0]  }
0x39: {  	_ = 	snop;
	(pc) =	sbr.ind lr, $3  }
0x3a: {  	_ = 	snop  }
0x3b: {  	_ = 	snop  }
0x3c: {  	p2 =	seq.s32 s10, $0x1;
	s10 =	sld [smem:$0x3F9F]  }
0x3d: {  	_ =	shalt  }
0x3e: {  	_ =	shalt  }
0x3f: {  	_ =	shalt  }
0x40: {  	_ =	shalt  }
0x41: {  	_ =	shalt  }
0x42: {  	_ =	shalt  }
0x43: {  	_ =	shalt  }
0x44: {  	_ =	shalt  }
0x45: {  	_ =	shalt  }
0x46: {  	_ =	shalt  }
0x47: {  	_ =	shalt  }
0x48: {  	_ =	shalt  }
0x49: {  	_ =	shalt  }
0x4a: {  	_ =	shalt  }
0x4b: {  	_ =	shalt  }
0x4c: {  	_ =	shalt  }
0x4d: {  	_ =	shalt  }
0x4e: {  	_ =	shalt  }
0x4f: {  	_ =	shalt  }
0x50: {  	_ =	shalt  }
0x51: {  	_ =	shalt  }
0x52: {  	_ =	shalt  }
0x53: {  	_ =	shalt  }
0x54: {  	_ =	shalt  }
0x55: {  	_ =	shalt  }
0x56: {  	_ =	shalt  }
0x57: {  	_ =	shalt  }
0x58: {  	_ =	shalt  }
0x59: {  	_ =	shalt  }
0x5a: {  	_ =	shalt  }
0x5b: {  	_ =	shalt  }
0x5c: {  	_ =	shalt  }
0x5d: {  	_ =	shalt  }
0x5e: {  	_ =	shalt  }
0x5f: {  	_ =	shalt  }
0x60: {  	_ =	shalt  }
0x61: {  	_ =	shalt  }
0x62: {  	_ =	shalt  }
0x63: {  	_ =	shalt  }
0x64: {  	_ =	shalt  }
0x65: {  	_ =	shalt  }
0x66: {  	_ =	shalt  }
0x67: {  	_ =	shalt  }
0x68: {  	_ =	shalt  }
0x69: {  	_ =	shalt  }
0x6a: {  	_ =	shalt  }
0x6b: {  	_ =	shalt  }
0x6c: {  	_ =	shalt  }
0x6d: {  	_ =	shalt  }
0x6e: {  	_ =	shalt  }
0x6f: {  	_ =	shalt  }
0x70: {  	_ =	shalt  }
0x71: {  	_ =	shalt  }
0x72: {  	_ =	shalt  }
0x73: {  	_ =	shalt  }
0x74: {  	_ =	shalt  }
0x75: {  	_ =	shalt  }
0x76: {  	_ =	shalt  }
0x77: {  	_ =	shalt  }
0x78: {  	_ =	shalt  }
0x79: {  	_ =	shalt  }
0x7a: {  	_ =	shalt  }
0x7b: {  	_ =	shalt  }
0x7c: {  	_ =	shalt  }
0x7d: {  	_ =	shalt  }
0x7e: {  	_ =	shalt  }
0x7f: {  	_ =	shalt  }
0x80: {  	_ =	shalt  }
0x81: {  	_ =	shalt  }
0x82: {  	_ =	shalt  }
0x83: {  	_ =	shalt  }
0x84: {  	_ =	shalt  }
0x85: {  	_ =	shalt  }
0x86: {  	_ =	shalt  }
0x87: {  	_ =	shalt  }
.Lfunc_end0:
.L_simem_size_0:
called_computation_lowered:
.L_overlay_start_0:
0x88: {  	s2 =	sld [smem:$0x3FD9]  }
0x89: {  	s3 =	sld [smem:$0x3FFE];
	_ =	sdelay $0x1  }
0x8a: {  	s1 =	srdreg.scid  }
0x8b: {  	s0 =	sand.u32 $0x1, s1  }
0x8c: {  	s17 =	sshll.u32 s0, $0xA;
	s2 =	sadd.s32 s3, s2  }
0x8d: {  	s2 =	sadd.s32 s2, s17  }
0x8e: {  	[smem:$0x3FAB] =	sst s2  }
0x8f: {  	_ = 	snop  }
0x90: {  	s2 =	sld [smem:$0x3FC9];
	(tm) =	ssettm $0x1  }
0x91: {  	s18 =	sld [smem:$0x3FFB];
	_ =	sdelay $0x3  }
0x92: {  	_ =	strace s18  }
0x93: {  	s3 =	sld [smem:$0x3FFC];
	_ =	sdelay $0x3  }
0x94: {  	_ =	strace s3  }
0x95: {  	s3 =	sld [smem:$0x3FFD];
	_ =	sdelay $0x3  }
0x96: {  	_ =	strace s3  }
0x97: {  	_ =	strace $0x8FFFFFFF  }
0x98: {  	s19 =	sld [smem:$0x3FDB];
	_ =	sdelay $0x1  }
0x99: {  	s4 =	simm.s32 $_scs_section_size  }
0x9a: {  	s5 =	simm.s32 $_size__tile_overlayer_lowered;
	s6 =	simm.s32 $_tile_overlayer_lowered  }
0x9b: {  	s22 =	simm.s32 $0x1BFF;
	s21 =	sshll.u32 s6, $0x1;
	s3 =	sadd.s32 s4, s19  }
0x9c: {  	s7 =	simm.s32 $0x0;
	s20 =	sshll.u32 s5, $0x1;
	s5 =	sadd.s32 s21, s3  }
0x9d: {  	[timem:s7], [sflag:s22] =	dma.local [hbm:s5], s20  }
0x9e: {  	_ =	swait.ge [sflag:s22], s20  }
0x9f: {  	s4 =	ssub.s32 $0x0, s20;
	[sflag:s22] =	ssyncset.done $0x0  }
0xa0: {  	[sflag:s22] =	ssyncadd.s32 s4;
	_ =	sdelay $0x1  }
0xa1: {  	s23 =	simm.s32 $0x1B8B  }
0xa2: {  	_ =	swait.ge [sflag:s23], $0x1  }
0xa3: {  	[sflag:s23] =	ssyncset.done $0x0  }
0xa4: {  	s25 =	simm.s32 $0x1B8E;
	s24 =	sld [smem:$0x3FFE];
	[sflag:s23] =	ssyncadd.s32 $0xFFFFFFFF  }
0xa5: {  	s26 =	simm.s32 $execute0_lowered;
	[smem:$0x3FD2] =	sst s25  }
0xa6: {  	s5 =	sshll.u32 s26, $0x1;
	_ =	strace $0x80000046;
	[dreg:$0x1] =	wrdreg $0xFFFFFFFF  }
0xa7: {  	s28 =	simm.s32 $_size_execute0_lowered;
	s3 =	sadd.s32 s3, s5;
	[dreg:$0x0] =	wrdreg $0x0  }
0xa8: {  	s5 =	sshll.u32 s28, $0x1;
	[dreg:$0x2] =	wrdreg s3  }
0xa9: {  	[dreg:$0x3] =	wrdreg s5  }
0xaa: {  	[dreg:$0x4] =	wrdreg $0xC0  }
0xab: {  	_ =	task [dreg:s7], $0x5FFFF  }
0xac: {  	[dreg:$0x1] =	wrdreg $0xFFFFFFFF  }
0xad: {  	[dreg:$0x0] =	wrdreg $0x60  }
0xae: {  	[dreg:$0x2] =	wrdreg s2  }
0xaf: {  	[dreg:$0x3] =	wrdreg s24  }
0xb0: {  	[dreg:$0x4] =	wrdreg $0x61000  }
0xb1: {  	[dreg:$0x5] =	wrdreg $0x9  }
0xb2: {  	_ =	task.clear_ibuf [dreg:s7], $0x6FFFF;
	_ =	strace $0x90000046  }
0xb3: {  	s29 =	simm.s32 $0x9;
	_ =	strace $0x80000048  }
0xb4: {  	_ =	swait.ge [sflag:s29], $0x1  }
0xb5: {  	[sflag:s29] =	ssyncadd.s32 $0xFFFFFFFF  }
0xb6: {  	_ =	strace $0x90000048  }
0xb7: {  	_ =	sfence  }
0xb8: {  	s30 =	sld [smem:$0x0];
	_ =	sdelay $0x2  }
0xb9: {  	s31 =	sshll.u32 s1, $0xD;
	s1 =	sshrl.u32 s1, $0x2  }
0xba: {  	s3 =	sand.u32 $0x4000, s31;
	s1 =	sadd.s32 s1, s30  }
0xbb: {  	s0 =	sor.u32 s3, s0;
	s1 =	sshll.u32 s1, $0x11  }
0xbc: {  	s0 =	sor.u32 s1, s0  }
0xbd: {  	s0 =	sadd.s32 $0x8F2B, s0  }
0xbe: {  	[sflag:s0] =	ssyncadd.remote.s32 $0x1  }
0xbf: {  	_ =	sfence.sel $0xFFFF  }
0xc0: {  	[dreg:$0x0] =	wrdreg $0xFFFFFFFF;
	(pc) =	sbr.abs _section_cstart, $3  }
0xc1: {  	[dreg:$0x1] =	wrdreg $0xFFFFFFFF  }
0xc2: {  	_ =	task.clear_ibuf [dreg:s7], $0x2FFFF;
	_ =	strace $0x9FFFFFFF  }
0xc3: {  	(tm) =	ssettm $0x7FFFFFFF  }
tec
execute0_lowered:
.L_overlay_start_1:
0x0: {  	(tag) =	ssettag $0x1  }
0x1: {  	s2 =	rddreg [dreg:$0x0]  }
0x2: {  	s5 =	rddreg [dreg:$0x1]  }
0x3: {  	s3 =	rddreg [dreg:$0x2]  }
0x4: {  	s0 =	rddreg [dreg:$0x3]  }
0x5: {  	s1 =	stileid.u32;
	s4 =	simm.s32 $0x0;
	s7 =	srdreg.scid  }
0x6: {  	s19 =	simm.s32 $0x2;
	s20 =	simm.s32 $0x80;
	s6 =	smul.u32 $0x9E0, s1  }
0x7: {  	s21 =	simm.s32 $0x100;
	s22 =	simm.s32 $0x1;
	s28 =	smul.u32 $0x50000, s1  }
0x8: {  	[smem:$0x7FF] =	sst s4;
	s13 =	sand.u32 $0x1, s7;
	s24 =	smul.u32 $0x2800, s1  }
0x9: {  	_ =	strace $0x80000047;
	s8 =	smul.u32 $0x28000, s13;
	s29 =	ssub.s32 $0x2, s13  }
0xa: {  	s18 =	smul.u32 $0x4F0, s13;
	s16 =	sadd.s32 s6, s5;
	s7 =	sshrl.u32 s28, $0x2  }
0xb: {  	s30 =	sshrl.u32 s29, $0x1;
	s15 =	sadd.s32 s8, s5;
	s5 =	sadd.s32 s7, s3  }
0xc: {  	s17 =	ssub.s32 s29, s30;
	s31 =	sadd.s32 s18, s16;
	s18 =	simm.s32 $0x4100  }
0xd: {  	s6 =	sadd.s32 $0x2000, s5;
	s7 =	sadd.s32 $0x4000, s5;
	s8 =	sadd.s32 $0x6000, s5  }
0xe: {  	s9 =	sadd.s32 $0x8000, s5;
	s10 =	sadd.s32 $0xA000, s5;
	s11 =	sadd.s32 $0xC000, s5  }
0xf: {  	s12 =	sadd.s32 $0xE000, s5;
	s13 =	sadd.s32 $0x10000, s5;
	s14 =	sadd.s32 $0x12000, s5  }
0x10: {  	s23 =	sadd.s32 $0x1A600, s15;
	s15 =	smax.u32 s17, $0x1;
	s16 =	sadd.s32 $0x10800, s31  }
0x11: {  	v0 =	vimm.f32 $0.0e+00;
	s17 =	sadd.s32 $0x6A00, s31;
	s23 =	sadd.s32 s24, s23;
	s24 =	simm.s32 $0x0  }
.LBB2_1:
0x12: {  	s25 =	simm.s32 $0x0;
	s26 =	simm.s32 $0x200  }
.LBB2_2:
0x13: {  	p0 =	sne.s32 s26, $0x7E00;
	[tilespmem:s25+$0x4170] =	vst v0  }
0x14: {  	[tilespmem:s25+$0x4100] =	vst v0  }
0x15: {  	[tilespmem:s25+$0x4110] =	vst v0  }
.Ltmp0:
0x16: {  	[tilespmem:s25+$0x4120] =	vst v0;
	(pc) =	sbr.rel @p0 .LBB2_2-.Ltmp0, $4  }
0x17: {  	[tilespmem:s25+$0x4130] =	vst v0  }
0x18: {  	[tilespmem:s25+$0x4140] =	vst v0  }
0x19: {  	[tilespmem:s25+$0x4150] =	vst v0  }
0x1a: {  	[tilespmem:s25+$0x4160] =	vst v0;
	s25 =	sshra.s32 s26, $0x2;
	s26 =	sadd.s32 $0x200, s26  }
0x1b: {  	[tilespmem:s25+$0x4170] =	vst v0  }
0x1c: {  	[tilespmem:s25+$0x4100] =	vst v0  }
0x1d: {  	[tilespmem:s25+$0x4110] =	vst v0  }
0x1e: {  	[tilespmem:s25+$0x4120] =	vst v0  }
0x1f: {  	[tilespmem:s25+$0x4130] =	vst v0  }
0x20: {  	[tilespmem:s25+$0x4140] =	vst v0  }
0x21: {  	[tilespmem:s25+$0x4150] =	vst v0  }
0x22: {  	[tilespmem:s25+$0x4160] =	vst v0  }
0x23: {  	[spmem:s5] =	stream.linear.scatter [tilespmem:s18], [sflag:$0x2], $0x2000, $0x38;
	[tilespmem:$0x1A100] =	vst v63  }
0x24: {  	_ =	swait.ge [sflag:s19], $0x2000  }
0x25: {  	[sflag:s19] =	ssyncset.done $0x0  }
0x26: {  	[sflag:s19] =	ssyncadd.s32 $0xFFFFE000  }
0x27: {  	[spmem:s6] =	stream.linear.scatter [tilespmem:s18], [sflag:$0x2], $0x2000, $0x38;
	[tilespmem:$0x1A100] =	vst v63  }
0x28: {  	_ =	swait.ge [sflag:s19], $0x2000  }
0x29: {  	[sflag:s19] =	ssyncset.done $0x0  }
0x2a: {  	[sflag:s19] =	ssyncadd.s32 $0xFFFFE000  }
0x2b: {  	[spmem:s7] =	stream.linear.scatter [tilespmem:s18], [sflag:$0x2], $0x2000, $0x38;
	[tilespmem:$0x1A100] =	vst v63  }
0x2c: {  	_ =	swait.ge [sflag:s19], $0x2000  }
0x2d: {  	[sflag:s19] =	ssyncset.done $0x0  }
0x2e: {  	[sflag:s19] =	ssyncadd.s32 $0xFFFFE000  }
0x2f: {  	[spmem:s8] =	stream.linear.scatter [tilespmem:s18], [sflag:$0x2], $0x2000, $0x38;
	[tilespmem:$0x1A100] =	vst v63  }
0x30: {  	_ =	swait.ge [sflag:s19], $0x2000  }
0x31: {  	[sflag:s19] =	ssyncset.done $0x0  }
0x32: {  	[sflag:s19] =	ssyncadd.s32 $0xFFFFE000  }
0x33: {  	[spmem:s9] =	stream.linear.scatter [tilespmem:s18], [sflag:$0x2], $0x2000, $0x38;
	[tilespmem:$0x1A100] =	vst v63  }
0x34: {  	_ =	swait.ge [sflag:s19], $0x2000  }
0x35: {  	[sflag:s19] =	ssyncset.done $0x0  }
0x36: {  	[sflag:s19] =	ssyncadd.s32 $0xFFFFE000  }
0x37: {  	[spmem:s10] =	stream.linear.scatter [tilespmem:s18], [sflag:$0x2], $0x2000, $0x38;
	[tilespmem:$0x1A100] =	vst v63  }
0x38: {  	_ =	swait.ge [sflag:s19], $0x2000  }
0x39: {  	[sflag:s19] =	ssyncset.done $0x0  }
0x3a: {  	[sflag:s19] =	ssyncadd.s32 $0xFFFFE000  }
0x3b: {  	[spmem:s11] =	stream.linear.scatter [tilespmem:s18], [sflag:$0x2], $0x2000, $0x38;
	[tilespmem:$0x1A100] =	vst v63  }
0x3c: {  	_ =	swait.ge [sflag:s19], $0x2000  }
0x3d: {  	[sflag:s19] =	ssyncset.done $0x0  }
0x3e: {  	[sflag:s19] =	ssyncadd.s32 $0xFFFFE000  }
0x3f: {  	[spmem:s12] =	stream.linear.scatter [tilespmem:s18], [sflag:$0x2], $0x2000, $0x38;
	[tilespmem:$0x1A100] =	vst v63  }
0x40: {  	_ =	swait.ge [sflag:s19], $0x2000  }
0x41: {  	[sflag:s19] =	ssyncset.done $0x0  }
0x42: {  	[sflag:s19] =	ssyncadd.s32 $0xFFFFE000  }
0x43: {  	[spmem:s13] =	stream.linear.scatter [tilespmem:s18], [sflag:$0x2], $0x2000, $0x38;
	[tilespmem:$0x1A100] =	vst v63  }
0x44: {  	_ =	swait.ge [sflag:s19], $0x2000  }
0x45: {  	[sflag:s19] =	ssyncset.done $0x0  }
0x46: {  	[sflag:s19] =	ssyncadd.s32 $0xFFFFE000  }
0x47: {  	[spmem:s14] =	stream.linear.scatter [tilespmem:s18], [sflag:$0x2], $0x2000, $0x38;
	[tilespmem:$0x1A100] =	vst v63  }
0x48: {  	_ =	swait.ge [sflag:s19], $0x2000  }
0x49: {  	[sflag:s19] =	ssyncset.done $0x0  }
0x4a: {  	[sflag:s19] =	ssyncadd.s32 $0xFFFFE000  }
0x4b: {  	s30 =	sadd.s32 $0x0, s17;
	[bflag:$0x0] =	sbarrier.arrive $0xFFFF  }
0x4c: {  	[tilespmem:s4], [sflag:$0x2] =	stream.linear.gather [hbm4b:s30+s4], $0x80, $0x38;
	[tilespmem:$0x1A100] =	vst v63  }
0x4d: {  	_ =	swait.ge [sflag:s19], $0x80  }
0x4e: {  	[sflag:s19] =	ssyncset.done $0x0  }
0x4f: {  	s31 =	sadd.s32 $0x0, s16;
	[sflag:s19] =	ssyncadd.s32 $0xFFFFFF80  }
0x50: {  	[tilespmem:s20], [sflag:$0x2] =	stream.linear.gather [hbm4b:s31+s4], $0x80, $0x38;
	[tilespmem:$0x1A100] =	vst v63  }
0x51: {  	_ =	swait.ge [sflag:s19], $0x80  }
0x52: {  	[sflag:s19] =	ssyncset.done $0x0  }
0x53: {  	[sflag:s19] =	ssyncadd.s32 $0xFFFFFF80  }
0x54: {  	[tilespmem:s21], [sflag:$0x1] =	stream.indirect.gather [hbm4b:s2+s20], $0x80, s4, s20, $0xb8;
	[tilespmem:$0x1A100] =	vst v63  }
0x55: {  	_ =	swait.ge [sflag:s22], $0x4000  }
0x56: {  	[sflag:s22] =	ssyncset.done $0x0  }
0x57: {  	[sflag:s22] =	ssyncadd.s32 $0xFFFFC000  }
0x58: {  	[spmem:s3] =	stream.indirect.scatter.add.f32 [tilespmem:s21], [sflag:$0x2], $0x80, s20, s20, $0xb8;
	[tilespmem:$0x1A100] =	vst v63  }
0x59: {  	_ =	swait.ge [sflag:s19], $0x4000  }
0x5a: {  	s25 =	simm.s32 $0x10;
	s26 =	simm.s32 $0x20;
	[sflag:s19] =	ssyncset.done $0x0  }
.LBB2_4:
0x5b: {  	s28 =	sadd.s32 s25, s17  }
0x5c: {  	[sflag:s19] =	ssyncadd.s32 $0xFFFFC000;
	s29 =	smov.u32 s26;
	s30 =	sadd.s32 $0x10, s26  }
0x5d: {  	[tilespmem:s4], [sflag:$0x2] =	stream.linear.gather [hbm4b:s28+s4], $0x80, $0x38;
	[tilespmem:$0x1A100] =	vst v63  }
0x5e: {  	p0 =	sne.s32 s26, $0x4E0;
	_ =	swait.ge [sflag:s19], $0x80  }
0x5f: {  	[sflag:s19] =	ssyncset.done $0x0  }
0x60: {  	s26 =	sadd.s32 s25, s16;
	s25 =	smov.u32 s29;
	[sflag:s19] =	ssyncadd.s32 $0xFFFFFF80  }
0x61: {  	[tilespmem:s20], [sflag:$0x2] =	stream.linear.gather [hbm4b:s26+s4], $0x80, $0x38;
	[tilespmem:$0x1A100] =	vst v63  }
0x62: {  	_ =	swait.ge [sflag:s19], $0x80  }
0x63: {  	[sflag:s19] =	ssyncset.done $0x0  }
0x64: {  	[sflag:s19] =	ssyncadd.s32 $0xFFFFFF80  }
0x65: {  	[tilespmem:s21], [sflag:$0x1] =	stream.indirect.gather [hbm4b:s2+s20], $0x80, s4, s20, $0xb8;
	[tilespmem:$0x1A100] =	vst v63  }
0x66: {  	_ =	swait.ge [sflag:s22], $0x4000  }
.Ltmp1:
0x67: {  	[sflag:s22] =	ssyncset.done $0x0;
	(pc) =	sbr.rel @p0 .LBB2_4-.Ltmp1, $4  }
0x68: {  	[sflag:s22] =	ssyncadd.s32 $0xFFFFC000  }
0x69: {  	[spmem:s3] =	stream.indirect.scatter.add.f32 [tilespmem:s21], [sflag:$0x2], $0x80, s20, s20, $0xb8;
	[tilespmem:$0x1A100] =	vst v63  }
0x6a: {  	_ =	swait.ge [sflag:s19], $0x4000  }
0x6b: {  	s26 =	smov.u32 s30;
	[sflag:s19] =	ssyncset.done $0x0  }
0x6c: {  	s26 =	sadd.s32 s25, s17;
	[sflag:s19] =	ssyncadd.s32 $0xFFFFC000  }
0x6d: {  	[tilespmem:s4], [sflag:$0x2] =	stream.linear.gather [hbm4b:s26+s4], $0x80, $0x38;
	[tilespmem:$0x1A100] =	vst v63  }
0x6e: {  	_ =	swait.ge [sflag:s19], $0x80  }
0x6f: {  	[sflag:s19] =	ssyncset.done $0x0  }
0x70: {  	s29 =	sadd.s32 s25, s16;
	[sflag:s19] =	ssyncadd.s32 $0xFFFFFF80  }
0x71: {  	[tilespmem:s20], [sflag:$0x2] =	stream.linear.gather [hbm4b:s29+s4], $0x80, $0x38;
	[tilespmem:$0x1A100] =	vst v63  }
0x72: {  	_ =	swait.ge [sflag:s19], $0x80  }
0x73: {  	[sflag:s19] =	ssyncset.done $0x0  }
0x74: {  	[sflag:s19] =	ssyncadd.s32 $0xFFFFFF80  }
0x75: {  	[tilespmem:s21], [sflag:$0x1] =	stream.indirect.gather [hbm4b:s2+s20], $0x80, s4, s20, $0xb8;
	[tilespmem:$0x1A100] =	vst v63  }
0x76: {  	_ =	swait.ge [sflag:s22], $0x4000  }
0x77: {  	[sflag:s22] =	ssyncset.done $0x0  }
0x78: {  	[sflag:s22] =	ssyncadd.s32 $0xFFFFC000  }
0x79: {  	[spmem:s3] =	stream.indirect.scatter.add.f32 [tilespmem:s21], [sflag:$0x2], $0x80, s20, s20, $0xb8;
	[tilespmem:$0x1A100] =	vst v63  }
0x7a: {  	_ =	swait.ge [sflag:s19], $0x4000  }
0x7b: {  	s30 =	sshll.u32 s1, $0x6;
	s24 =	sadd.s32 $0x1, s24;
	[sflag:s19] =	ssyncset.done $0x0  }
0x7c: {  	s31 =	sshrl.u32 s5, $0x3;
	p0 =	sne.s32 s24, s15;
	[sflag:s19] =	ssyncadd.s32 $0xFFFFC000  }
.Ltmp2:
0x7d: {  	s25 =	sor.u32 $0x1C02, s30;
	[bflag:$0x0] =	sbarrier.arrive $0xFFFF;
	(pc) =	sbr.rel @p0 .LBB2_1-.Ltmp2, $4  }
0x7e: {  	[hbm:s23], [sflag:s25] =	dma.local [spmem:s31], $0x2800  }
0x7f: {  	_ =	swait.ge [sflag:s19], $0x2800  }
0x80: {  	[sflag:s19] =	ssyncset.done $0x0  }
0x81: {  	[sflag:s19] =	ssyncadd.s32 $0xFFFFD800  }
0x82: {  	_ =	sfence.sel $0x180000  }
0x83: {  	[bflag:$0x0] =	sbarrier.arrive $0xFFFF  }
0x84: {  	p0 =	sne.s32 s1, $0x0;
	_ =	strace $0x90000047  }
0x85: {  	s0 =	sadd.s32 @!p0 $0x100000, s0;
	[bflag:$0x2] =	sbarrier.arrive $0xFFFF  }
0x86: {  	[sflag:s0] =	ssyncadd.tile.s32 @!p0 $0x1;
	_ =	shalt  }
.Lfunc_end2:
_tile_overlayer_lowered:
.L_overlay_start_2:
0x87: {  	(tag) =	ssettag $0x2  }
0x88: {  	s0 =	rddreg [dreg:$0x0];
	s2 =	stileid.u32  }
0x89: {  	s1 =	rddreg [dreg:$0x1];
	p0 =	sne.s32 s2, $0x0  }
0x8a: {  	s3 =	rddreg [dreg:$0x2];
	[bflag:$0x3] =	sbarrier.arrive $0xFFFF;
	s2 =	simm.s32 @!p0 $0x1C02  }
0x8b: {  	[timem:s3], [sflag:s2] =	dma.local @!p0 [hbm:s0], s1  }
0x8c: {  	s0 =	simm.s32 @!p0 $0x2  }
0x8d: {  	_ =	swait.ge @!p0 [sflag:s0], s1  }
0x8e: {  	s1 =	ssub.s32 @!p0 $0x0, s1;
	[sflag:s0] =	ssyncset.done @!p0 $0x0  }
0x8f: {  	[sflag:s0] =	ssyncadd.s32 @!p0 s1  }
0x90: {  	[bflag:$0x3] =	sbarrier.arrive $0xFFFF  }
0x91: {  	_ =	shalt  }

// kernel: kernel.19.cloned.1.call-start
scs
__scs_entry_jumppad:
0x0: {  	(pc) =	sbr.rel $0x88, $3  }
0x1: {  	(tag) =	ssettag $0x0;
	lr =	simm.s32 $0x1  }
0x2: {  	[smem:$0x3F84] =	sst lr;
	_ =	strace $0xD0000000  }
0x3: {  	_ = 	snop  }
0x4: {  	_ = 	snop  }
0x5: {  	_ = 	snop  }
0x6: {  	_ = 	snop  }
0x7: {  	_ = 	snop  }
__scs_overlays_trampoline_lowered:
0x8: {  	[smem:$0x3F93] =	sst s0  }
0x9: {  	[smem:$0x3F94] =	sst s1  }
0xa: {  	[smem:$0x3F95] =	sst s2  }
0xb: {  	[smem:$0x3F96] =	sst s3  }
0xc: {  	[smem:$0x3F97] =	sst s4  }
0xd: {  	[smem:$0x3F98] =	sst s5  }
0xe: {  	[smem:$0x3F99] =	sst s6  }
0xf: {  	[smem:$0x3F9A] =	sst s7  }
0x10: {  	[smem:$0x3F9B] =	sst s8  }
0x11: {  	[smem:$0x3F9C] =	sst s9;
	s0 =	simm.s32 @!p0 $0x0  }
0x12: {  	s1 =	sld [smem:$0x3F82];
	s0 =	simm.s32 @p0 $0x1  }
0x13: {  	[smem:$0x3F9D] =	sst s0;
	s0 =	simm.s32 @!p1 $0x0  }
0x14: {  	s2 =	sld [smem:$0x3F81];
	s0 =	simm.s32 @p1 $0x1  }
0x15: {  	[smem:$0x3F9E] =	sst s0;
	s0 =	simm.s32 @!p2 $0x0  }
0x16: {  	s3 =	sld [smem:$0x3FDB];
	s0 =	simm.s32 @p2 $0x1  }
0x17: {  	s4 =	simm.s32 $0x1BF5;
	[smem:$0x3FA0] =	sst s0  }
0x18: {  	s0 =	sld [smem:$0x3F83];
	_ =	swait.ge [sflag:s4], $0x0  }
0x19: {  	s7 =	sld [smem:$0x3F84]  }
0x1a: {  	s8 =	sadd.s32 $0xFFFFE003, lr  }
0x1b: {  	s9 =	sadd.s32 $0xFFFFFEF7, lr;
	s5 =	simm.s32 $0xFFFFFFFF;
	p2 =	slt.u32 s8, $0xFFFFF086  }
0x1c: {  	p1 =	slt.u32 s9, $0xF7A;
	s5 =	simm.s32 @!p2 $0x0  }
0x1d: {  	s5 =	simm.s32 @p1 $0x1;
	p0 =	seq.s32 s7, s2  }
0x1e: {  	s7 =	smul.u32 @!p0 $0xF7A, s2;
	p2 =	seq.s32 @!p0 s5, $0x0  }
0x1f: {  	s9 =	smul.u32 $0xF7A, s1;
	s8 =	simm.s32 @!p0 $0x1BF5;
	p2 =	por !p2, p0  }
0x20: {  	[sflag:s8] =	ssyncset.s32 @!p0 $0xFFFFF086;
	s6 =	sadd.s32 @!p0 s3, s7;
	s7 =	simm.s32 @!p0 $0x108  }
0x21: {  	s3 =	sadd.s32 s3, s9;
	s6 =	sadd.s32 @!p0 $0x88, s6;
	s7 =	simm.s32 @p2 $0x1082  }
0x22: {  	[simem:s7], [sflag:s8] =	dma.local @!p0 [hbm:s6], $0xF7A  }
0x23: {  	s9 =	sor.u32 $0xD0000000, s2;
	s6 =	simm.s32 $0x108;
	_ =	swait.ge @!p0 [sflag:s8], $0x0  }
0x24: {  	s3 =	sadd.s32 $0x88, s3;
	s6 =	simm.s32 @!p1 $0x1082;
	[sflag:s4] =	ssyncset.s32 $0xFFFFF086  }
0x25: {  	[simem:s6], [sflag:s4] =	dma.local [hbm:s3], $0xF7A  }
0x26: {  	[smem:$0x3F84] =	sst s1;
	(tag) =	ssettag s2;
	_ =	strace s9  }
0x27: {  	s1 =	sld [smem:$0x3F94]  }
0x28: {  	s2 =	sld [smem:$0x3F95]  }
0x29: {  	s4 =	sld [smem:$0x3F97]  }
0x2a: {  	p0 =	seq.s32 s5, $0x0;
	s5 =	sld [smem:$0x3F98]  }
0x2b: {  	s6 =	sld [smem:$0x3F99]  }
0x2c: {  	s7 =	sld [smem:$0x3F9A]  }
0x2d: {  	s3 =	simm.s32 $0x108;
	s8 =	sld [smem:$0x3F9B]  }
0x2e: {  	s3 =	simm.s32 @!p0 $0x1082;
	s9 =	sld [smem:$0x3F9C]  }
0x2f: {  	lr =	sadd.s32 s0, s3;
	s0 =	sld [smem:$0x3F93]  }
0x30: {  	s3 =	sld [smem:$0x3F96]  }
0x31: {  	[smem:$0x3F9F] =	sst s10  }
0x32: {  	s10 =	sld [smem:$0x3F9D];
	_ =	sdelay $0x3  }
0x33: {  	p0 =	seq.s32 s10, $0x1;
	s10 =	sld [smem:$0x3F9F];
	_ =	sdelay $0x3  }
0x34: {  	[smem:$0x3F9F] =	sst s10  }
0x35: {  	s10 =	sld [smem:$0x3F9E];
	_ =	sdelay $0x3  }
0x36: {  	p1 =	seq.s32 s10, $0x1;
	s10 =	sld [smem:$0x3F9F];
	_ =	sdelay $0x3  }
0x37: {  	[smem:$0x3F9F] =	sst s10  }
0x38: {  	s10 =	sld [smem:$0x3FA0]  }
0x39: {  	_ = 	snop;
	(pc) =	sbr.ind lr, $3  }
0x3a: {  	_ = 	snop  }
0x3b: {  	_ = 	snop  }
0x3c: {  	p2 =	seq.s32 s10, $0x1;
	s10 =	sld [smem:$0x3F9F]  }
0x3d: {  	_ =	shalt  }
0x3e: {  	_ =	shalt  }
0x3f: {  	_ =	shalt  }
0x40: {  	_ =	shalt  }
0x41: {  	_ =	shalt  }
0x42: {  	_ =	shalt  }
0x43: {  	_ =	shalt  }
0x44: {  	_ =	shalt  }
0x45: {  	_ =	shalt  }
0x46: {  	_ =	shalt  }
0x47: {  	_ =	shalt  }
0x48: {  	_ =	shalt  }
0x49: {  	_ =	shalt  }
0x4a: {  	_ =	shalt  }
0x4b: {  	_ =	shalt  }
0x4c: {  	_ =	shalt  }
0x4d: {  	_ =	shalt  }
0x4e: {  	_ =	shalt  }
0x4f: {  	_ =	shalt  }
0x50: {  	_ =	shalt  }
0x51: {  	_ =	shalt  }
0x52: {  	_ =	shalt  }
0x53: {  	_ =	shalt  }
0x54: {  	_ =	shalt  }
0x55: {  	_ =	shalt  }
0x56: {  	_ =	shalt  }
0x57: {  	_ =	shalt  }
0x58: {  	_ =	shalt  }
0x59: {  	_ =	shalt  }
0x5a: {  	_ =	shalt  }
0x5b: {  	_ =	shalt  }
0x5c: {  	_ =	shalt  }
0x5d: {  	_ =	shalt  }
0x5e: {  	_ =	shalt  }
0x5f: {  	_ =	shalt  }
0x60: {  	_ =	shalt  }
0x61: {  	_ =	shalt  }
0x62: {  	_ =	shalt  }
0x63: {  	_ =	shalt  }
0x64: {  	_ =	shalt  }
0x65: {  	_ =	shalt  }
0x66: {  	_ =	shalt  }
0x67: {  	_ =	shalt  }
0x68: {  	_ =	shalt  }
0x69: {  	_ =	shalt  }
0x6a: {  	_ =	shalt  }
0x6b: {  	_ =	shalt  }
0x6c: {  	_ =	shalt  }
0x6d: {  	_ =	shalt  }
0x6e: {  	_ =	shalt  }
0x6f: {  	_ =	shalt  }
0x70: {  	_ =	shalt  }
0x71: {  	_ =	shalt  }
0x72: {  	_ =	shalt  }
0x73: {  	_ =	shalt  }
0x74: {  	_ =	shalt  }
0x75: {  	_ =	shalt  }
0x76: {  	_ =	shalt  }
0x77: {  	_ =	shalt  }
0x78: {  	_ =	shalt  }
0x79: {  	_ =	shalt  }
0x7a: {  	_ =	shalt  }
0x7b: {  	_ =	shalt  }
0x7c: {  	_ =	shalt  }
0x7d: {  	_ =	shalt  }
0x7e: {  	_ =	shalt  }
0x7f: {  	_ =	shalt  }
0x80: {  	_ =	shalt  }
0x81: {  	_ =	shalt  }
0x82: {  	_ =	shalt  }
0x83: {  	_ =	shalt  }
0x84: {  	_ =	shalt  }
0x85: {  	_ =	shalt  }
0x86: {  	_ =	shalt  }
0x87: {  	_ =	shalt  }
.Lfunc_end0:
.L_simem_size_0:
called_computation.1_lowered:
.L_overlay_start_0:
0x88: {  	s2 =	sld [smem:$0x3FD9]  }
0x89: {  	s3 =	sld [smem:$0x3FFE];
	_ =	sdelay $0x1  }
0x8a: {  	s1 =	srdreg.scid  }
0x8b: {  	s0 =	sand.u32 $0x1, s1  }
0x8c: {  	s16 =	sshll.u32 s0, $0xA;
	s2 =	sadd.s32 s3, s2  }
0x8d: {  	s2 =	sadd.s32 s2, s16  }
0x8e: {  	[smem:$0x3FAB] =	sst s2  }
0x8f: {  	_ = 	snop  }
0x90: {  	(tm) =	ssettm $0x1  }
0x91: {  	s17 =	sld [smem:$0x3FFB];
	_ =	sdelay $0x3  }
0x92: {  	_ =	strace s17  }
0x93: {  	s2 =	sld [smem:$0x3FFC];
	_ =	sdelay $0x3  }
0x94: {  	_ =	strace s2  }
0x95: {  	s2 =	sld [smem:$0x3FFD];
	_ =	sdelay $0x3  }
0x96: {  	_ =	strace s2  }
0x97: {  	_ =	strace $0x8FFFFFFF  }
0x98: {  	s18 =	sld [smem:$0x3FDB];
	_ =	sdelay $0x1  }
0x99: {  	s19 =	simm.s32 $_scs_section_size  }
0x9a: {  	s4 =	simm.s32 $_size__tile_overlayer_lowered;
	s5 =	simm.s32 $_tile_overlayer_lowered  }
0x9b: {  	s22 =	simm.s32 $0x1BFF;
	s21 =	sshll.u32 s5, $0x1;
	s2 =	sadd.s32 s19, s18  }
0x9c: {  	s6 =	simm.s32 $0x0;
	s20 =	sshll.u32 s4, $0x1;
	s4 =	sadd.s32 s21, s2  }
0x9d: {  	[timem:s6], [sflag:s22] =	dma.local [hbm:s4], s20  }
0x9e: {  	_ =	swait.ge [sflag:s22], s20  }
0x9f: {  	s3 =	ssub.s32 $0x0, s20;
	[sflag:s22] =	ssyncset.done $0x0  }
0xa0: {  	[sflag:s22] =	ssyncadd.s32 s3;
	_ =	sdelay $0x1  }
0xa1: {  	s23 =	simm.s32 $0x1B8B  }
0xa2: {  	_ =	swait.ge [sflag:s23], $0x1  }
0xa3: {  	[sflag:s23] =	ssyncset.done $0x0  }
0xa4: {  	s25 =	simm.s32 $0x1B8E;
	s24 =	sld [smem:$0x3FFE];
	[sflag:s23] =	ssyncadd.s32 $0xFFFFFFFF  }
0xa5: {  	s26 =	simm.s32 $execute0_lowered;
	[smem:$0x3FD2] =	sst s25  }
0xa6: {  	s4 =	sshll.u32 s26, $0x1;
	_ =	strace $0x80000049;
	[dreg:$0x1] =	wrdreg $0xFFFFFFFF  }
0xa7: {  	s28 =	simm.s32 $_size_execute0_lowered;
	s2 =	sadd.s32 s2, s4;
	[dreg:$0x0] =	wrdreg $0x0  }
0xa8: {  	s4 =	sshll.u32 s28, $0x1;
	[dreg:$0x2] =	wrdreg s2  }
0xa9: {  	[dreg:$0x3] =	wrdreg s4  }
0xaa: {  	[dreg:$0x4] =	wrdreg $0xC0  }
0xab: {  	_ =	task [dreg:s6], $0x5FFFF  }
0xac: {  	[dreg:$0x1] =	wrdreg $0xFFFFFFFF  }
0xad: {  	[dreg:$0x0] =	wrdreg $0x60  }
0xae: {  	[dreg:$0x2] =	wrdreg s24  }
0xaf: {  	[dreg:$0x3] =	wrdreg $0x61000  }
0xb0: {  	[dreg:$0x4] =	wrdreg $0x9  }
0xb1: {  	_ =	task.clear_ibuf [dreg:s6], $0x5FFFF;
	_ =	strace $0x90000049  }
0xb2: {  	s29 =	simm.s32 $0x9;
	_ =	strace $0x8000004B  }
0xb3: {  	_ =	swait.ge [sflag:s29], $0x1  }
0xb4: {  	[sflag:s29] =	ssyncadd.s32 $0xFFFFFFFF  }
0xb5: {  	_ =	strace $0x9000004B  }
0xb6: {  	_ =	sfence  }
0xb7: {  	s30 =	sld [smem:$0x0];
	_ =	sdelay $0x2  }
0xb8: {  	s31 =	sshll.u32 s1, $0xD;
	s1 =	sshrl.u32 s1, $0x2  }
0xb9: {  	s3 =	sand.u32 $0x4000, s31;
	s1 =	sadd.s32 s1, s30  }
0xba: {  	s0 =	sor.u32 s3, s0;
	s1 =	sshll.u32 s1, $0x11  }
0xbb: {  	s0 =	sor.u32 s1, s0  }
0xbc: {  	s0 =	sadd.s32 $0x8F2B, s0  }
0xbd: {  	[sflag:s0] =	ssyncadd.remote.s32 $0x1  }
0xbe: {  	_ =	sfence.sel $0xFFFF  }
0xbf: {  	[dreg:$0x0] =	wrdreg $0xFFFFFFFF;
	(pc) =	sbr.abs _section_cstart, $3  }
0xc0: {  	[dreg:$0x1] =	wrdreg $0xFFFFFFFF  }
0xc1: {  	_ =	task.clear_ibuf [dreg:s6], $0x2FFFF;
	_ =	strace $0x9FFFFFFF  }
0xc2: {  	(tm) =	ssettm $0x7FFFFFFF  }
0xc3: {  	_ =	shalt  }
tec
execute0_lowered:
.L_overlay_start_1:
0x0: {  	(tag) =	ssettag $0x1  }
0x1: {  	s5 =	rddreg [dreg:$0x0]  }
0x2: {  	s2 =	rddreg [dreg:$0x1]  }
0x3: {  	s0 =	rddreg [dreg:$0x2];
	s1 =	stileid.u32  }
0x4: {  	s3 =	simm.s32 $0x0;
	s4 =	srdreg.scid;
	s19 =	simm.s32 $0x2  }
0x5: {  	s20 =	simm.s32 $0x80;
	s21 =	simm.s32 $0x100;
	s6 =	smul.u32 $0x9E0, s1  }
0x6: {  	s22 =	simm.s32 $0x1;
	[smem:$0x7FF] =	sst s3;
	s7 =	smul.u32 $0x50000, s1  }
0x7: {  	s13 =	sand.u32 $0x1, s4;
	s4 =	sadd.s32 $0x1A600, s5;
	s24 =	smul.u32 $0x2800, s1  }
0x8: {  	_ =	strace $0x8000004A;
	s8 =	smul.u32 $0x28000, s13;
	s29 =	ssub.s32 $0x2, s13  }
0x9: {  	s18 =	smul.u32 $0x4F0, s13;
	s16 =	sadd.s32 s6, s5;
	s7 =	sshrl.u32 s7, $0x2  }
0xa: {  	s30 =	sshrl.u32 s29, $0x1;
	s15 =	sadd.s32 s8, s5;
	s5 =	sadd.s32 s7, s2  }
0xb: {  	s17 =	ssub.s32 s29, s30;
	s31 =	sadd.s32 s18, s16;
	s18 =	simm.s32 $0x4100  }
0xc: {  	s6 =	sadd.s32 $0x2000, s5;
	s7 =	sadd.s32 $0x4000, s5;
	s8 =	sadd.s32 $0x6000, s5  }
0xd: {  	s9 =	sadd.s32 $0x8000, s5;
	s10 =	sadd.s32 $0xA000, s5;
	s11 =	sadd.s32 $0xC000, s5  }
0xe: {  	s12 =	sadd.s32 $0xE000, s5;
	s13 =	sadd.s32 $0x10000, s5;
	s14 =	sadd.s32 $0x12000, s5  }
0xf: {  	s23 =	sadd.s32 $0x41800, s15;
	s15 =	smax.u32 s17, $0x1;
	s16 =	sadd.s32 $0x10800, s31  }
0x10: {  	v0 =	vimm.f32 $0.0e+00;
	s17 =	sadd.s32 $0x6A00, s31;
	s23 =	sadd.s32 s24, s23;
	s24 =	simm.s32 $0x0  }
.LBB2_1:
0x11: {  	s25 =	simm.s32 $0x0;
	s26 =	simm.s32 $0x200  }
.LBB2_2:
0x12: {  	p0 =	sne.s32 s26, $0x7E00;
	[tilespmem:s25+$0x4170] =	vst v0  }
0x13: {  	[tilespmem:s25+$0x4100] =	vst v0  }
0x14: {  	[tilespmem:s25+$0x4110] =	vst v0  }
.Ltmp0:
0x15: {  	[tilespmem:s25+$0x4120] =	vst v0;
	(pc) =	sbr.rel @p0 .LBB2_2-.Ltmp0, $4  }
0x16: {  	[tilespmem:s25+$0x4130] =	vst v0  }
0x17: {  	[tilespmem:s25+$0x4140] =	vst v0  }
0x18: {  	[tilespmem:s25+$0x4150] =	vst v0  }
0x19: {  	[tilespmem:s25+$0x4160] =	vst v0;
	s25 =	sshra.s32 s26, $0x2;
	s26 =	sadd.s32 $0x200, s26  }
0x1a: {  	[tilespmem:s25+$0x4170] =	vst v0  }
0x1b: {  	[tilespmem:s25+$0x4100] =	vst v0  }
0x1c: {  	[tilespmem:s25+$0x4110] =	vst v0  }
0x1d: {  	[tilespmem:s25+$0x4120] =	vst v0  }
0x1e: {  	[tilespmem:s25+$0x4130] =	vst v0  }
0x1f: {  	[tilespmem:s25+$0x4140] =	vst v0  }
0x20: {  	[tilespmem:s25+$0x4150] =	vst v0  }
0x21: {  	[tilespmem:s25+$0x4160] =	vst v0  }
0x22: {  	[spmem:s5] =	stream.linear.scatter [tilespmem:s18], [sflag:$0x2], $0x2000, $0x38;
	[tilespmem:$0x1A100] =	vst v63  }
0x23: {  	_ =	swait.ge [sflag:s19], $0x2000  }
0x24: {  	[sflag:s19] =	ssyncset.done $0x0  }
0x25: {  	[sflag:s19] =	ssyncadd.s32 $0xFFFFE000  }
0x26: {  	[spmem:s6] =	stream.linear.scatter [tilespmem:s18], [sflag:$0x2], $0x2000, $0x38;
	[tilespmem:$0x1A100] =	vst v63  }
0x27: {  	_ =	swait.ge [sflag:s19], $0x2000  }
0x28: {  	[sflag:s19] =	ssyncset.done $0x0  }
0x29: {  	[sflag:s19] =	ssyncadd.s32 $0xFFFFE000  }
0x2a: {  	[spmem:s7] =	stream.linear.scatter [tilespmem:s18], [sflag:$0x2], $0x2000, $0x38;
	[tilespmem:$0x1A100] =	vst v63  }
0x2b: {  	_ =	swait.ge [sflag:s19], $0x2000  }
0x2c: {  	[sflag:s19] =	ssyncset.done $0x0  }
0x2d: {  	[sflag:s19] =	ssyncadd.s32 $0xFFFFE000  }
0x2e: {  	[spmem:s8] =	stream.linear.scatter [tilespmem:s18], [sflag:$0x2], $0x2000, $0x38;
	[tilespmem:$0x1A100] =	vst v63  }
0x2f: {  	_ =	swait.ge [sflag:s19], $0x2000  }
0x30: {  	[sflag:s19] =	ssyncset.done $0x0  }
0x31: {  	[sflag:s19] =	ssyncadd.s32 $0xFFFFE000  }
0x32: {  	[spmem:s9] =	stream.linear.scatter [tilespmem:s18], [sflag:$0x2], $0x2000, $0x38;
	[tilespmem:$0x1A100] =	vst v63  }
0x33: {  	_ =	swait.ge [sflag:s19], $0x2000  }
0x34: {  	[sflag:s19] =	ssyncset.done $0x0  }
0x35: {  	[sflag:s19] =	ssyncadd.s32 $0xFFFFE000  }
0x36: {  	[spmem:s10] =	stream.linear.scatter [tilespmem:s18], [sflag:$0x2], $0x2000, $0x38;
	[tilespmem:$0x1A100] =	vst v63  }
0x37: {  	_ =	swait.ge [sflag:s19], $0x2000  }
0x38: {  	[sflag:s19] =	ssyncset.done $0x0  }
0x39: {  	[sflag:s19] =	ssyncadd.s32 $0xFFFFE000  }
0x3a: {  	[spmem:s11] =	stream.linear.scatter [tilespmem:s18], [sflag:$0x2], $0x2000, $0x38;
	[tilespmem:$0x1A100] =	vst v63  }
0x3b: {  	_ =	swait.ge [sflag:s19], $0x2000  }
0x3c: {  	[sflag:s19] =	ssyncset.done $0x0  }
0x3d: {  	[sflag:s19] =	ssyncadd.s32 $0xFFFFE000  }
0x3e: {  	[spmem:s12] =	stream.linear.scatter [tilespmem:s18], [sflag:$0x2], $0x2000, $0x38;
	[tilespmem:$0x1A100] =	vst v63  }
0x3f: {  	_ =	swait.ge [sflag:s19], $0x2000  }
0x40: {  	[sflag:s19] =	ssyncset.done $0x0  }
0x41: {  	[sflag:s19] =	ssyncadd.s32 $0xFFFFE000  }
0x42: {  	[spmem:s13] =	stream.linear.scatter [tilespmem:s18], [sflag:$0x2], $0x2000, $0x38;
	[tilespmem:$0x1A100] =	vst v63  }
0x43: {  	_ =	swait.ge [sflag:s19], $0x2000  }
0x44: {  	[sflag:s19] =	ssyncset.done $0x0  }
0x45: {  	[sflag:s19] =	ssyncadd.s32 $0xFFFFE000  }
0x46: {  	[spmem:s14] =	stream.linear.scatter [tilespmem:s18], [sflag:$0x2], $0x2000, $0x38;
	[tilespmem:$0x1A100] =	vst v63  }
0x47: {  	_ =	swait.ge [sflag:s19], $0x2000  }
0x48: {  	[sflag:s19] =	ssyncset.done $0x0  }
0x49: {  	[sflag:s19] =	ssyncadd.s32 $0xFFFFE000  }
0x4a: {  	s30 =	sadd.s32 $0x0, s17;
	[bflag:$0x0] =	sbarrier.arrive $0xFFFF  }
0x4b: {  	[tilespmem:s3], [sflag:$0x2] =	stream.linear.gather [hbm4b:s30+s3], $0x80, $0x38;
	[tilespmem:$0x1A100] =	vst v63  }
0x4c: {  	_ =	swait.ge [sflag:s19], $0x80  }
0x4d: {  	[sflag:s19] =	ssyncset.done $0x0  }
0x4e: {  	s31 =	sadd.s32 $0x0, s16;
	[sflag:s19] =	ssyncadd.s32 $0xFFFFFF80  }
0x4f: {  	[tilespmem:s20], [sflag:$0x2] =	stream.linear.gather [hbm4b:s31+s3], $0x80, $0x38;
	[tilespmem:$0x1A100] =	vst v63  }
0x50: {  	_ =	swait.ge [sflag:s19], $0x80  }
0x51: {  	[sflag:s19] =	ssyncset.done $0x0  }
0x52: {  	[sflag:s19] =	ssyncadd.s32 $0xFFFFFF80  }
0x53: {  	[tilespmem:s21], [sflag:$0x1] =	stream.indirect.gather [hbm4b:s4+s20], $0x80, s3, s20, $0xb8;
	[tilespmem:$0x1A100] =	vst v63  }
0x54: {  	_ =	swait.ge [sflag:s22], $0x4000  }
0x55: {  	[sflag:s22] =	ssyncset.done $0x0  }
0x56: {  	[sflag:s22] =	ssyncadd.s32 $0xFFFFC000  }
0x57: {  	[spmem:s2] =	stream.indirect.scatter.add.f32 [tilespmem:s21], [sflag:$0x2], $0x80, s20, s20, $0xb8;
	[tilespmem:$0x1A100] =	vst v63  }
0x58: {  	_ =	swait.ge [sflag:s19], $0x4000  }
0x59: {  	s25 =	simm.s32 $0x10;
	s26 =	simm.s32 $0x20;
	[sflag:s19] =	ssyncset.done $0x0  }
.LBB2_4:
0x5a: {  	s28 =	sadd.s32 s25, s17  }
0x5b: {  	[sflag:s19] =	ssyncadd.s32 $0xFFFFC000;
	s29 =	smov.u32 s26;
	s30 =	sadd.s32 $0x10, s26  }
0x5c: {  	[tilespmem:s3], [sflag:$0x2] =	stream.linear.gather [hbm4b:s28+s3], $0x80, $0x38;
	[tilespmem:$0x1A100] =	vst v63  }
0x5d: {  	p0 =	sne.s32 s26, $0x4E0;
	_ =	swait.ge [sflag:s19], $0x80  }
0x5e: {  	[sflag:s19] =	ssyncset.done $0x0  }
0x5f: {  	s26 =	sadd.s32 s25, s16;
	s25 =	smov.u32 s29;
	[sflag:s19] =	ssyncadd.s32 $0xFFFFFF80  }
0x60: {  	[tilespmem:s20], [sflag:$0x2] =	stream.linear.gather [hbm4b:s26+s3], $0x80, $0x38;
	[tilespmem:$0x1A100] =	vst v63  }
0x61: {  	_ =	swait.ge [sflag:s19], $0x80  }
0x62: {  	[sflag:s19] =	ssyncset.done $0x0  }
0x63: {  	[sflag:s19] =	ssyncadd.s32 $0xFFFFFF80  }
0x64: {  	[tilespmem:s21], [sflag:$0x1] =	stream.indirect.gather [hbm4b:s4+s20], $0x80, s3, s20, $0xb8;
	[tilespmem:$0x1A100] =	vst v63  }
0x65: {  	_ =	swait.ge [sflag:s22], $0x4000  }
.Ltmp1:
0x66: {  	[sflag:s22] =	ssyncset.done $0x0;
	(pc) =	sbr.rel @p0 .LBB2_4-.Ltmp1, $4  }
0x67: {  	[sflag:s22] =	ssyncadd.s32 $0xFFFFC000  }
0x68: {  	[spmem:s2] =	stream.indirect.scatter.add.f32 [tilespmem:s21], [sflag:$0x2], $0x80, s20, s20, $0xb8;
	[tilespmem:$0x1A100] =	vst v63  }
0x69: {  	_ =	swait.ge [sflag:s19], $0x4000  }
0x6a: {  	s26 =	smov.u32 s30;
	[sflag:s19] =	ssyncset.done $0x0  }
0x6b: {  	s26 =	sadd.s32 s25, s17;
	[sflag:s19] =	ssyncadd.s32 $0xFFFFC000  }
0x6c: {  	[tilespmem:s3], [sflag:$0x2] =	stream.linear.gather [hbm4b:s26+s3], $0x80, $0x38;
	[tilespmem:$0x1A100] =	vst v63  }
0x6d: {  	_ =	swait.ge [sflag:s19], $0x80  }
0x6e: {  	[sflag:s19] =	ssyncset.done $0x0  }
0x6f: {  	s29 =	sadd.s32 s25, s16;
	[sflag:s19] =	ssyncadd.s32 $0xFFFFFF80  }
0x70: {  	[tilespmem:s20], [sflag:$0x2] =	stream.linear.gather [hbm4b:s29+s3], $0x80, $0x38;
	[tilespmem:$0x1A100] =	vst v63  }
0x71: {  	_ =	swait.ge [sflag:s19], $0x80  }
0x72: {  	[sflag:s19] =	ssyncset.done $0x0  }
0x73: {  	[sflag:s19] =	ssyncadd.s32 $0xFFFFFF80  }
0x74: {  	[tilespmem:s21], [sflag:$0x1] =	stream.indirect.gather [hbm4b:s4+s20], $0x80, s3, s20, $0xb8;
	[tilespmem:$0x1A100] =	vst v63  }
0x75: {  	_ =	swait.ge [sflag:s22], $0x4000  }
0x76: {  	[sflag:s22] =	ssyncset.done $0x0  }
0x77: {  	[sflag:s22] =	ssyncadd.s32 $0xFFFFC000  }
0x78: {  	[spmem:s2] =	stream.indirect.scatter.add.f32 [tilespmem:s21], [sflag:$0x2], $0x80, s20, s20, $0xb8;
	[tilespmem:$0x1A100] =	vst v63  }
0x79: {  	_ =	swait.ge [sflag:s19], $0x4000  }
0x7a: {  	s30 =	sshll.u32 s1, $0x6;
	s24 =	sadd.s32 $0x1, s24;
	[sflag:s19] =	ssyncset.done $0x0  }
0x7b: {  	s31 =	sshrl.u32 s5, $0x3;
	p0 =	sne.s32 s24, s15;
	[sflag:s19] =	ssyncadd.s32 $0xFFFFC000  }
.Ltmp2:
0x7c: {  	s25 =	sor.u32 $0x1C02, s30;
	[bflag:$0x0] =	sbarrier.arrive $0xFFFF;
	(pc) =	sbr.rel @p0 .LBB2_1-.Ltmp2, $4  }
0x7d: {  	[hbm:s23], [sflag:s25] =	dma.local [spmem:s31], $0x2800  }
0x7e: {  	_ =	swait.ge [sflag:s19], $0x2800  }
0x7f: {  	[sflag:s19] =	ssyncset.done $0x0  }
0x80: {  	[sflag:s19] =	ssyncadd.s32 $0xFFFFD800  }
0x81: {  	_ =	sfence.sel $0x180000  }
0x82: {  	[bflag:$0x0] =	sbarrier.arrive $0xFFFF  }
0x83: {  	p0 =	sne.s32 s1, $0x0;
	_ =	strace $0x9000004A  }
0x84: {  	s0 =	sadd.s32 @!p0 $0x100000, s0;
	[bflag:$0x2] =	sbarrier.arrive $0xFFFF  }
0x85: {  	[sflag:s0] =	ssyncadd.tile.s32 @!p0 $0x1;
	_ =	shalt  }
.Lfunc_end2:
_tile_overlayer_lowered:
.L_overlay_start_2:
0x86: {  	(tag) =	ssettag $0x2  }
0x87: {  	s0 =	rddreg [dreg:$0x0];
	s2 =	stileid.u32  }
0x88: {  	s1 =	rddreg [dreg:$0x1];
	p0 =	sne.s32 s2, $0x0  }
0x89: {  	s3 =	rddreg [dreg:$0x2];
	[bflag:$0x3] =	sbarrier.arrive $0xFFFF;
	s2 =	simm.s32 @!p0 $0x1C02  }
0x8a: {  	[timem:s3], [sflag:s2] =	dma.local @!p0 [hbm:s0], s1  }
0x8b: {  	s0 =	simm.s32 @!p0 $0x2  }
0x8c: {  	_ =	swait.ge @!p0 [sflag:s0], s1  }
0x8d: {  	s1 =	ssub.s32 @!p0 $0x0, s1;
	[sflag:s0] =	ssyncset.done @!p0 $0x0  }
0x8e: {  	[sflag:s0] =	ssyncadd.s32 @!p0 s1  }
0x8f: {  	[bflag:$0x3] =	sbarrier.arrive $0xFFFF  }
0x90: {  	_ =	shalt  }

// kernel: kernel.22.cloned.1.call-start
scs
__scs_entry_jumppad:
0x0: {  	(pc) =	sbr.rel $0x88, $3  }
0x1: {  	(tag) =	ssettag $0x0;
	lr =	simm.s32 $0x1  }
0x2: {  	[smem:$0x3F84] =	sst lr;
	_ =	strace $0xD0000000  }
0x3: {  	_ = 	snop  }
0x4: {  	_ = 	snop  }
0x5: {  	_ = 	snop  }
0x6: {  	_ = 	snop  }
0x7: {  	_ = 	snop  }
__scs_overlays_trampoline_lowered:
0x8: {  	[smem:$0x3F93] =	sst s0  }
0x9: {  	[smem:$0x3F94] =	sst s1  }
0xa: {  	[smem:$0x3F95] =	sst s2  }
0xb: {  	[smem:$0x3F96] =	sst s3  }
0xc: {  	[smem:$0x3F97] =	sst s4  }
0xd: {  	[smem:$0x3F98] =	sst s5  }
0xe: {  	[smem:$0x3F99] =	sst s6  }
0xf: {  	[smem:$0x3F9A] =	sst s7  }
0x10: {  	[smem:$0x3F9B] =	sst s8  }
0x11: {  	[smem:$0x3F9C] =	sst s9;
	s0 =	simm.s32 @!p0 $0x0  }
0x12: {  	s1 =	sld [smem:$0x3F82];
	s0 =	simm.s32 @p0 $0x1  }
0x13: {  	[smem:$0x3F9D] =	sst s0;
	s0 =	simm.s32 @!p1 $0x0  }
0x14: {  	s2 =	sld [smem:$0x3F81];
	s0 =	simm.s32 @p1 $0x1  }
0x15: {  	[smem:$0x3F9E] =	sst s0;
	s0 =	simm.s32 @!p2 $0x0  }
0x16: {  	s3 =	sld [smem:$0x3FDB];
	s0 =	simm.s32 @p2 $0x1  }
0x17: {  	s4 =	simm.s32 $0x1BF5;
	[smem:$0x3FA0] =	sst s0  }
0x18: {  	s0 =	sld [smem:$0x3F83];
	_ =	swait.ge [sflag:s4], $0x0  }
0x19: {  	s7 =	sld [smem:$0x3F84]  }
0x1a: {  	s8 =	sadd.s32 $0xFFFFE003, lr  }
0x1b: {  	s9 =	sadd.s32 $0xFFFFFEF7, lr;
	s5 =	simm.s32 $0xFFFFFFFF;
	p2 =	slt.u32 s8, $0xFFFFF086  }
0x1c: {  	p1 =	slt.u32 s9, $0xF7A;
	s5 =	simm.s32 @!p2 $0x0  }
0x1d: {  	s5 =	simm.s32 @p1 $0x1;
	p0 =	seq.s32 s7, s2  }
0x1e: {  	s7 =	smul.u32 @!p0 $0xF7A, s2;
	p2 =	seq.s32 @!p0 s5, $0x0  }
0x1f: {  	s9 =	smul.u32 $0xF7A, s1;
	s8 =	simm.s32 @!p0 $0x1BF5;
	p2 =	por !p2, p0  }
0x20: {  	[sflag:s8] =	ssyncset.s32 @!p0 $0xFFFFF086;
	s6 =	sadd.s32 @!p0 s3, s7;
	s7 =	simm.s32 @!p0 $0x108  }
0x21: {  	s3 =	sadd.s32 s3, s9;
	s6 =	sadd.s32 @!p0 $0x88, s6;
	s7 =	simm.s32 @p2 $0x1082  }
0x22: {  	[simem:s7], [sflag:s8] =	dma.local @!p0 [hbm:s6], $0xF7A  }
0x23: {  	s9 =	sor.u32 $0xD0000000, s2;
	s6 =	simm.s32 $0x108;
	_ =	swait.ge @!p0 [sflag:s8], $0x0  }
0x24: {  	s3 =	sadd.s32 $0x88, s3;
	s6 =	simm.s32 @!p1 $0x1082;
	[sflag:s4] =	ssyncset.s32 $0xFFFFF086  }
0x25: {  	[simem:s6], [sflag:s4] =	dma.local [hbm:s3], $0xF7A  }
0x26: {  	[smem:$0x3F84] =	sst s1;
	(tag) =	ssettag s2;
	_ =	strace s9  }
0x27: {  	s1 =	sld [smem:$0x3F94]  }
0x28: {  	s2 =	sld [smem:$0x3F95]  }
0x29: {  	s4 =	sld [smem:$0x3F97]  }
0x2a: {  	p0 =	seq.s32 s5, $0x0;
	s5 =	sld [smem:$0x3F98]  }
0x2b: {  	s6 =	sld [smem:$0x3F99]  }
0x2c: {  	s7 =	sld [smem:$0x3F9A]  }
0x2d: {  	s3 =	simm.s32 $0x108;
	s8 =	sld [smem:$0x3F9B]  }
0x2e: {  	s3 =	simm.s32 @!p0 $0x1082;
	s9 =	sld [smem:$0x3F9C]  }
0x2f: {  	lr =	sadd.s32 s0, s3;
	s0 =	sld [smem:$0x3F93]  }
0x30: {  	s3 =	sld [smem:$0x3F96]  }
0x31: {  	[smem:$0x3F9F] =	sst s10  }
0x32: {  	s10 =	sld [smem:$0x3F9D];
	_ =	sdelay $0x3  }
0x33: {  	p0 =	seq.s32 s10, $0x1;
	s10 =	sld [smem:$0x3F9F];
	_ =	sdelay $0x3  }
0x34: {  	[smem:$0x3F9F] =	sst s10  }
0x35: {  	s10 =	sld [smem:$0x3F9E];
	_ =	sdelay $0x3  }
0x36: {  	p1 =	seq.s32 s10, $0x1;
	s10 =	sld [smem:$0x3F9F];
	_ =	sdelay $0x3  }
0x37: {  	[smem:$0x3F9F] =	sst s10  }
0x38: {  	s10 =	sld [smem:$0x3FA0]  }
0x39: {  	_ = 	snop;
	(pc) =	sbr.ind lr, $3  }
0x3a: {  	_ = 	snop  }
0x3b: {  	_ = 	snop  }
0x3c: {  	p2 =	seq.s32 s10, $0x1;
	s10 =	sld [smem:$0x3F9F]  }
0x3d: {  	_ =	shalt  }
0x3e: {  	_ =	shalt  }
0x3f: {  	_ =	shalt  }
0x40: {  	_ =	shalt  }
0x41: {  	_ =	shalt  }
0x42: {  	_ =	shalt  }
0x43: {  	_ =	shalt  }
0x44: {  	_ =	shalt  }
0x45: {  	_ =	shalt  }
0x46: {  	_ =	shalt  }
0x47: {  	_ =	shalt  }
0x48: {  	_ =	shalt  }
0x49: {  	_ =	shalt  }
0x4a: {  	_ =	shalt  }
0x4b: {  	_ =	shalt  }
0x4c: {  	_ =	shalt  }
0x4d: {  	_ =	shalt  }
0x4e: {  	_ =	shalt  }
0x4f: {  	_ =	shalt  }
0x50: {  	_ =	shalt  }
0x51: {  	_ =	shalt  }
0x52: {  	_ =	shalt  }
0x53: {  	_ =	shalt  }
0x54: {  	_ =	shalt  }
0x55: {  	_ =	shalt  }
0x56: {  	_ =	shalt  }
0x57: {  	_ =	shalt  }
0x58: {  	_ =	shalt  }
0x59: {  	_ =	shalt  }
0x5a: {  	_ =	shalt  }
0x5b: {  	_ =	shalt  }
0x5c: {  	_ =	shalt  }
0x5d: {  	_ =	shalt  }
0x5e: {  	_ =	shalt  }
0x5f: {  	_ =	shalt  }
0x60: {  	_ =	shalt  }
0x61: {  	_ =	shalt  }
0x62: {  	_ =	shalt  }
0x63: {  	_ =	shalt  }
0x64: {  	_ =	shalt  }
0x65: {  	_ =	shalt  }
0x66: {  	_ =	shalt  }
0x67: {  	_ =	shalt  }
0x68: {  	_ =	shalt  }
0x69: {  	_ =	shalt  }
0x6a: {  	_ =	shalt  }
0x6b: {  	_ =	shalt  }
0x6c: {  	_ =	shalt  }
0x6d: {  	_ =	shalt  }
0x6e: {  	_ =	shalt  }
0x6f: {  	_ =	shalt  }
0x70: {  	_ =	shalt  }
0x71: {  	_ =	shalt  }
0x72: {  	_ =	shalt  }
0x73: {  	_ =	shalt  }
0x74: {  	_ =	shalt  }
0x75: {  	_ =	shalt  }
0x76: {  	_ =	shalt  }
0x77: {  	_ =	shalt  }
0x78: {  	_ =	shalt  }
0x79: {  	_ =	shalt  }
0x7a: {  	_ =	shalt  }
0x7b: {  	_ =	shalt  }
0x7c: {  	_ =	shalt  }
0x7d: {  	_ =	shalt  }
0x7e: {  	_ =	shalt  }
0x7f: {  	_ =	shalt  }
0x80: {  	_ =	shalt  }
0x81: {  	_ =	shalt  }
0x82: {  	_ =	shalt  }
0x83: {  	_ =	shalt  }
0x84: {  	_ =	shalt  }
0x85: {  	_ =	shalt  }
0x86: {  	_ =	shalt  }
0x87: {  	_ =	shalt  }
.Lfunc_end0:
.L_simem_size_0:
called_computation.2_lowered:
.L_overlay_start_0:
0x88: {  	s2 =	sld [smem:$0x3FD9]  }
0x89: {  	s3 =	sld [smem:$0x3FFE];
	_ =	sdelay $0x1  }
0x8a: {  	s1 =	srdreg.scid  }
0x8b: {  	s0 =	sand.u32 $0x1, s1  }
0x8c: {  	s16 =	sshll.u32 s0, $0xA;
	s2 =	sadd.s32 s3, s2  }
0x8d: {  	s2 =	sadd.s32 s2, s16  }
0x8e: {  	[smem:$0x3FAB] =	sst s2  }
0x8f: {  	_ = 	snop  }
0x90: {  	(tm) =	ssettm $0x1  }
0x91: {  	s17 =	sld [smem:$0x3FFB];
	_ =	sdelay $0x3  }
0x92: {  	_ =	strace s17  }
0x93: {  	s2 =	sld [smem:$0x3FFC];
	_ =	sdelay $0x3  }
0x94: {  	_ =	strace s2  }
0x95: {  	s2 =	sld [smem:$0x3FFD];
	_ =	sdelay $0x3  }
0x96: {  	_ =	strace s2  }
0x97: {  	_ =	strace $0x8FFFFFFF  }
0x98: {  	s18 =	sld [smem:$0x3FDB];
	_ =	sdelay $0x1  }
0x99: {  	s19 =	simm.s32 $_scs_section_size  }
0x9a: {  	s4 =	simm.s32 $_size__tile_overlayer_lowered;
	s5 =	simm.s32 $_tile_overlayer_lowered  }
0x9b: {  	s22 =	simm.s32 $0x1BFF;
	s21 =	sshll.u32 s5, $0x1;
	s2 =	sadd.s32 s19, s18  }
0x9c: {  	s6 =	simm.s32 $0x0;
	s20 =	sshll.u32 s4, $0x1;
	s4 =	sadd.s32 s21, s2  }
0x9d: {  	[timem:s6], [sflag:s22] =	dma.local [hbm:s4], s20  }
0x9e: {  	_ =	swait.ge [sflag:s22], s20  }
0x9f: {  	s3 =	ssub.s32 $0x0, s20;
	[sflag:s22] =	ssyncset.done $0x0  }
0xa0: {  	[sflag:s22] =	ssyncadd.s32 s3;
	_ =	sdelay $0x1  }
0xa1: {  	s23 =	simm.s32 $0x1B8B  }
0xa2: {  	_ =	swait.ge [sflag:s23], $0x1  }
0xa3: {  	[sflag:s23] =	ssyncset.done $0x0  }
0xa4: {  	s25 =	simm.s32 $0x1B8E;
	s24 =	sld [smem:$0x3FFE];
	[sflag:s23] =	ssyncadd.s32 $0xFFFFFFFF  }
0xa5: {  	s26 =	simm.s32 $execute0_lowered;
	[smem:$0x3FD2] =	sst s25  }
0xa6: {  	s4 =	sshll.u32 s26, $0x1;
	_ =	strace $0x8000004C;
	[dreg:$0x1] =	wrdreg $0xFFFFFFFF  }
0xa7: {  	s28 =	simm.s32 $_size_execute0_lowered;
	s2 =	sadd.s32 s2, s4;
	[dreg:$0x0] =	wrdreg $0x0  }
0xa8: {  	s4 =	sshll.u32 s28, $0x1;
	[dreg:$0x2] =	wrdreg s2  }
0xa9: {  	[dreg:$0x3] =	wrdreg s4  }
0xaa: {  	[dreg:$0x4] =	wrdreg $0xC0  }
0xab: {  	_ =	task [dreg:s6], $0x5FFFF  }
0xac: {  	[dreg:$0x1] =	wrdreg $0xFFFFFFFF  }
0xad: {  	[dreg:$0x0] =	wrdreg $0x60  }
0xae: {  	[dreg:$0x2] =	wrdreg s24  }
0xaf: {  	[dreg:$0x3] =	wrdreg $0x61000  }
0xb0: {  	[dreg:$0x4] =	wrdreg $0x9  }
0xb1: {  	_ =	task.clear_ibuf [dreg:s6], $0x5FFFF;
	_ =	strace $0x9000004C  }
0xb2: {  	s29 =	simm.s32 $0x9;
	_ =	strace $0x8000004E  }
0xb3: {  	_ =	swait.ge [sflag:s29], $0x1  }
0xb4: {  	[sflag:s29] =	ssyncadd.s32 $0xFFFFFFFF  }
0xb5: {  	_ =	strace $0x9000004E  }
0xb6: {  	_ =	sfence  }
0xb7: {  	s30 =	sld [smem:$0x0];
	_ =	sdelay $0x2  }
0xb8: {  	s31 =	sshll.u32 s1, $0xD;
	s1 =	sshrl.u32 s1, $0x2  }
0xb9: {  	s3 =	sand.u32 $0x4000, s31;
	s1 =	sadd.s32 s1, s30  }
0xba: {  	s0 =	sor.u32 s3, s0;
	s1 =	sshll.u32 s1, $0x11  }
0xbb: {  	s0 =	sor.u32 s1, s0  }
0xbc: {  	s0 =	sadd.s32 $0x8F2B, s0  }
0xbd: {  	[sflag:s0] =	ssyncadd.remote.s32 $0x1  }
0xbe: {  	_ =	sfence.sel $0xFFFF  }
0xbf: {  	[dreg:$0x0] =	wrdreg $0xFFFFFFFF;
	(pc) =	sbr.abs _section_cstart, $3  }
0xc0: {  	[dreg:$0x1] =	wrdreg $0xFFFFFFFF  }
0xc1: {  	_ =	task.clear_ibuf [dreg:s6], $0x2FFFF;
	_ =	strace $0x9FFFFFFF  }
0xc2: {  	(tm) =	ssettm $0x7FFFFFFF  }
0xc3: {  	_ =	shalt  }
tec
execute0_lowered:
.L_overlay_start_1:
0x0: {  	(tag) =	ssettag $0x1  }
0x1: {  	s5 =	rddreg [dreg:$0x0]  }
0x2: {  	s2 =	rddreg [dreg:$0x1]  }
0x3: {  	s0 =	rddreg [dreg:$0x2];
	s1 =	stileid.u32  }
0x4: {  	s3 =	simm.s32 $0x0;
	s4 =	srdreg.scid;
	s19 =	simm.s32 $0x2  }
0x5: {  	s20 =	simm.s32 $0x80;
	s21 =	simm.s32 $0x100;
	s6 =	smul.u32 $0x9E0, s1  }
0x6: {  	s22 =	simm.s32 $0x1;
	[smem:$0x7FF] =	sst s3;
	s7 =	smul.u32 $0x50000, s1  }
0x7: {  	s13 =	sand.u32 $0x1, s4;
	s4 =	sadd.s32 $0x1A600, s5;
	s24 =	smul.u32 $0x2800, s1  }
0x8: {  	_ =	strace $0x8000004D;
	s8 =	smul.u32 $0x28000, s13;
	s29 =	ssub.s32 $0x2, s13  }
0x9: {  	s18 =	smul.u32 $0x4F0, s13;
	s16 =	sadd.s32 s6, s5;
	s7 =	sshrl.u32 s7, $0x2  }
0xa: {  	s30 =	sshrl.u32 s29, $0x1;
	s15 =	sadd.s32 s8, s5;
	s5 =	sadd.s32 s7, s2  }
0xb: {  	s17 =	ssub.s32 s29, s30;
	s31 =	sadd.s32 s18, s16;
	s18 =	simm.s32 $0x4100  }
0xc: {  	s6 =	sadd.s32 $0x2000, s5;
	s7 =	sadd.s32 $0x4000, s5;
	s8 =	sadd.s32 $0x6000, s5  }
0xd: {  	s9 =	sadd.s32 $0x8000, s5;
	s10 =	sadd.s32 $0xA000, s5;
	s11 =	sadd.s32 $0xC000, s5  }
0xe: {  	s12 =	sadd.s32 $0xE000, s5;
	s13 =	sadd.s32 $0x10000, s5;
	s14 =	sadd.s32 $0x12000, s5  }
0xf: {  	s23 =	sadd.s32 $0x41800, s15;
	s15 =	smax.u32 s17, $0x1;
	s16 =	sadd.s32 $0x10800, s31  }
0x10: {  	v0 =	vimm.f32 $0.0e+00;
	s17 =	sadd.s32 $0x6A00, s31;
	s23 =	sadd.s32 s24, s23;
	s24 =	simm.s32 $0x0  }
.LBB2_1:
0x11: {  	s25 =	simm.s32 $0x0;
	s26 =	simm.s32 $0x200  }
.LBB2_2:
0x12: {  	p0 =	sne.s32 s26, $0x7E00;
	[tilespmem:s25+$0x4170] =	vst v0  }
0x13: {  	[tilespmem:s25+$0x4100] =	vst v0  }
0x14: {  	[tilespmem:s25+$0x4110] =	vst v0  }
.Ltmp0:
0x15: {  	[tilespmem:s25+$0x4120] =	vst v0;
	(pc) =	sbr.rel @p0 .LBB2_2-.Ltmp0, $4  }
0x16: {  	[tilespmem:s25+$0x4130] =	vst v0  }
0x17: {  	[tilespmem:s25+$0x4140] =	vst v0  }
0x18: {  	[tilespmem:s25+$0x4150] =	vst v0  }
0x19: {  	[tilespmem:s25+$0x4160] =	vst v0;
	s25 =	sshra.s32 s26, $0x2;
	s26 =	sadd.s32 $0x200, s26  }
0x1a: {  	[tilespmem:s25+$0x4170] =	vst v0  }
0x1b: {  	[tilespmem:s25+$0x4100] =	vst v0  }
0x1c: {  	[tilespmem:s25+$0x4110] =	vst v0  }
0x1d: {  	[tilespmem:s25+$0x4120] =	vst v0  }
0x1e: {  	[tilespmem:s25+$0x4130] =	vst v0  }
0x1f: {  	[tilespmem:s25+$0x4140] =	vst v0  }
0x20: {  	[tilespmem:s25+$0x4150] =	vst v0  }
0x21: {  	[tilespmem:s25+$0x4160] =	vst v0  }
0x22: {  	[spmem:s5] =	stream.linear.scatter [tilespmem:s18], [sflag:$0x2], $0x2000, $0x38;
	[tilespmem:$0x1A100] =	vst v63  }
0x23: {  	_ =	swait.ge [sflag:s19], $0x2000  }
0x24: {  	[sflag:s19] =	ssyncset.done $0x0  }
0x25: {  	[sflag:s19] =	ssyncadd.s32 $0xFFFFE000  }
0x26: {  	[spmem:s6] =	stream.linear.scatter [tilespmem:s18], [sflag:$0x2], $0x2000, $0x38;
	[tilespmem:$0x1A100] =	vst v63  }
0x27: {  	_ =	swait.ge [sflag:s19], $0x2000  }
0x28: {  	[sflag:s19] =	ssyncset.done $0x0  }
0x29: {  	[sflag:s19] =	ssyncadd.s32 $0xFFFFE000  }
0x2a: {  	[spmem:s7] =	stream.linear.scatter [tilespmem:s18], [sflag:$0x2], $0x2000, $0x38;
	[tilespmem:$0x1A100] =	vst v63  }
0x2b: {  	_ =	swait.ge [sflag:s19], $0x2000  }
0x2c: {  	[sflag:s19] =	ssyncset.done $0x0  }
0x2d: {  	[sflag:s19] =	ssyncadd.s32 $0xFFFFE000  }
0x2e: {  	[spmem:s8] =	stream.linear.scatter [tilespmem:s18], [sflag:$0x2], $0x2000, $0x38;
	[tilespmem:$0x1A100] =	vst v63  }
0x2f: {  	_ =	swait.ge [sflag:s19], $0x2000  }
0x30: {  	[sflag:s19] =	ssyncset.done $0x0  }
0x31: {  	[sflag:s19] =	ssyncadd.s32 $0xFFFFE000  }
0x32: {  	[spmem:s9] =	stream.linear.scatter [tilespmem:s18], [sflag:$0x2], $0x2000, $0x38;
	[tilespmem:$0x1A100] =	vst v63  }
0x33: {  	_ =	swait.ge [sflag:s19], $0x2000  }
0x34: {  	[sflag:s19] =	ssyncset.done $0x0  }
0x35: {  	[sflag:s19] =	ssyncadd.s32 $0xFFFFE000  }
0x36: {  	[spmem:s10] =	stream.linear.scatter [tilespmem:s18], [sflag:$0x2], $0x2000, $0x38;
	[tilespmem:$0x1A100] =	vst v63  }
0x37: {  	_ =	swait.ge [sflag:s19], $0x2000  }
0x38: {  	[sflag:s19] =	ssyncset.done $0x0  }
0x39: {  	[sflag:s19] =	ssyncadd.s32 $0xFFFFE000  }
0x3a: {  	[spmem:s11] =	stream.linear.scatter [tilespmem:s18], [sflag:$0x2], $0x2000, $0x38;
	[tilespmem:$0x1A100] =	vst v63  }
0x3b: {  	_ =	swait.ge [sflag:s19], $0x2000  }
0x3c: {  	[sflag:s19] =	ssyncset.done $0x0  }
0x3d: {  	[sflag:s19] =	ssyncadd.s32 $0xFFFFE000  }
0x3e: {  	[spmem:s12] =	stream.linear.scatter [tilespmem:s18], [sflag:$0x2], $0x2000, $0x38;
	[tilespmem:$0x1A100] =	vst v63  }
0x3f: {  	_ =	swait.ge [sflag:s19], $0x2000  }
0x40: {  	[sflag:s19] =	ssyncset.done $0x0  }
0x41: {  	[sflag:s19] =	ssyncadd.s32 $0xFFFFE000  }
0x42: {  	[spmem:s13] =	stream.linear.scatter [tilespmem:s18], [sflag:$0x2], $0x2000, $0x38;
	[tilespmem:$0x1A100] =	vst v63  }
0x43: {  	_ =	swait.ge [sflag:s19], $0x2000  }
0x44: {  	[sflag:s19] =	ssyncset.done $0x0  }
0x45: {  	[sflag:s19] =	ssyncadd.s32 $0xFFFFE000  }
0x46: {  	[spmem:s14] =	stream.linear.scatter [tilespmem:s18], [sflag:$0x2], $0x2000, $0x38;
	[tilespmem:$0x1A100] =	vst v63  }
0x47: {  	_ =	swait.ge [sflag:s19], $0x2000  }
0x48: {  	[sflag:s19] =	ssyncset.done $0x0  }
0x49: {  	[sflag:s19] =	ssyncadd.s32 $0xFFFFE000  }
0x4a: {  	s30 =	sadd.s32 $0x0, s17;
	[bflag:$0x0] =	sbarrier.arrive $0xFFFF  }
0x4b: {  	[tilespmem:s3], [sflag:$0x2] =	stream.linear.gather [hbm4b:s30+s3], $0x80, $0x38;
	[tilespmem:$0x1A100] =	vst v63  }
0x4c: {  	_ =	swait.ge [sflag:s19], $0x80  }
0x4d: {  	[sflag:s19] =	ssyncset.done $0x0  }
0x4e: {  	s31 =	sadd.s32 $0x0, s16;
	[sflag:s19] =	ssyncadd.s32 $0xFFFFFF80  }
0x4f: {  	[tilespmem:s20], [sflag:$0x2] =	stream.linear.gather [hbm4b:s31+s3], $0x80, $0x38;
	[tilespmem:$0x1A100] =	vst v63  }
0x50: {  	_ =	swait.ge [sflag:s19], $0x80  }
0x51: {  	[sflag:s19] =	ssyncset.done $0x0  }
0x52: {  	[sflag:s19] =	ssyncadd.s32 $0xFFFFFF80  }
0x53: {  	[tilespmem:s21], [sflag:$0x1] =	stream.indirect.gather [hbm4b:s4+s20], $0x80, s3, s20, $0xb8;
	[tilespmem:$0x1A100] =	vst v63  }
0x54: {  	_ =	swait.ge [sflag:s22], $0x4000  }
0x55: {  	[sflag:s22] =	ssyncset.done $0x0  }
0x56: {  	[sflag:s22] =	ssyncadd.s32 $0xFFFFC000  }
0x57: {  	[spmem:s2] =	stream.indirect.scatter.add.f32 [tilespmem:s21], [sflag:$0x2], $0x80, s20, s20, $0xb8;
	[tilespmem:$0x1A100] =	vst v63  }
0x58: {  	_ =	swait.ge [sflag:s19], $0x4000  }
0x59: {  	s25 =	simm.s32 $0x10;
	s26 =	simm.s32 $0x20;
	[sflag:s19] =	ssyncset.done $0x0  }
.LBB2_4:
0x5a: {  	s28 =	sadd.s32 s25, s17  }
0x5b: {  	[sflag:s19] =	ssyncadd.s32 $0xFFFFC000;
	s29 =	smov.u32 s26;
	s30 =	sadd.s32 $0x10, s26  }
0x5c: {  	[tilespmem:s3], [sflag:$0x2] =	stream.linear.gather [hbm4b:s28+s3], $0x80, $0x38;
	[tilespmem:$0x1A100] =	vst v63  }
0x5d: {  	p0 =	sne.s32 s26, $0x4E0;
	_ =	swait.ge [sflag:s19], $0x80  }
0x5e: {  	[sflag:s19] =	ssyncset.done $0x0  }
0x5f: {  	s26 =	sadd.s32 s25, s16;
	s25 =	smov.u32 s29;
	[sflag:s19] =	ssyncadd.s32 $0xFFFFFF80  }
0x60: {  	[tilespmem:s20], [sflag:$0x2] =	stream.linear.gather [hbm4b:s26+s3], $0x80, $0x38;
	[tilespmem:$0x1A100] =	vst v63  }
0x61: {  	_ =	swait.ge [sflag:s19], $0x80  }
0x62: {  	[sflag:s19] =	ssyncset.done $0x0  }
0x63: {  	[sflag:s19] =	ssyncadd.s32 $0xFFFFFF80  }
0x64: {  	[tilespmem:s21], [sflag:$0x1] =	stream.indirect.gather [hbm4b:s4+s20], $0x80, s3, s20, $0xb8;
	[tilespmem:$0x1A100] =	vst v63  }
0x65: {  	_ =	swait.ge [sflag:s22], $0x4000  }
.Ltmp1:
0x66: {  	[sflag:s22] =	ssyncset.done $0x0;
	(pc) =	sbr.rel @p0 .LBB2_4-.Ltmp1, $4  }
0x67: {  	[sflag:s22] =	ssyncadd.s32 $0xFFFFC000  }
0x68: {  	[spmem:s2] =	stream.indirect.scatter.add.f32 [tilespmem:s21], [sflag:$0x2], $0x80, s20, s20, $0xb8;
	[tilespmem:$0x1A100] =	vst v63  }
0x69: {  	_ =	swait.ge [sflag:s19], $0x4000  }
0x6a: {  	s26 =	smov.u32 s30;
	[sflag:s19] =	ssyncset.done $0x0  }
0x6b: {  	s26 =	sadd.s32 s25, s17;
	[sflag:s19] =	ssyncadd.s32 $0xFFFFC000  }
0x6c: {  	[tilespmem:s3], [sflag:$0x2] =	stream.linear.gather [hbm4b:s26+s3], $0x80, $0x38;
	[tilespmem:$0x1A100] =	vst v63  }
0x6d: {  	_ =	swait.ge [sflag:s19], $0x80  }
0x6e: {  	[sflag:s19] =	ssyncset.done $0x0  }
0x6f: {  	s29 =	sadd.s32 s25, s16;
	[sflag:s19] =	ssyncadd.s32 $0xFFFFFF80  }
0x70: {  	[tilespmem:s20], [sflag:$0x2] =	stream.linear.gather [hbm4b:s29+s3], $0x80, $0x38;
	[tilespmem:$0x1A100] =	vst v63  }
0x71: {  	_ =	swait.ge [sflag:s19], $0x80  }
0x72: {  	[sflag:s19] =	ssyncset.done $0x0  }
0x73: {  	[sflag:s19] =	ssyncadd.s32 $0xFFFFFF80  }
0x74: {  	[tilespmem:s21], [sflag:$0x1] =	stream.indirect.gather [hbm4b:s4+s20], $0x80, s3, s20, $0xb8;
	[tilespmem:$0x1A100] =	vst v63  }
0x75: {  	_ =	swait.ge [sflag:s22], $0x4000  }
0x76: {  	[sflag:s22] =	ssyncset.done $0x0  }
0x77: {  	[sflag:s22] =	ssyncadd.s32 $0xFFFFC000  }
0x78: {  	[spmem:s2] =	stream.indirect.scatter.add.f32 [tilespmem:s21], [sflag:$0x2], $0x80, s20, s20, $0xb8;
	[tilespmem:$0x1A100] =	vst v63  }
0x79: {  	_ =	swait.ge [sflag:s19], $0x4000  }
0x7a: {  	s30 =	sshll.u32 s1, $0x6;
	s24 =	sadd.s32 $0x1, s24;
	[sflag:s19] =	ssyncset.done $0x0  }
0x7b: {  	s31 =	sshrl.u32 s5, $0x3;
	p0 =	sne.s32 s24, s15;
	[sflag:s19] =	ssyncadd.s32 $0xFFFFC000  }
.Ltmp2:
0x7c: {  	s25 =	sor.u32 $0x1C02, s30;
	[bflag:$0x0] =	sbarrier.arrive $0xFFFF;
	(pc) =	sbr.rel @p0 .LBB2_1-.Ltmp2, $4  }
0x7d: {  	[hbm:s23], [sflag:s25] =	dma.local [spmem:s31], $0x2800  }
0x7e: {  	_ =	swait.ge [sflag:s19], $0x2800  }
0x7f: {  	[sflag:s19] =	ssyncset.done $0x0  }
0x80: {  	[sflag:s19] =	ssyncadd.s32 $0xFFFFD800  }
0x81: {  	_ =	sfence.sel $0x180000  }
0x82: {  	[bflag:$0x0] =	sbarrier.arrive $0xFFFF  }
0x83: {  	p0 =	sne.s32 s1, $0x0;
	_ =	strace $0x9000004D  }
0x84: {  	s0 =	sadd.s32 @!p0 $0x100000, s0;
	[bflag:$0x2] =	sbarrier.arrive $0xFFFF  }
0x85: {  	[sflag:s0] =	ssyncadd.tile.s32 @!p0 $0x1;
	_ =	shalt  }
.Lfunc_end2:
_tile_overlayer_lowered:
.L_overlay_start_2:
0x86: {  	(tag) =	ssettag $0x2  }
0x87: {  	s0 =	rddreg [dreg:$0x0];
	s2 =	stileid.u32  }
0x88: {  	s1 =	rddreg [dreg:$0x1];
	p0 =	sne.s32 s2, $0x0  }
0x89: {  	s3 =	rddreg [dreg:$0x2];
	[bflag:$0x3] =	sbarrier.arrive $0xFFFF;
	s2 =	simm.s32 @!p0 $0x1C02  }
0x8a: {  	[timem:s3], [sflag:s2] =	dma.local @!p0 [hbm:s0], s1  }
0x8b: {  	s0 =	simm.s32 @!p0 $0x2  }
0x8c: {  	_ =	swait.ge @!p0 [sflag:s0], s1  }
0x8d: {  	s1 =	ssub.s32 @!p0 $0x0, s1;
	[sflag:s0] =	ssyncset.done @!p0 $0x0  }
0x8e: {  	[sflag:s0] =	ssyncadd.s32 @!p0 s1  }
0x8f: {  	[bflag:$0x3] =	sbarrier.arrive $0xFFFF  }
0x90: {  	_ =	shalt  }

// kernel: kernel.25.cloned.1.call-start
scs
__scs_entry_jumppad:
0x0: {  	(pc) =	sbr.rel $0x88, $3  }
0x1: {  	(tag) =	ssettag $0x0;
	lr =	simm.s32 $0x1  }
0x2: {  	[smem:$0x3F84] =	sst lr;
	_ =	strace $0xD0000000  }
0x3: {  	_ = 	snop  }
0x4: {  	_ = 	snop  }
0x5: {  	_ = 	snop  }
0x6: {  	_ = 	snop  }
0x7: {  	_ = 	snop  }
__scs_overlays_trampoline_lowered:
0x8: {  	[smem:$0x3F93] =	sst s0  }
0x9: {  	[smem:$0x3F94] =	sst s1  }
0xa: {  	[smem:$0x3F95] =	sst s2  }
0xb: {  	[smem:$0x3F96] =	sst s3  }
0xc: {  	[smem:$0x3F97] =	sst s4  }
0xd: {  	[smem:$0x3F98] =	sst s5  }
0xe: {  	[smem:$0x3F99] =	sst s6  }
0xf: {  	[smem:$0x3F9A] =	sst s7  }
0x10: {  	[smem:$0x3F9B] =	sst s8  }
0x11: {  	[smem:$0x3F9C] =	sst s9;
	s0 =	simm.s32 @!p0 $0x0  }
0x12: {  	s1 =	sld [smem:$0x3F82];
	s0 =	simm.s32 @p0 $0x1  }
0x13: {  	[smem:$0x3F9D] =	sst s0;
	s0 =	simm.s32 @!p1 $0x0  }
0x14: {  	s2 =	sld [smem:$0x3F81];
	s0 =	simm.s32 @p1 $0x1  }
0x15: {  	[smem:$0x3F9E] =	sst s0;
	s0 =	simm.s32 @!p2 $0x0  }
0x16: {  	s3 =	sld [smem:$0x3FDB];
	s0 =	simm.s32 @p2 $0x1  }
0x17: {  	s4 =	simm.s32 $0x1BF5;
	[smem:$0x3FA0] =	sst s0  }
0x18: {  	s0 =	sld [smem:$0x3F83];
	_ =	swait.ge [sflag:s4], $0x0  }
0x19: {  	s7 =	sld [smem:$0x3F84]  }
0x1a: {  	s8 =	sadd.s32 $0xFFFFE003, lr  }
0x1b: {  	s9 =	sadd.s32 $0xFFFFFEF7, lr;
	s5 =	simm.s32 $0xFFFFFFFF;
	p2 =	slt.u32 s8, $0xFFFFF086  }
0x1c: {  	p1 =	slt.u32 s9, $0xF7A;
	s5 =	simm.s32 @!p2 $0x0  }
0x1d: {  	s5 =	simm.s32 @p1 $0x1;
	p0 =	seq.s32 s7, s2  }
0x1e: {  	s7 =	smul.u32 @!p0 $0xF7A, s2;
	p2 =	seq.s32 @!p0 s5, $0x0  }
0x1f: {  	s9 =	smul.u32 $0xF7A, s1;
	s8 =	simm.s32 @!p0 $0x1BF5;
	p2 =	por !p2, p0  }
0x20: {  	[sflag:s8] =	ssyncset.s32 @!p0 $0xFFFFF086;
	s6 =	sadd.s32 @!p0 s3, s7;
	s7 =	simm.s32 @!p0 $0x108  }
0x21: {  	s3 =	sadd.s32 s3, s9;
	s6 =	sadd.s32 @!p0 $0x88, s6;
	s7 =	simm.s32 @p2 $0x1082  }
0x22: {  	[simem:s7], [sflag:s8] =	dma.local @!p0 [hbm:s6], $0xF7A  }
0x23: {  	s9 =	sor.u32 $0xD0000000, s2;
	s6 =	simm.s32 $0x108;
	_ =	swait.ge @!p0 [sflag:s8], $0x0  }
0x24: {  	s3 =	sadd.s32 $0x88, s3;
	s6 =	simm.s32 @!p1 $0x1082;
	[sflag:s4] =	ssyncset.s32 $0xFFFFF086  }
0x25: {  	[simem:s6], [sflag:s4] =	dma.local [hbm:s3], $0xF7A  }
0x26: {  	[smem:$0x3F84] =	sst s1;
	(tag) =	ssettag s2;
	_ =	strace s9  }
0x27: {  	s1 =	sld [smem:$0x3F94]  }
0x28: {  	s2 =	sld [smem:$0x3F95]  }
0x29: {  	s4 =	sld [smem:$0x3F97]  }
0x2a: {  	p0 =	seq.s32 s5, $0x0;
	s5 =	sld [smem:$0x3F98]  }
0x2b: {  	s6 =	sld [smem:$0x3F99]  }
0x2c: {  	s7 =	sld [smem:$0x3F9A]  }
0x2d: {  	s3 =	simm.s32 $0x108;
	s8 =	sld [smem:$0x3F9B]  }
0x2e: {  	s3 =	simm.s32 @!p0 $0x1082;
	s9 =	sld [smem:$0x3F9C]  }
0x2f: {  	lr =	sadd.s32 s0, s3;
	s0 =	sld [smem:$0x3F93]  }
0x30: {  	s3 =	sld [smem:$0x3F96]  }
0x31: {  	[smem:$0x3F9F] =	sst s10  }
0x32: {  	s10 =	sld [smem:$0x3F9D];
	_ =	sdelay $0x3  }
0x33: {  	p0 =	seq.s32 s10, $0x1;
	s10 =	sld [smem:$0x3F9F];
	_ =	sdelay $0x3  }
0x34: {  	[smem:$0x3F9F] =	sst s10  }
0x35: {  	s10 =	sld [smem:$0x3F9E];
	_ =	sdelay $0x3  }
0x36: {  	p1 =	seq.s32 s10, $0x1;
	s10 =	sld [smem:$0x3F9F];
	_ =	sdelay $0x3  }
0x37: {  	[smem:$0x3F9F] =	sst s10  }
0x38: {  	s10 =	sld [smem:$0x3FA0]  }
0x39: {  	_ = 	snop;
	(pc) =	sbr.ind lr, $3  }
0x3a: {  	_ = 	snop  }
0x3b: {  	_ = 	snop  }
0x3c: {  	p2 =	seq.s32 s10, $0x1;
	s10 =	sld [smem:$0x3F9F]  }
0x3d: {  	_ =	shalt  }
0x3e: {  	_ =	shalt  }
0x3f: {  	_ =	shalt  }
0x40: {  	_ =	shalt  }
0x41: {  	_ =	shalt  }
0x42: {  	_ =	shalt  }
0x43: {  	_ =	shalt  }
0x44: {  	_ =	shalt  }
0x45: {  	_ =	shalt  }
0x46: {  	_ =	shalt  }
0x47: {  	_ =	shalt  }
0x48: {  	_ =	shalt  }
0x49: {  	_ =	shalt  }
0x4a: {  	_ =	shalt  }
0x4b: {  	_ =	shalt  }
0x4c: {  	_ =	shalt  }
0x4d: {  	_ =	shalt  }
0x4e: {  	_ =	shalt  }
0x4f: {  	_ =	shalt  }
0x50: {  	_ =	shalt  }
0x51: {  	_ =	shalt  }
0x52: {  	_ =	shalt  }
0x53: {  	_ =	shalt  }
0x54: {  	_ =	shalt  }
0x55: {  	_ =	shalt  }
0x56: {  	_ =	shalt  }
0x57: {  	_ =	shalt  }
0x58: {  	_ =	shalt  }
0x59: {  	_ =	shalt  }
0x5a: {  	_ =	shalt  }
0x5b: {  	_ =	shalt  }
0x5c: {  	_ =	shalt  }
0x5d: {  	_ =	shalt  }
0x5e: {  	_ =	shalt  }
0x5f: {  	_ =	shalt  }
0x60: {  	_ =	shalt  }
0x61: {  	_ =	shalt  }
0x62: {  	_ =	shalt  }
0x63: {  	_ =	shalt  }
0x64: {  	_ =	shalt  }
0x65: {  	_ =	shalt  }
0x66: {  	_ =	shalt  }
0x67: {  	_ =	shalt  }
0x68: {  	_ =	shalt  }
0x69: {  	_ =	shalt  }
0x6a: {  	_ =	shalt  }
0x6b: {  	_ =	shalt  }
0x6c: {  	_ =	shalt  }
0x6d: {  	_ =	shalt  }
0x6e: {  	_ =	shalt  }
0x6f: {  	_ =	shalt  }
0x70: {  	_ =	shalt  }
0x71: {  	_ =	shalt  }
0x72: {  	_ =	shalt  }
0x73: {  	_ =	shalt  }
0x74: {  	_ =	shalt  }
0x75: {  	_ =	shalt  }
0x76: {  	_ =	shalt  }
0x77: {  	_ =	shalt  }
0x78: {  	_ =	shalt  }
0x79: {  	_ =	shalt  }
0x7a: {  	_ =	shalt  }
0x7b: {  	_ =	shalt  }
0x7c: {  	_ =	shalt  }
0x7d: {  	_ =	shalt  }
0x7e: {  	_ =	shalt  }
0x7f: {  	_ =	shalt  }
0x80: {  	_ =	shalt  }
0x81: {  	_ =	shalt  }
0x82: {  	_ =	shalt  }
0x83: {  	_ =	shalt  }
0x84: {  	_ =	shalt  }
0x85: {  	_ =	shalt  }
0x86: {  	_ =	shalt  }
0x87: {  	_ =	shalt  }
.Lfunc_end0:
.L_simem_size_0:
called_computation.3_lowered:
.L_overlay_start_0:
0x88: {  	s2 =	sld [smem:$0x3FD9]  }
0x89: {  	s3 =	sld [smem:$0x3FFE];
	_ =	sdelay $0x1  }
0x8a: {  	s1 =	srdreg.scid  }
0x8b: {  	s0 =	sand.u32 $0x1, s1  }
0x8c: {  	s16 =	sshll.u32 s0, $0xA;
	s2 =	sadd.s32 s3, s2  }
0x8d: {  	s2 =	sadd.s32 s2, s16  }
0x8e: {  	[smem:$0x3FAB] =	sst s2  }
0x8f: {  	_ = 	snop  }
0x90: {  	(tm) =	ssettm $0x1  }
0x91: {  	s17 =	sld [smem:$0x3FFB];
	_ =	sdelay $0x3  }
0x92: {  	_ =	strace s17  }
0x93: {  	s2 =	sld [smem:$0x3FFC];
	_ =	sdelay $0x3  }
0x94: {  	_ =	strace s2  }
0x95: {  	s2 =	sld [smem:$0x3FFD];
	_ =	sdelay $0x3  }
0x96: {  	_ =	strace s2  }
0x97: {  	_ =	strace $0x8FFFFFFF  }
0x98: {  	s18 =	sld [smem:$0x3FDB];
	_ =	sdelay $0x1  }
0x99: {  	s19 =	simm.s32 $_scs_section_size  }
0x9a: {  	s4 =	simm.s32 $_size__tile_overlayer_lowered;
	s5 =	simm.s32 $_tile_overlayer_lowered  }
0x9b: {  	s22 =	simm.s32 $0x1BFF;
	s21 =	sshll.u32 s5, $0x1;
	s2 =	sadd.s32 s19, s18  }
0x9c: {  	s6 =	simm.s32 $0x0;
	s20 =	sshll.u32 s4, $0x1;
	s4 =	sadd.s32 s21, s2  }
0x9d: {  	[timem:s6], [sflag:s22] =	dma.local [hbm:s4], s20  }
0x9e: {  	_ =	swait.ge [sflag:s22], s20  }
0x9f: {  	s3 =	ssub.s32 $0x0, s20;
	[sflag:s22] =	ssyncset.done $0x0  }
0xa0: {  	[sflag:s22] =	ssyncadd.s32 s3;
	_ =	sdelay $0x1  }
0xa1: {  	s23 =	simm.s32 $0x1B8B  }
0xa2: {  	_ =	swait.ge [sflag:s23], $0x1  }
0xa3: {  	[sflag:s23] =	ssyncset.done $0x0  }
0xa4: {  	s25 =	simm.s32 $0x1B8E;
	s24 =	sld [smem:$0x3FFE];
	[sflag:s23] =	ssyncadd.s32 $0xFFFFFFFF  }
0xa5: {  	s26 =	simm.s32 $execute0_lowered;
	[smem:$0x3FD2] =	sst s25  }
0xa6: {  	s4 =	sshll.u32 s26, $0x1;
	_ =	strace $0x8000004F;
	[dreg:$0x1] =	wrdreg $0xFFFFFFFF  }
0xa7: {  	s28 =	simm.s32 $_size_execute0_lowered;
	s2 =	sadd.s32 s2, s4;
	[dreg:$0x0] =	wrdreg $0x0  }
0xa8: {  	s4 =	sshll.u32 s28, $0x1;
	[dreg:$0x2] =	wrdreg s2  }
0xa9: {  	[dreg:$0x3] =	wrdreg s4  }
0xaa: {  	[dreg:$0x4] =	wrdreg $0xC0  }
0xab: {  	_ =	task [dreg:s6], $0x5FFFF  }
0xac: {  	[dreg:$0x1] =	wrdreg $0xFFFFFFFF  }
0xad: {  	[dreg:$0x0] =	wrdreg $0x60  }
0xae: {  	[dreg:$0x2] =	wrdreg s24  }
0xaf: {  	[dreg:$0x3] =	wrdreg $0x61000  }
0xb0: {  	[dreg:$0x4] =	wrdreg $0x9  }
0xb1: {  	_ =	task.clear_ibuf [dreg:s6], $0x5FFFF;
	_ =	strace $0x9000004F  }
0xb2: {  	s29 =	simm.s32 $0x9;
	_ =	strace $0x80000051  }
0xb3: {  	_ =	swait.ge [sflag:s29], $0x1  }
0xb4: {  	[sflag:s29] =	ssyncadd.s32 $0xFFFFFFFF  }
0xb5: {  	_ =	strace $0x90000051  }
0xb6: {  	_ =	sfence  }
0xb7: {  	s30 =	sld [smem:$0x0];
	_ =	sdelay $0x2  }
0xb8: {  	s31 =	sshll.u32 s1, $0xD;
	s1 =	sshrl.u32 s1, $0x2  }
0xb9: {  	s3 =	sand.u32 $0x4000, s31;
	s1 =	sadd.s32 s1, s30  }
0xba: {  	s0 =	sor.u32 s3, s0;
	s1 =	sshll.u32 s1, $0x11  }
0xbb: {  	s0 =	sor.u32 s1, s0  }
0xbc: {  	s0 =	sadd.s32 $0x8F2B, s0  }
0xbd: {  	[sflag:s0] =	ssyncadd.remote.s32 $0x1  }
0xbe: {  	_ =	sfence.sel $0xFFFF  }
0xbf: {  	[dreg:$0x0] =	wrdreg $0xFFFFFFFF;
	(pc) =	sbr.abs _section_cstart, $3  }
0xc0: {  	[dreg:$0x1] =	wrdreg $0xFFFFFFFF  }
0xc1: {  	_ =	task.clear_ibuf [dreg:s6], $0x2FFFF;
	_ =	strace $0x9FFFFFFF  }
0xc2: {  	(tm) =	ssettm $0x7FFFFFFF  }
0xc3: {  	_ =	shalt  }
tec
execute0_lowered:
.L_overlay_start_1:
0x0: {  	(tag) =	ssettag $0x1  }
0x1: {  	s5 =	rddreg [dreg:$0x0]  }
0x2: {  	s2 =	rddreg [dreg:$0x1]  }
0x3: {  	s0 =	rddreg [dreg:$0x2];
	s1 =	stileid.u32  }
0x4: {  	s3 =	simm.s32 $0x0;
	s4 =	srdreg.scid;
	s19 =	simm.s32 $0x2  }
0x5: {  	s20 =	simm.s32 $0x80;
	s21 =	simm.s32 $0x100;
	s6 =	smul.u32 $0x9E0, s1  }
0x6: {  	s22 =	simm.s32 $0x1;
	[smem:$0x7FF] =	sst s3;
	s7 =	smul.u32 $0x50000, s1  }
0x7: {  	s13 =	sand.u32 $0x1, s4;
	s4 =	sadd.s32 $0x1A600, s5;
	s24 =	smul.u32 $0x2800, s1  }
0x8: {  	_ =	strace $0x80000050;
	s8 =	smul.u32 $0x28000, s13;
	s29 =	ssub.s32 $0x2, s13  }
0x9: {  	s18 =	smul.u32 $0x4F0, s13;
	s16 =	sadd.s32 s6, s5;
	s7 =	sshrl.u32 s7, $0x2  }
0xa: {  	s30 =	sshrl.u32 s29, $0x1;
	s15 =	sadd.s32 s8, s5;
	s5 =	sadd.s32 s7, s2  }
0xb: {  	s17 =	ssub.s32 s29, s30;
	s31 =	sadd.s32 s18, s16;
	s18 =	simm.s32 $0x4100  }
0xc: {  	s6 =	sadd.s32 $0x2000, s5;
	s7 =	sadd.s32 $0x4000, s5;
	s8 =	sadd.s32 $0x6000, s5  }
0xd: {  	s9 =	sadd.s32 $0x8000, s5;
	s10 =	sadd.s32 $0xA000, s5;
	s11 =	sadd.s32 $0xC000, s5  }
0xe: {  	s12 =	sadd.s32 $0xE000, s5;
	s13 =	sadd.s32 $0x10000, s5;
	s14 =	sadd.s32 $0x12000, s5  }
0xf: {  	s23 =	sadd.s32 $0x41800, s15;
	s15 =	smax.u32 s17, $0x1;
	s16 =	sadd.s32 $0x10800, s31  }
0x10: {  	v0 =	vimm.f32 $0.0e+00;
	s17 =	sadd.s32 $0x6A00, s31;
	s23 =	sadd.s32 s24, s23;
	s24 =	simm.s32 $0x0  }
.LBB2_1:
0x11: {  	s25 =	simm.s32 $0x0;
	s26 =	simm.s32 $0x200  }
.LBB2_2:
0x12: {  	p0 =	sne.s32 s26, $0x7E00;
	[tilespmem:s25+$0x4170] =	vst v0  }
0x13: {  	[tilespmem:s25+$0x4100] =	vst v0  }
0x14: {  	[tilespmem:s25+$0x4110] =	vst v0  }
.Ltmp0:
0x15: {  	[tilespmem:s25+$0x4120] =	vst v0;
	(pc) =	sbr.rel @p0 .LBB2_2-.Ltmp0, $4  }
0x16: {  	[tilespmem:s25+$0x4130] =	vst v0  }
0x17: {  	[tilespmem:s25+$0x4140] =	vst v0  }
0x18: {  	[tilespmem:s25+$0x4150] =	vst v0  }
0x19: {  	[tilespmem:s25+$0x4160] =	vst v0;
	s25 =	sshra.s32 s26, $0x2;
	s26 =	sadd.s32 $0x200, s26  }
0x1a: {  	[tilespmem:s25+$0x4170] =	vst v0  }
0x1b: {  	[tilespmem:s25+$0x4100] =	vst v0  }
0x1c: {  	[tilespmem:s25+$0x4110] =	vst v0  }
0x1d: {  	[tilespmem:s25+$0x4120] =	vst v0  }
0x1e: {  	[tilespmem:s25+$0x4130] =	vst v0  }
0x1f: {  	[tilespmem:s25+$0x4140] =	vst v0  }
0x20: {  	[tilespmem:s25+$0x4150] =	vst v0  }
0x21: {  	[tilespmem:s25+$0x4160] =	vst v0  }
0x22: {  	[spmem:s5] =	stream.linear.scatter [tilespmem:s18], [sflag:$0x2], $0x2000, $0x38;
	[tilespmem:$0x1A100] =	vst v63  }
0x23: {  	_ =	swait.ge [sflag:s19], $0x2000  }
0x24: {  	[sflag:s19] =	ssyncset.done $0x0  }
0x25: {  	[sflag:s19] =	ssyncadd.s32 $0xFFFFE000  }
0x26: {  	[spmem:s6] =	stream.linear.scatter [tilespmem:s18], [sflag:$0x2], $0x2000, $0x38;
	[tilespmem:$0x1A100] =	vst v63  }
0x27: {  	_ =	swait.ge [sflag:s19], $0x2000  }
0x28: {  	[sflag:s19] =	ssyncset.done $0x0  }
0x29: {  	[sflag:s19] =	ssyncadd.s32 $0xFFFFE000  }
0x2a: {  	[spmem:s7] =	stream.linear.scatter [tilespmem:s18], [sflag:$0x2], $0x2000, $0x38;
	[tilespmem:$0x1A100] =	vst v63  }
0x2b: {  	_ =	swait.ge [sflag:s19], $0x2000  }
0x2c: {  	[sflag:s19] =	ssyncset.done $0x0  }
0x2d: {  	[sflag:s19] =	ssyncadd.s32 $0xFFFFE000  }
0x2e: {  	[spmem:s8] =	stream.linear.scatter [tilespmem:s18], [sflag:$0x2], $0x2000, $0x38;
	[tilespmem:$0x1A100] =	vst v63  }
0x2f: {  	_ =	swait.ge [sflag:s19], $0x2000  }
0x30: {  	[sflag:s19] =	ssyncset.done $0x0  }
0x31: {  	[sflag:s19] =	ssyncadd.s32 $0xFFFFE000  }
0x32: {  	[spmem:s9] =	stream.linear.scatter [tilespmem:s18], [sflag:$0x2], $0x2000, $0x38;
	[tilespmem:$0x1A100] =	vst v63  }
0x33: {  	_ =	swait.ge [sflag:s19], $0x2000  }
0x34: {  	[sflag:s19] =	ssyncset.done $0x0  }
0x35: {  	[sflag:s19] =	ssyncadd.s32 $0xFFFFE000  }
0x36: {  	[spmem:s10] =	stream.linear.scatter [tilespmem:s18], [sflag:$0x2], $0x2000, $0x38;
	[tilespmem:$0x1A100] =	vst v63  }
0x37: {  	_ =	swait.ge [sflag:s19], $0x2000  }
0x38: {  	[sflag:s19] =	ssyncset.done $0x0  }
0x39: {  	[sflag:s19] =	ssyncadd.s32 $0xFFFFE000  }
0x3a: {  	[spmem:s11] =	stream.linear.scatter [tilespmem:s18], [sflag:$0x2], $0x2000, $0x38;
	[tilespmem:$0x1A100] =	vst v63  }
0x3b: {  	_ =	swait.ge [sflag:s19], $0x2000  }
0x3c: {  	[sflag:s19] =	ssyncset.done $0x0  }
0x3d: {  	[sflag:s19] =	ssyncadd.s32 $0xFFFFE000  }
0x3e: {  	[spmem:s12] =	stream.linear.scatter [tilespmem:s18], [sflag:$0x2], $0x2000, $0x38;
	[tilespmem:$0x1A100] =	vst v63  }
0x3f: {  	_ =	swait.ge [sflag:s19], $0x2000  }
0x40: {  	[sflag:s19] =	ssyncset.done $0x0  }
0x41: {  	[sflag:s19] =	ssyncadd.s32 $0xFFFFE000  }
0x42: {  	[spmem:s13] =	stream.linear.scatter [tilespmem:s18], [sflag:$0x2], $0x2000, $0x38;
	[tilespmem:$0x1A100] =	vst v63  }
0x43: {  	_ =	swait.ge [sflag:s19], $0x2000  }
0x44: {  	[sflag:s19] =	ssyncset.done $0x0  }
0x45: {  	[sflag:s19] =	ssyncadd.s32 $0xFFFFE000  }
0x46: {  	[spmem:s14] =	stream.linear.scatter [tilespmem:s18], [sflag:$0x2], $0x2000, $0x38;
	[tilespmem:$0x1A100] =	vst v63  }
0x47: {  	_ =	swait.ge [sflag:s19], $0x2000  }
0x48: {  	[sflag:s19] =	ssyncset.done $0x0  }
0x49: {  	[sflag:s19] =	ssyncadd.s32 $0xFFFFE000  }
0x4a: {  	s30 =	sadd.s32 $0x0, s17;
	[bflag:$0x0] =	sbarrier.arrive $0xFFFF  }
0x4b: {  	[tilespmem:s3], [sflag:$0x2] =	stream.linear.gather [hbm4b:s30+s3], $0x80, $0x38;
	[tilespmem:$0x1A100] =	vst v63  }
0x4c: {  	_ =	swait.ge [sflag:s19], $0x80  }
0x4d: {  	[sflag:s19] =	ssyncset.done $0x0  }
0x4e: {  	s31 =	sadd.s32 $0x0, s16;
	[sflag:s19] =	ssyncadd.s32 $0xFFFFFF80  }
0x4f: {  	[tilespmem:s20], [sflag:$0x2] =	stream.linear.gather [hbm4b:s31+s3], $0x80, $0x38;
	[tilespmem:$0x1A100] =	vst v63  }
0x50: {  	_ =	swait.ge [sflag:s19], $0x80  }
0x51: {  	[sflag:s19] =	ssyncset.done $0x0  }
0x52: {  	[sflag:s19] =	ssyncadd.s32 $0xFFFFFF80  }
0x53: {  	[tilespmem:s21], [sflag:$0x1] =	stream.indirect.gather [hbm4b:s4+s20], $0x80, s3, s20, $0xb8;
	[tilespmem:$0x1A100] =	vst v63  }
0x54: {  	_ =	swait.ge [sflag:s22], $0x4000  }
0x55: {  	[sflag:s22] =	ssyncset.done $0x0  }
0x56: {  	[sflag:s22] =	ssyncadd.s32 $0xFFFFC000  }
0x57: {  	[spmem:s2] =	stream.indirect.scatter.add.f32 [tilespmem:s21], [sflag:$0x2], $0x80, s20, s20, $0xb8;
	[tilespmem:$0x1A100] =	vst v63  }
0x58: {  	_ =	swait.ge [sflag:s19], $0x4000  }
0x59: {  	s25 =	simm.s32 $0x10;
	s26 =	simm.s32 $0x20;
	[sflag:s19] =	ssyncset.done $0x0  }
.LBB2_4:
0x5a: {  	s28 =	sadd.s32 s25, s17  }
0x5b: {  	[sflag:s19] =	ssyncadd.s32 $0xFFFFC000;
	s29 =	smov.u32 s26;
	s30 =	sadd.s32 $0x10, s26  }
0x5c: {  	[tilespmem:s3], [sflag:$0x2] =	stream.linear.gather [hbm4b:s28+s3], $0x80, $0x38;
	[tilespmem:$0x1A100] =	vst v63  }
0x5d: {  	p0 =	sne.s32 s26, $0x4E0;
	_ =	swait.ge [sflag:s19], $0x80  }
0x5e: {  	[sflag:s19] =	ssyncset.done $0x0  }
0x5f: {  	s26 =	sadd.s32 s25, s16;
	s25 =	smov.u32 s29;
	[sflag:s19] =	ssyncadd.s32 $0xFFFFFF80  }
0x60: {  	[tilespmem:s20], [sflag:$0x2] =	stream.linear.gather [hbm4b:s26+s3], $0x80, $0x38;
	[tilespmem:$0x1A100] =	vst v63  }
0x61: {  	_ =	swait.ge [sflag:s19], $0x80  }
0x62: {  	[sflag:s19] =	ssyncset.done $0x0  }
0x63: {  	[sflag:s19] =	ssyncadd.s32 $0xFFFFFF80  }
0x64: {  	[tilespmem:s21], [sflag:$0x1] =	stream.indirect.gather [hbm4b:s4+s20], $0x80, s3, s20, $0xb8;
	[tilespmem:$0x1A100] =	vst v63  }
0x65: {  	_ =	swait.ge [sflag:s22], $0x4000  }
.Ltmp1:
0x66: {  	[sflag:s22] =	ssyncset.done $0x0;
	(pc) =	sbr.rel @p0 .LBB2_4-.Ltmp1, $4  }
0x67: {  	[sflag:s22] =	ssyncadd.s32 $0xFFFFC000  }
0x68: {  	[spmem:s2] =	stream.indirect.scatter.add.f32 [tilespmem:s21], [sflag:$0x2], $0x80, s20, s20, $0xb8;
	[tilespmem:$0x1A100] =	vst v63  }
0x69: {  	_ =	swait.ge [sflag:s19], $0x4000  }
0x6a: {  	s26 =	smov.u32 s30;
	[sflag:s19] =	ssyncset.done $0x0  }
0x6b: {  	s26 =	sadd.s32 s25, s17;
	[sflag:s19] =	ssyncadd.s32 $0xFFFFC000  }
0x6c: {  	[tilespmem:s3], [sflag:$0x2] =	stream.linear.gather [hbm4b:s26+s3], $0x80, $0x38;
	[tilespmem:$0x1A100] =	vst v63  }
0x6d: {  	_ =	swait.ge [sflag:s19], $0x80  }
0x6e: {  	[sflag:s19] =	ssyncset.done $0x0  }
0x6f: {  	s29 =	sadd.s32 s25, s16;
	[sflag:s19] =	ssyncadd.s32 $0xFFFFFF80  }
0x70: {  	[tilespmem:s20], [sflag:$0x2] =	stream.linear.gather [hbm4b:s29+s3], $0x80, $0x38;
	[tilespmem:$0x1A100] =	vst v63  }
0x71: {  	_ =	swait.ge [sflag:s19], $0x80  }
0x72: {  	[sflag:s19] =	ssyncset.done $0x0  }
0x73: {  	[sflag:s19] =	ssyncadd.s32 $0xFFFFFF80  }
0x74: {  	[tilespmem:s21], [sflag:$0x1] =	stream.indirect.gather [hbm4b:s4+s20], $0x80, s3, s20, $0xb8;
	[tilespmem:$0x1A100] =	vst v63  }
0x75: {  	_ =	swait.ge [sflag:s22], $0x4000  }
0x76: {  	[sflag:s22] =	ssyncset.done $0x0  }
0x77: {  	[sflag:s22] =	ssyncadd.s32 $0xFFFFC000  }
0x78: {  	[spmem:s2] =	stream.indirect.scatter.add.f32 [tilespmem:s21], [sflag:$0x2], $0x80, s20, s20, $0xb8;
	[tilespmem:$0x1A100] =	vst v63  }
0x79: {  	_ =	swait.ge [sflag:s19], $0x4000  }
0x7a: {  	s30 =	sshll.u32 s1, $0x6;
	s24 =	sadd.s32 $0x1, s24;
	[sflag:s19] =	ssyncset.done $0x0  }
0x7b: {  	s31 =	sshrl.u32 s5, $0x3;
	p0 =	sne.s32 s24, s15;
	[sflag:s19] =	ssyncadd.s32 $0xFFFFC000  }
.Ltmp2:
0x7c: {  	s25 =	sor.u32 $0x1C02, s30;
	[bflag:$0x0] =	sbarrier.arrive $0xFFFF;
	(pc) =	sbr.rel @p0 .LBB2_1-.Ltmp2, $4  }
0x7d: {  	[hbm:s23], [sflag:s25] =	dma.local [spmem:s31], $0x2800  }
0x7e: {  	_ =	swait.ge [sflag:s19], $0x2800  }
0x7f: {  	[sflag:s19] =	ssyncset.done $0x0  }
0x80: {  	[sflag:s19] =	ssyncadd.s32 $0xFFFFD800  }
0x81: {  	_ =	sfence.sel $0x180000  }
0x82: {  	[bflag:$0x0] =	sbarrier.arrive $0xFFFF  }
0x83: {  	p0 =	sne.s32 s1, $0x0;
	_ =	strace $0x90000050  }
0x84: {  	s0 =	sadd.s32 @!p0 $0x100000, s0;
	[bflag:$0x2] =	sbarrier.arrive $0xFFFF  }
0x85: {  	[sflag:s0] =	ssyncadd.tile.s32 @!p0 $0x1;
	_ =	shalt  }
.Lfunc_end2:
_tile_overlayer_lowered:
.L_overlay_start_2:
0x86: {  	(tag) =	ssettag $0x2  }
0x87: {  	s0 =	rddreg [dreg:$0x0];
	s2 =	stileid.u32  }
0x88: {  	s1 =	rddreg [dreg:$0x1];
	p0 =	sne.s32 s2, $0x0  }
0x89: {  	s3 =	rddreg [dreg:$0x2];
	[bflag:$0x3] =	sbarrier.arrive $0xFFFF;
	s2 =	simm.s32 @!p0 $0x1C02  }
0x8a: {  	[timem:s3], [sflag:s2] =	dma.local @!p0 [hbm:s0], s1  }
0x8b: {  	s0 =	simm.s32 @!p0 $0x2  }
0x8c: {  	_ =	swait.ge @!p0 [sflag:s0], s1  }
0x8d: {  	s1 =	ssub.s32 @!p0 $0x0, s1;
	[sflag:s0] =	ssyncset.done @!p0 $0x0  }
0x8e: {  	[sflag:s0] =	ssyncadd.s32 @!p0 s1  }
0x8f: {  	[bflag:$0x3] =	sbarrier.arrive $0xFFFF  }
0x90: {  	_ =	shalt  }

// kernel: kernel.28.cloned.1.call-start
scs
__scs_entry_jumppad:
0x0: {  	(pc) =	sbr.rel $0x88, $3  }
0x1: {  	(tag) =	ssettag $0x0;
	lr =	simm.s32 $0x1  }
0x2: {  	[smem:$0x3F84] =	sst lr;
	_ =	strace $0xD0000000  }
0x3: {  	_ = 	snop  }
0x4: {  	_ = 	snop  }
0x5: {  	_ = 	snop  }
0x6: {  	_ = 	snop  }
0x7: {  	_ = 	snop  }
__scs_overlays_trampoline_lowered:
0x8: {  	[smem:$0x3F93] =	sst s0  }
0x9: {  	[smem:$0x3F94] =	sst s1  }
0xa: {  	[smem:$0x3F95] =	sst s2  }
0xb: {  	[smem:$0x3F96] =	sst s3  }
0xc: {  	[smem:$0x3F97] =	sst s4  }
0xd: {  	[smem:$0x3F98] =	sst s5  }
0xe: {  	[smem:$0x3F99] =	sst s6  }
0xf: {  	[smem:$0x3F9A] =	sst s7  }
0x10: {  	[smem:$0x3F9B] =	sst s8  }
0x11: {  	[smem:$0x3F9C] =	sst s9;
	s0 =	simm.s32 @!p0 $0x0  }
0x12: {  	s1 =	sld [smem:$0x3F82];
	s0 =	simm.s32 @p0 $0x1  }
0x13: {  	[smem:$0x3F9D] =	sst s0;
	s0 =	simm.s32 @!p1 $0x0  }
0x14: {  	s2 =	sld [smem:$0x3F81];
	s0 =	simm.s32 @p1 $0x1  }
0x15: {  	[smem:$0x3F9E] =	sst s0;
	s0 =	simm.s32 @!p2 $0x0  }
0x16: {  	s3 =	sld [smem:$0x3FDB];
	s0 =	simm.s32 @p2 $0x1  }
0x17: {  	s4 =	simm.s32 $0x1BF5;
	[smem:$0x3FA0] =	sst s0  }
0x18: {  	s0 =	sld [smem:$0x3F83];
	_ =	swait.ge [sflag:s4], $0x0  }
0x19: {  	s7 =	sld [smem:$0x3F84]  }
0x1a: {  	s8 =	sadd.s32 $0xFFFFE003, lr  }
0x1b: {  	s9 =	sadd.s32 $0xFFFFFEF7, lr;
	s5 =	simm.s32 $0xFFFFFFFF;
	p2 =	slt.u32 s8, $0xFFFFF086  }
0x1c: {  	p1 =	slt.u32 s9, $0xF7A;
	s5 =	simm.s32 @!p2 $0x0  }
0x1d: {  	s5 =	simm.s32 @p1 $0x1;
	p0 =	seq.s32 s7, s2  }
0x1e: {  	s7 =	smul.u32 @!p0 $0xF7A, s2;
	p2 =	seq.s32 @!p0 s5, $0x0  }
0x1f: {  	s9 =	smul.u32 $0xF7A, s1;
	s8 =	simm.s32 @!p0 $0x1BF5;
	p2 =	por !p2, p0  }
0x20: {  	[sflag:s8] =	ssyncset.s32 @!p0 $0xFFFFF086;
	s6 =	sadd.s32 @!p0 s3, s7;
	s7 =	simm.s32 @!p0 $0x108  }
0x21: {  	s3 =	sadd.s32 s3, s9;
	s6 =	sadd.s32 @!p0 $0x88, s6;
	s7 =	simm.s32 @p2 $0x1082  }
0x22: {  	[simem:s7], [sflag:s8] =	dma.local @!p0 [hbm:s6], $0xF7A  }
0x23: {  	s9 =	sor.u32 $0xD0000000, s2;
	s6 =	simm.s32 $0x108;
	_ =	swait.ge @!p0 [sflag:s8], $0x0  }
0x24: {  	s3 =	sadd.s32 $0x88, s3;
	s6 =	simm.s32 @!p1 $0x1082;
	[sflag:s4] =	ssyncset.s32 $0xFFFFF086  }
0x25: {  	[simem:s6], [sflag:s4] =	dma.local [hbm:s3], $0xF7A  }
0x26: {  	[smem:$0x3F84] =	sst s1;
	(tag) =	ssettag s2;
	_ =	strace s9  }
0x27: {  	s1 =	sld [smem:$0x3F94]  }
0x28: {  	s2 =	sld [smem:$0x3F95]  }
0x29: {  	s4 =	sld [smem:$0x3F97]  }
0x2a: {  	p0 =	seq.s32 s5, $0x0;
	s5 =	sld [smem:$0x3F98]  }
0x2b: {  	s6 =	sld [smem:$0x3F99]  }
0x2c: {  	s7 =	sld [smem:$0x3F9A]  }
0x2d: {  	s3 =	simm.s32 $0x108;
	s8 =	sld [smem:$0x3F9B]  }
0x2e: {  	s3 =	simm.s32 @!p0 $0x1082;
	s9 =	sld [smem:$0x3F9C]  }
0x2f: {  	lr =	sadd.s32 s0, s3;
	s0 =	sld [smem:$0x3F93]  }
0x30: {  	s3 =	sld [smem:$0x3F96]  }
0x31: {  	[smem:$0x3F9F] =	sst s10  }
0x32: {  	s10 =	sld [smem:$0x3F9D];
	_ =	sdelay $0x3  }
0x33: {  	p0 =	seq.s32 s10, $0x1;
	s10 =	sld [smem:$0x3F9F];
	_ =	sdelay $0x3  }
0x34: {  	[smem:$0x3F9F] =	sst s10  }
0x35: {  	s10 =	sld [smem:$0x3F9E];
	_ =	sdelay $0x3  }
0x36: {  	p1 =	seq.s32 s10, $0x1;
	s10 =	sld [smem:$0x3F9F];
	_ =	sdelay $0x3  }
0x37: {  	[smem:$0x3F9F] =	sst s10  }
0x38: {  	s10 =	sld [smem:$0x3FA0]  }
0x39: {  	_ = 	snop;
	(pc) =	sbr.ind lr, $3  }
0x3a: {  	_ = 	snop  }
0x3b: {  	_ = 	snop  }
0x3c: {  	p2 =	seq.s32 s10, $0x1;
	s10 =	sld [smem:$0x3F9F]  }
0x3d: {  	_ =	shalt  }
0x3e: {  	_ =	shalt  }
0x3f: {  	_ =	shalt  }
0x40: {  	_ =	shalt  }
0x41: {  	_ =	shalt  }
0x42: {  	_ =	shalt  }
0x43: {  	_ =	shalt  }
0x44: {  	_ =	shalt  }
0x45: {  	_ =	shalt  }
0x46: {  	_ =	shalt  }
0x47: {  	_ =	shalt  }
0x48: {  	_ =	shalt  }
0x49: {  	_ =	shalt  }
0x4a: {  	_ =	shalt  }
0x4b: {  	_ =	shalt  }
0x4c: {  	_ =	shalt  }
0x4d: {  	_ =	shalt  }
0x4e: {  	_ =	shalt  }
0x4f: {  	_ =	shalt  }
0x50: {  	_ =	shalt  }
0x51: {  	_ =	shalt  }
0x52: {  	_ =	shalt  }
0x53: {  	_ =	shalt  }
0x54: {  	_ =	shalt  }
0x55: {  	_ =	shalt  }
0x56: {  	_ =	shalt  }
0x57: {  	_ =	shalt  }
0x58: {  	_ =	shalt  }
0x59: {  	_ =	shalt  }
0x5a: {  	_ =	shalt  }
0x5b: {  	_ =	shalt  }
0x5c: {  	_ =	shalt  }
0x5d: {  	_ =	shalt  }
0x5e: {  	_ =	shalt  }
0x5f: {  	_ =	shalt  }
0x60: {  	_ =	shalt  }
0x61: {  	_ =	shalt  }
0x62: {  	_ =	shalt  }
0x63: {  	_ =	shalt  }
0x64: {  	_ =	shalt  }
0x65: {  	_ =	shalt  }
0x66: {  	_ =	shalt  }
0x67: {  	_ =	shalt  }
0x68: {  	_ =	shalt  }
0x69: {  	_ =	shalt  }
0x6a: {  	_ =	shalt  }
0x6b: {  	_ =	shalt  }
0x6c: {  	_ =	shalt  }
0x6d: {  	_ =	shalt  }
0x6e: {  	_ =	shalt  }
0x6f: {  	_ =	shalt  }
0x70: {  	_ =	shalt  }
0x71: {  	_ =	shalt  }
0x72: {  	_ =	shalt  }
0x73: {  	_ =	shalt  }
0x74: {  	_ =	shalt  }
0x75: {  	_ =	shalt  }
0x76: {  	_ =	shalt  }
0x77: {  	_ =	shalt  }
0x78: {  	_ =	shalt  }
0x79: {  	_ =	shalt  }
0x7a: {  	_ =	shalt  }
0x7b: {  	_ =	shalt  }
0x7c: {  	_ =	shalt  }
0x7d: {  	_ =	shalt  }
0x7e: {  	_ =	shalt  }
0x7f: {  	_ =	shalt  }
0x80: {  	_ =	shalt  }
0x81: {  	_ =	shalt  }
0x82: {  	_ =	shalt  }
0x83: {  	_ =	shalt  }
0x84: {  	_ =	shalt  }
0x85: {  	_ =	shalt  }
0x86: {  	_ =	shalt  }
0x87: {  	_ =	shalt  }
.Lfunc_end0:
.L_simem_size_0:
called_computation.4_lowered:
.L_overlay_start_0:
0x88: {  	s2 =	sld [smem:$0x3FD9]  }
0x89: {  	s3 =	sld [smem:$0x3FFE];
	_ =	sdelay $0x1  }
0x8a: {  	s1 =	srdreg.scid  }
0x8b: {  	s0 =	sand.u32 $0x1, s1  }
0x8c: {  	s16 =	sshll.u32 s0, $0xA;
	s2 =	sadd.s32 s3, s2  }
0x8d: {  	s2 =	sadd.s32 s2, s16  }
0x8e: {  	[smem:$0x3FAB] =	sst s2  }
0x8f: {  	_ = 	snop  }
0x90: {  	(tm) =	ssettm $0x1  }
0x91: {  	s17 =	sld [smem:$0x3FFB];
	_ =	sdelay $0x3  }
0x92: {  	_ =	strace s17  }
0x93: {  	s2 =	sld [smem:$0x3FFC];
	_ =	sdelay $0x3  }
0x94: {  	_ =	strace s2  }
0x95: {  	s2 =	sld [smem:$0x3FFD];
	_ =	sdelay $0x3  }
0x96: {  	_ =	strace s2  }
0x97: {  	_ =	strace $0x8FFFFFFF  }
0x98: {  	s18 =	sld [smem:$0x3FDB];
	_ =	sdelay $0x1  }
0x99: {  	s19 =	simm.s32 $_scs_section_size  }
0x9a: {  	s4 =	simm.s32 $_size__tile_overlayer_lowered;
	s5 =	simm.s32 $_tile_overlayer_lowered  }
0x9b: {  	s22 =	simm.s32 $0x1BFF;
	s21 =	sshll.u32 s5, $0x1;
	s2 =	sadd.s32 s19, s18  }
0x9c: {  	s6 =	simm.s32 $0x0;
	s20 =	sshll.u32 s4, $0x1;
	s4 =	sadd.s32 s21, s2  }
0x9d: {  	[timem:s6], [sflag:s22] =	dma.local [hbm:s4], s20  }
0x9e: {  	_ =	swait.ge [sflag:s22], s20  }
0x9f: {  	s3 =	ssub.s32 $0x0, s20;
	[sflag:s22] =	ssyncset.done $0x0  }
0xa0: {  	[sflag:s22] =	ssyncadd.s32 s3;
	_ =	sdelay $0x1  }
0xa1: {  	s23 =	simm.s32 $0x1B8B  }
0xa2: {  	_ =	swait.ge [sflag:s23], $0x1  }
0xa3: {  	[sflag:s23] =	ssyncset.done $0x0  }
0xa4: {  	s25 =	simm.s32 $0x1B8E;
	s24 =	sld [smem:$0x3FFE];
	[sflag:s23] =	ssyncadd.s32 $0xFFFFFFFF  }
0xa5: {  	s26 =	simm.s32 $execute0_lowered;
	[smem:$0x3FD2] =	sst s25  }
0xa6: {  	s4 =	sshll.u32 s26, $0x1;
	_ =	strace $0x80000052;
	[dreg:$0x1] =	wrdreg $0xFFFFFFFF  }
0xa7: {  	s28 =	simm.s32 $_size_execute0_lowered;
	s2 =	sadd.s32 s2, s4;
	[dreg:$0x0] =	wrdreg $0x0  }
0xa8: {  	s4 =	sshll.u32 s28, $0x1;
	[dreg:$0x2] =	wrdreg s2  }
0xa9: {  	[dreg:$0x3] =	wrdreg s4  }
0xaa: {  	[dreg:$0x4] =	wrdreg $0xC0  }
0xab: {  	_ =	task [dreg:s6], $0x5FFFF  }
0xac: {  	[dreg:$0x1] =	wrdreg $0xFFFFFFFF  }
0xad: {  	[dreg:$0x0] =	wrdreg $0x60  }
0xae: {  	[dreg:$0x2] =	wrdreg s24  }
0xaf: {  	[dreg:$0x3] =	wrdreg $0x25000  }
0xb0: {  	[dreg:$0x4] =	wrdreg $0x9  }
0xb1: {  	_ =	task.clear_ibuf [dreg:s6], $0x5FFFF;
	_ =	strace $0x90000052  }
0xb2: {  	s29 =	simm.s32 $0x9;
	_ =	strace $0x80000054  }
0xb3: {  	_ =	swait.ge [sflag:s29], $0x1  }
0xb4: {  	[sflag:s29] =	ssyncadd.s32 $0xFFFFFFFF  }
0xb5: {  	_ =	strace $0x90000054  }
0xb6: {  	_ =	sfence  }
0xb7: {  	s30 =	sld [smem:$0x0];
	_ =	sdelay $0x2  }
0xb8: {  	s31 =	sshll.u32 s1, $0xD;
	s1 =	sshrl.u32 s1, $0x2  }
0xb9: {  	s3 =	sand.u32 $0x4000, s31;
	s1 =	sadd.s32 s1, s30  }
0xba: {  	s0 =	sor.u32 s3, s0;
	s1 =	sshll.u32 s1, $0x11  }
0xbb: {  	s0 =	sor.u32 s1, s0  }
0xbc: {  	s0 =	sadd.s32 $0x8F2B, s0  }
0xbd: {  	[sflag:s0] =	ssyncadd.remote.s32 $0x1  }
0xbe: {  	_ =	sfence.sel $0xFFFF  }
0xbf: {  	[dreg:$0x0] =	wrdreg $0xFFFFFFFF;
	(pc) =	sbr.abs _section_cstart, $3  }
0xc0: {  	[dreg:$0x1] =	wrdreg $0xFFFFFFFF  }
0xc1: {  	_ =	task.clear_ibuf [dreg:s6], $0x2FFFF;
	_ =	strace $0x9FFFFFFF  }
0xc2: {  	(tm) =	ssettm $0x7FFFFFFF  }
0xc3: {  	_ =	shalt  }
tec
execute0_lowered:
.L_overlay_start_1:
0x0: {  	(tag) =	ssettag $0x1  }
0x1: {  	s22 =	rddreg [dreg:$0x0]  }
0x2: {  	s1 =	rddreg [dreg:$0x1];
	s2 =	simm.s32 $0x0  }
0x3: {  	v0 =	vimm.f32 $0.0e+00;
	[smem:$0x7FF] =	sst s2  }
0x4: {  	s0 =	rddreg [dreg:$0x2];
	_ =	strace $0x80000053;
	[tilespmem:$0x2120] =	vst v0  }
0x5: {  	[tilespmem:$0x2130] =	vst v0  }
0x6: {  	[tilespmem:$0x2140] =	vst v0  }
0x7: {  	[tilespmem:$0x2150] =	vst v0  }
0x8: {  	[tilespmem:$0x2160] =	vst v0  }
0x9: {  	[tilespmem:$0x2170] =	vst v0  }
0xa: {  	[tilespmem:$0x2180] =	vst v0  }
0xb: {  	[tilespmem:$0x2190] =	vst v0  }
0xc: {  	[tilespmem:$0x21A0] =	vst v0  }
0xd: {  	[tilespmem:$0x21B0] =	vst v0  }
0xe: {  	[tilespmem:$0x21C0] =	vst v0  }
0xf: {  	[tilespmem:$0x21D0] =	vst v0  }
0x10: {  	[tilespmem:$0x21E0] =	vst v0  }
0x11: {  	[tilespmem:$0x21F0] =	vst v0  }
0x12: {  	[tilespmem:$0x2200] =	vst v0  }
0x13: {  	[tilespmem:$0x2210] =	vst v0  }
0x14: {  	[tilespmem:$0x2220] =	vst v0  }
0x15: {  	[tilespmem:$0x2230] =	vst v0  }
0x16: {  	[tilespmem:$0x2240] =	vst v0  }
0x17: {  	[tilespmem:$0x2250] =	vst v0  }
0x18: {  	[tilespmem:$0x2260] =	vst v0  }
0x19: {  	[tilespmem:$0x2270] =	vst v0  }
0x1a: {  	[tilespmem:$0x2280] =	vst v0  }
0x1b: {  	[tilespmem:$0x2290] =	vst v0  }
0x1c: {  	[tilespmem:$0x22A0] =	vst v0  }
0x1d: {  	[tilespmem:$0x22B0] =	vst v0  }
0x1e: {  	[tilespmem:$0x22C0] =	vst v0  }
0x1f: {  	[tilespmem:$0x22D0] =	vst v0  }
0x20: {  	[tilespmem:$0x22E0] =	vst v0  }
0x21: {  	[tilespmem:$0x22F0] =	vst v0  }
0x22: {  	[tilespmem:$0x2300] =	vst v0  }
0x23: {  	[tilespmem:$0x2100] =	vst v0  }
0x24: {  	[tilespmem:$0x24F0] =	vst v0  }
0x25: {  	[tilespmem:$0x24E0] =	vst v0  }
0x26: {  	[tilespmem:$0x24D0] =	vst v0  }
0x27: {  	[tilespmem:$0x24C0] =	vst v0  }
0x28: {  	[tilespmem:$0x24B0] =	vst v0  }
0x29: {  	[tilespmem:$0x24A0] =	vst v0  }
0x2a: {  	[tilespmem:$0x2490] =	vst v0  }
0x2b: {  	[tilespmem:$0x2480] =	vst v0  }
0x2c: {  	[tilespmem:$0x2470] =	vst v0  }
0x2d: {  	[tilespmem:$0x2460] =	vst v0  }
0x2e: {  	[tilespmem:$0x2450] =	vst v0  }
0x2f: {  	[tilespmem:$0x2440] =	vst v0  }
0x30: {  	[tilespmem:$0x2430] =	vst v0  }
0x31: {  	[tilespmem:$0x2420] =	vst v0  }
0x32: {  	[tilespmem:$0x2410] =	vst v0  }
0x33: {  	[tilespmem:$0x2400] =	vst v0  }
0x34: {  	[tilespmem:$0x23F0] =	vst v0  }
0x35: {  	[tilespmem:$0x23E0] =	vst v0  }
0x36: {  	[tilespmem:$0x23D0] =	vst v0  }
0x37: {  	[tilespmem:$0x23C0] =	vst v0  }
0x38: {  	[tilespmem:$0x23B0] =	vst v0  }
0x39: {  	[tilespmem:$0x23A0] =	vst v0  }
0x3a: {  	[tilespmem:$0x2390] =	vst v0  }
0x3b: {  	[tilespmem:$0x2380] =	vst v0  }
0x3c: {  	[tilespmem:$0x2370] =	vst v0  }
0x3d: {  	[tilespmem:$0x2360] =	vst v0  }
0x3e: {  	[tilespmem:$0x2350] =	vst v0  }
0x3f: {  	[tilespmem:$0x2340] =	vst v0  }
0x40: {  	[tilespmem:$0x2330] =	vst v0  }
0x41: {  	s4 =	srdreg.scid;
	s3 =	stileid.u32;
	s6 =	simm.s32 $0x2100;
	[tilespmem:$0x2320] =	vst v0  }
0x42: {  	s23 =	sand.u32 $0x1, s4;
	s25 =	sshll.u32 s3, $0x1;
	s26 =	sshll.u32 s3, $0xA;
	[tilespmem:$0x2310] =	vst v0  }
0x43: {  	s5 =	simm.s32 $0x2;
	s7 =	sor.u32 s23, s25;
	s4 =	sadd.s32 s26, s1;
	[tilespmem:$0x2110] =	vst v0  }
0x44: {  	[spmem:s4] =	stream.linear.scatter [tilespmem:s6], [sflag:$0x2], $0x400, $0x38;
	[tilespmem:$0x2900] =	vst v63  }
0x45: {  	s7 =	smul.u32 $0x140, s7;
	_ =	swait.ge [sflag:s5], $0x400  }
0x46: {  	[sflag:s5] =	ssyncset.done $0x0  }
0x47: {  	s20 =	sadd.s32 $0x2DC00, s22;
	s24 =	sshrl.u32 s7, $0x3;
	[sflag:s5] =	ssyncadd.s32 $0xFFFFFC00  }
0x48: {  	s7 =	sadd.s32 s20, s24;
	[bflag:$0x0] =	sbarrier.arrive $0xFFFF  }
0x49: {  	[tilespmem:s2], [sflag:$0x2] =	stream.linear.gather [hbm4b:s7+s2], $0x40, $0x38;
	[tilespmem:$0x2900] =	vst v63  }
0x4a: {  	_ =	swait.ge [sflag:s5], $0x40  }
0x4b: {  	s21 =	sadd.s32 $0x91800, s22;
	[sflag:s5] =	ssyncset.done $0x0  }
0x4c: {  	s9 =	simm.s32 $0x80;
	s8 =	sadd.s32 s21, s24;
	[sflag:s5] =	ssyncadd.s32 $0xFFFFFFC0  }
0x4d: {  	[tilespmem:s9], [sflag:$0x2] =	stream.linear.gather [hbm4b:s8+s2], $0x40, $0x38;
	[tilespmem:$0x2900] =	vst v63  }
0x4e: {  	_ =	swait.ge [sflag:s5], $0x40  }
0x4f: {  	s11 =	simm.s32 $0x40;
	s12 =	simm.s32 $0x100;
	[sflag:s5] =	ssyncset.done $0x0  }
0x50: {  	s13 =	simm.s32 $0x1;
	s10 =	sadd.s32 $0x6A00, s22;
	[sflag:s5] =	ssyncadd.s32 $0xFFFFFFC0  }
0x51: {  	[tilespmem:s12], [sflag:$0x1] =	stream.indirect.gather [hbm4b:s10+s11], $0x80, s2, s11, $0xb8;
	[tilespmem:$0x2900] =	vst v63  }
0x52: {  	_ =	swait.ge [sflag:s13], $0x2000  }
0x53: {  	[sflag:s13] =	ssyncset.done $0x0  }
0x54: {  	[sflag:s13] =	ssyncadd.s32 $0xFFFFE000  }
0x55: {  	[spmem:s1] =	stream.indirect.scatter.add.f32 [tilespmem:s12], [sflag:$0x2], $0x80, s9, s11, $0xb8;
	[tilespmem:$0x2900] =	vst v63  }
0x56: {  	_ =	swait.ge [sflag:s5], $0x2000  }
0x57: {  	s15 =	sadd.s32 $0x8, s24;
	[sflag:s5] =	ssyncset.done $0x0  }
0x58: {  	s14 =	sadd.s32 s20, s15;
	[sflag:s5] =	ssyncadd.s32 $0xFFFFE000  }
0x59: {  	[tilespmem:s2], [sflag:$0x2] =	stream.linear.gather [hbm4b:s14+s2], $0x40, $0x38;
	[tilespmem:$0x2900] =	vst v63  }
0x5a: {  	_ =	swait.ge [sflag:s5], $0x40  }
0x5b: {  	[sflag:s5] =	ssyncset.done $0x0  }
0x5c: {  	s15 =	sadd.s32 s21, s15;
	[sflag:s5] =	ssyncadd.s32 $0xFFFFFFC0  }
0x5d: {  	[tilespmem:s9], [sflag:$0x2] =	stream.linear.gather [hbm4b:s15+s2], $0x40, $0x38;
	[tilespmem:$0x2900] =	vst v63  }
0x5e: {  	_ =	swait.ge [sflag:s5], $0x40  }
0x5f: {  	[sflag:s5] =	ssyncset.done $0x0  }
0x60: {  	[sflag:s5] =	ssyncadd.s32 $0xFFFFFFC0  }
0x61: {  	[tilespmem:s12], [sflag:$0x1] =	stream.indirect.gather [hbm4b:s10+s11], $0x80, s2, s11, $0xb8;
	[tilespmem:$0x2900] =	vst v63  }
0x62: {  	_ =	swait.ge [sflag:s13], $0x2000  }
0x63: {  	[sflag:s13] =	ssyncset.done $0x0  }
0x64: {  	[sflag:s13] =	ssyncadd.s32 $0xFFFFE000  }
0x65: {  	[spmem:s1] =	stream.indirect.scatter.add.f32 [tilespmem:s12], [sflag:$0x2], $0x80, s9, s11, $0xb8;
	[tilespmem:$0x2900] =	vst v63  }
0x66: {  	_ =	swait.ge [sflag:s5], $0x2000  }
0x67: {  	s17 =	sadd.s32 $0x10, s24;
	[sflag:s5] =	ssyncset.done $0x0  }
0x68: {  	s16 =	sadd.s32 s20, s17;
	[sflag:s5] =	ssyncadd.s32 $0xFFFFE000  }
0x69: {  	[tilespmem:s2], [sflag:$0x2] =	stream.linear.gather [hbm4b:s16+s2], $0x40, $0x38;
	[tilespmem:$0x2900] =	vst v63  }
0x6a: {  	_ =	swait.ge [sflag:s5], $0x40  }
0x6b: {  	[sflag:s5] =	ssyncset.done $0x0  }
0x6c: {  	s17 =	sadd.s32 s21, s17;
	[sflag:s5] =	ssyncadd.s32 $0xFFFFFFC0  }
0x6d: {  	[tilespmem:s9], [sflag:$0x2] =	stream.linear.gather [hbm4b:s17+s2], $0x40, $0x38;
	[tilespmem:$0x2900] =	vst v63  }
0x6e: {  	_ =	swait.ge [sflag:s5], $0x40  }
0x6f: {  	[sflag:s5] =	ssyncset.done $0x0  }
0x70: {  	[sflag:s5] =	ssyncadd.s32 $0xFFFFFFC0  }
0x71: {  	[tilespmem:s12], [sflag:$0x1] =	stream.indirect.gather [hbm4b:s10+s11], $0x80, s2, s11, $0xb8;
	[tilespmem:$0x2900] =	vst v63  }
0x72: {  	_ =	swait.ge [sflag:s13], $0x2000  }
0x73: {  	[sflag:s13] =	ssyncset.done $0x0  }
0x74: {  	[sflag:s13] =	ssyncadd.s32 $0xFFFFE000  }
0x75: {  	[spmem:s1] =	stream.indirect.scatter.add.f32 [tilespmem:s12], [sflag:$0x2], $0x80, s9, s11, $0xb8;
	[tilespmem:$0x2900] =	vst v63  }
0x76: {  	_ =	swait.ge [sflag:s5], $0x2000  }
0x77: {  	s19 =	sadd.s32 $0x18, s24;
	[sflag:s5] =	ssyncset.done $0x0  }
0x78: {  	s18 =	sadd.s32 s20, s19;
	[sflag:s5] =	ssyncadd.s32 $0xFFFFE000  }
0x79: {  	[tilespmem:s2], [sflag:$0x2] =	stream.linear.gather [hbm4b:s18+s2], $0x40, $0x38;
	[tilespmem:$0x2900] =	vst v63  }
0x7a: {  	_ =	swait.ge [sflag:s5], $0x40  }
0x7b: {  	[sflag:s5] =	ssyncset.done $0x0  }
0x7c: {  	s19 =	sadd.s32 s21, s19;
	[sflag:s5] =	ssyncadd.s32 $0xFFFFFFC0  }
0x7d: {  	[tilespmem:s9], [sflag:$0x2] =	stream.linear.gather [hbm4b:s19+s2], $0x40, $0x38;
	[tilespmem:$0x2900] =	vst v63  }
0x7e: {  	_ =	swait.ge [sflag:s5], $0x40  }
0x7f: {  	[sflag:s5] =	ssyncset.done $0x0  }
0x80: {  	[sflag:s5] =	ssyncadd.s32 $0xFFFFFFC0  }
0x81: {  	[tilespmem:s12], [sflag:$0x1] =	stream.indirect.gather [hbm4b:s10+s11], $0x80, s2, s11, $0xb8;
	[tilespmem:$0x2900] =	vst v63  }
0x82: {  	_ =	swait.ge [sflag:s13], $0x2000  }
0x83: {  	[sflag:s13] =	ssyncset.done $0x0  }
0x84: {  	[sflag:s13] =	ssyncadd.s32 $0xFFFFE000  }
0x85: {  	[spmem:s1] =	stream.indirect.scatter.add.f32 [tilespmem:s12], [sflag:$0x2], $0x80, s9, s11, $0xb8;
	[tilespmem:$0x2900] =	vst v63  }
0x86: {  	_ =	swait.ge [sflag:s5], $0x2000  }
0x87: {  	s24 =	sadd.s32 $0x20, s24;
	[sflag:s5] =	ssyncset.done $0x0  }
0x88: {  	s20 =	sadd.s32 s20, s24;
	[sflag:s5] =	ssyncadd.s32 $0xFFFFE000  }
0x89: {  	[tilespmem:s2], [sflag:$0x2] =	stream.linear.gather [hbm4b:s20+s2], $0x40, $0x38;
	[tilespmem:$0x2900] =	vst v63  }
0x8a: {  	_ =	swait.ge [sflag:s5], $0x40  }
0x8b: {  	[sflag:s5] =	ssyncset.done $0x0  }
0x8c: {  	s21 =	sadd.s32 s21, s24;
	[sflag:s5] =	ssyncadd.s32 $0xFFFFFFC0  }
0x8d: {  	[tilespmem:s9], [sflag:$0x2] =	stream.linear.gather [hbm4b:s21+s2], $0x40, $0x38;
	[tilespmem:$0x2900] =	vst v63  }
0x8e: {  	_ =	swait.ge [sflag:s5], $0x40  }
0x8f: {  	[sflag:s5] =	ssyncset.done $0x0  }
0x90: {  	[sflag:s5] =	ssyncadd.s32 $0xFFFFFFC0  }
0x91: {  	[tilespmem:s12], [sflag:$0x1] =	stream.indirect.gather [hbm4b:s10+s11], $0x80, s2, s11, $0xb8;
	[tilespmem:$0x2900] =	vst v63  }
0x92: {  	s28 =	sshll.u32 s23, $0xB;
	s23 =	ssub.s32 $0x2, s23;
	_ =	swait.ge [sflag:s13], $0x2000  }
0x93: {  	s30 =	sshll.u32 s3, $0x7;
	s29 =	sshrl.u32 s23, $0x1;
	[sflag:s13] =	ssyncset.done $0x0  }
0x94: {  	s31 =	sshll.u32 s3, $0x6;
	s23 =	ssub.s32 s23, s29;
	[sflag:s13] =	ssyncadd.s32 $0xFFFFE000  }
0x95: {  	[spmem:s1] =	stream.indirect.scatter.add.f32 [tilespmem:s12], [sflag:$0x2], $0x80, s9, s11, $0xb8;
	[tilespmem:$0x2900] =	vst v63  }
0x96: {  	s22 =	sadd.s32 s28, s22;
	s25 =	smax.u32 s23, $0x1;
	_ =	swait.ge [sflag:s5], $0x2000  }
0x97: {  	s22 =	sadd.s32 $0x2E200, s22;
	p0 =	sne.s32 s25, $0x1;
	[sflag:s5] =	ssyncset.done $0x0  }
.Ltmp0:
0x98: {  	s22 =	sadd.s32 s30, s22;
	[sflag:s5] =	ssyncadd.s32 $0xFFFFE000;
	(pc) =	sbr.rel @!p0 .LBB2_2-.Ltmp0, $4  }
0x99: {  	s23 =	sor.u32 $0x1C02, s31;
	s24 =	sshrl.u32 s4, $0x3;
	[bflag:$0x0] =	sbarrier.arrive $0xFFFF  }
0x9a: {  	[hbm:s22], [sflag:s23] =	dma.local [spmem:s24], $0x80  }
0x9b: {  	_ =	swait.ge [sflag:s5], $0x80  }
0x9c: {  	s25 =	sadd.s32 $0xFFFFFFFF, s25;
	[sflag:s5] =	ssyncset.done $0x0  }
.LBB2_1:
0x9d: {  	p0 =	sne.s32 s25, $0x1;
	s25 =	sadd.s32 $0xFFFFFFFF, s25;
	[sflag:s5] =	ssyncadd.s32 $0xFFFFFF80  }
0x9e: {  	[tilespmem:$0x2120] =	vst v0  }
0x9f: {  	[tilespmem:$0x2130] =	vst v0  }
0xa0: {  	[tilespmem:$0x2140] =	vst v0  }
0xa1: {  	[tilespmem:$0x2150] =	vst v0  }
0xa2: {  	[tilespmem:$0x2160] =	vst v0  }
0xa3: {  	[tilespmem:$0x2170] =	vst v0  }
0xa4: {  	[tilespmem:$0x2180] =	vst v0  }
0xa5: {  	[tilespmem:$0x2190] =	vst v0  }
0xa6: {  	[tilespmem:$0x21A0] =	vst v0  }
0xa7: {  	[tilespmem:$0x21B0] =	vst v0  }
0xa8: {  	[tilespmem:$0x21C0] =	vst v0  }
0xa9: {  	[tilespmem:$0x21D0] =	vst v0  }
0xaa: {  	[tilespmem:$0x21E0] =	vst v0  }
0xab: {  	[tilespmem:$0x21F0] =	vst v0  }
0xac: {  	[tilespmem:$0x2200] =	vst v0  }
0xad: {  	[tilespmem:$0x2210] =	vst v0  }
0xae: {  	[tilespmem:$0x2220] =	vst v0  }
0xaf: {  	[tilespmem:$0x2230] =	vst v0  }
0xb0: {  	[tilespmem:$0x2240] =	vst v0  }
0xb1: {  	[tilespmem:$0x2250] =	vst v0  }
0xb2: {  	[tilespmem:$0x2260] =	vst v0  }
0xb3: {  	[tilespmem:$0x2270] =	vst v0  }
0xb4: {  	[tilespmem:$0x2280] =	vst v0  }
0xb5: {  	[tilespmem:$0x2290] =	vst v0  }
0xb6: {  	[tilespmem:$0x22A0] =	vst v0  }
0xb7: {  	[tilespmem:$0x22B0] =	vst v0  }
0xb8: {  	[tilespmem:$0x22C0] =	vst v0  }
0xb9: {  	[tilespmem:$0x22D0] =	vst v0  }
0xba: {  	[tilespmem:$0x22E0] =	vst v0  }
0xbb: {  	[tilespmem:$0x22F0] =	vst v0  }
0xbc: {  	[tilespmem:$0x2300] =	vst v0  }
0xbd: {  	[tilespmem:$0x2100] =	vst v0  }
0xbe: {  	[tilespmem:$0x24F0] =	vst v0  }
0xbf: {  	[tilespmem:$0x24E0] =	vst v0  }
0xc0: {  	[tilespmem:$0x24D0] =	vst v0  }
0xc1: {  	[tilespmem:$0x24C0] =	vst v0  }
0xc2: {  	[tilespmem:$0x24B0] =	vst v0  }
0xc3: {  	[tilespmem:$0x24A0] =	vst v0  }
0xc4: {  	[tilespmem:$0x2490] =	vst v0  }
0xc5: {  	[tilespmem:$0x2480] =	vst v0  }
0xc6: {  	[tilespmem:$0x2470] =	vst v0  }
0xc7: {  	[tilespmem:$0x2460] =	vst v0  }
0xc8: {  	[tilespmem:$0x2450] =	vst v0  }
0xc9: {  	[tilespmem:$0x2440] =	vst v0  }
0xca: {  	[tilespmem:$0x2430] =	vst v0  }
0xcb: {  	[tilespmem:$0x2420] =	vst v0  }
0xcc: {  	[tilespmem:$0x2410] =	vst v0  }
0xcd: {  	[tilespmem:$0x2400] =	vst v0  }
0xce: {  	[tilespmem:$0x23F0] =	vst v0  }
0xcf: {  	[tilespmem:$0x23E0] =	vst v0  }
0xd0: {  	[tilespmem:$0x23D0] =	vst v0  }
0xd1: {  	[tilespmem:$0x23C0] =	vst v0  }
0xd2: {  	[tilespmem:$0x23B0] =	vst v0  }
0xd3: {  	[tilespmem:$0x23A0] =	vst v0  }
0xd4: {  	[tilespmem:$0x2390] =	vst v0  }
0xd5: {  	[tilespmem:$0x2380] =	vst v0  }
0xd6: {  	[tilespmem:$0x2370] =	vst v0  }
0xd7: {  	[tilespmem:$0x2360] =	vst v0  }
0xd8: {  	[tilespmem:$0x2350] =	vst v0  }
0xd9: {  	[tilespmem:$0x2340] =	vst v0  }
0xda: {  	[tilespmem:$0x2330] =	vst v0  }
0xdb: {  	[tilespmem:$0x2320] =	vst v0  }
0xdc: {  	[tilespmem:$0x2310] =	vst v0  }
0xdd: {  	[tilespmem:$0x2110] =	vst v0  }
0xde: {  	[spmem:s4] =	stream.linear.scatter [tilespmem:s6], [sflag:$0x2], $0x400, $0x38;
	[tilespmem:$0x2900] =	vst v63  }
0xdf: {  	_ =	swait.ge [sflag:s5], $0x400  }
0xe0: {  	[sflag:s5] =	ssyncset.done $0x0  }
0xe1: {  	[sflag:s5] =	ssyncadd.s32 $0xFFFFFC00  }
0xe2: {  	[bflag:$0x0] =	sbarrier.arrive $0xFFFF  }
0xe3: {  	[tilespmem:s2], [sflag:$0x2] =	stream.linear.gather [hbm4b:s7+s2], $0x40, $0x38;
	[tilespmem:$0x2900] =	vst v63  }
0xe4: {  	_ =	swait.ge [sflag:s5], $0x40  }
0xe5: {  	[sflag:s5] =	ssyncset.done $0x0  }
0xe6: {  	[sflag:s5] =	ssyncadd.s32 $0xFFFFFFC0  }
0xe7: {  	[tilespmem:s9], [sflag:$0x2] =	stream.linear.gather [hbm4b:s8+s2], $0x40, $0x38;
	[tilespmem:$0x2900] =	vst v63  }
0xe8: {  	_ =	swait.ge [sflag:s5], $0x40  }
0xe9: {  	[sflag:s5] =	ssyncset.done $0x0  }
0xea: {  	[sflag:s5] =	ssyncadd.s32 $0xFFFFFFC0  }
0xeb: {  	[tilespmem:s12], [sflag:$0x1] =	stream.indirect.gather [hbm4b:s10+s11], $0x80, s2, s11, $0xb8;
	[tilespmem:$0x2900] =	vst v63  }
0xec: {  	_ =	swait.ge [sflag:s13], $0x2000  }
0xed: {  	[sflag:s13] =	ssyncset.done $0x0  }
0xee: {  	[sflag:s13] =	ssyncadd.s32 $0xFFFFE000  }
0xef: {  	[spmem:s1] =	stream.indirect.scatter.add.f32 [tilespmem:s12], [sflag:$0x2], $0x80, s9, s11, $0xb8;
	[tilespmem:$0x2900] =	vst v63  }
0xf0: {  	_ =	swait.ge [sflag:s5], $0x2000  }
0xf1: {  	[sflag:s5] =	ssyncset.done $0x0  }
0xf2: {  	[sflag:s5] =	ssyncadd.s32 $0xFFFFE000  }
0xf3: {  	[tilespmem:s2], [sflag:$0x2] =	stream.linear.gather [hbm4b:s14+s2], $0x40, $0x38;
	[tilespmem:$0x2900] =	vst v63  }
0xf4: {  	_ =	swait.ge [sflag:s5], $0x40  }
0xf5: {  	[sflag:s5] =	ssyncset.done $0x0  }
0xf6: {  	[sflag:s5] =	ssyncadd.s32 $0xFFFFFFC0  }
0xf7: {  	[tilespmem:s9], [sflag:$0x2] =	stream.linear.gather [hbm4b:s15+s2], $0x40, $0x38;
	[tilespmem:$0x2900] =	vst v63  }
0xf8: {  	_ =	swait.ge [sflag:s5], $0x40  }
0xf9: {  	[sflag:s5] =	ssyncset.done $0x0  }
0xfa: {  	[sflag:s5] =	ssyncadd.s32 $0xFFFFFFC0  }
0xfb: {  	[tilespmem:s12], [sflag:$0x1] =	stream.indirect.gather [hbm4b:s10+s11], $0x80, s2, s11, $0xb8;
	[tilespmem:$0x2900] =	vst v63  }
0xfc: {  	_ =	swait.ge [sflag:s13], $0x2000  }
0xfd: {  	[sflag:s13] =	ssyncset.done $0x0  }
0xfe: {  	[sflag:s13] =	ssyncadd.s32 $0xFFFFE000  }
0xff: {  	[spmem:s1] =	stream.indirect.scatter.add.f32 [tilespmem:s12], [sflag:$0x2], $0x80, s9, s11, $0xb8;
	[tilespmem:$0x2900] =	vst v63  }
0x100: {  	_ =	swait.ge [sflag:s5], $0x2000  }
0x101: {  	[sflag:s5] =	ssyncset.done $0x0  }
0x102: {  	[sflag:s5] =	ssyncadd.s32 $0xFFFFE000  }
0x103: {  	[tilespmem:s2], [sflag:$0x2] =	stream.linear.gather [hbm4b:s16+s2], $0x40, $0x38;
	[tilespmem:$0x2900] =	vst v63  }
0x104: {  	_ =	swait.ge [sflag:s5], $0x40  }
0x105: {  	[sflag:s5] =	ssyncset.done $0x0  }
0x106: {  	[sflag:s5] =	ssyncadd.s32 $0xFFFFFFC0  }
0x107: {  	[tilespmem:s9], [sflag:$0x2] =	stream.linear.gather [hbm4b:s17+s2], $0x40, $0x38;
	[tilespmem:$0x2900] =	vst v63  }
0x108: {  	_ =	swait.ge [sflag:s5], $0x40  }
0x109: {  	[sflag:s5] =	ssyncset.done $0x0  }
0x10a: {  	[sflag:s5] =	ssyncadd.s32 $0xFFFFFFC0  }
0x10b: {  	[tilespmem:s12], [sflag:$0x1] =	stream.indirect.gather [hbm4b:s10+s11], $0x80, s2, s11, $0xb8;
	[tilespmem:$0x2900] =	vst v63  }
0x10c: {  	_ =	swait.ge [sflag:s13], $0x2000  }
0x10d: {  	[sflag:s13] =	ssyncset.done $0x0  }
0x10e: {  	[sflag:s13] =	ssyncadd.s32 $0xFFFFE000  }
0x10f: {  	[spmem:s1] =	stream.indirect.scatter.add.f32 [tilespmem:s12], [sflag:$0x2], $0x80, s9, s11, $0xb8;
	[tilespmem:$0x2900] =	vst v63  }
0x110: {  	_ =	swait.ge [sflag:s5], $0x2000  }
0x111: {  	[sflag:s5] =	ssyncset.done $0x0  }
0x112: {  	[sflag:s5] =	ssyncadd.s32 $0xFFFFE000  }
0x113: {  	[tilespmem:s2], [sflag:$0x2] =	stream.linear.gather [hbm4b:s18+s2], $0x40, $0x38;
	[tilespmem:$0x2900] =	vst v63  }
0x114: {  	_ =	swait.ge [sflag:s5], $0x40  }
0x115: {  	[sflag:s5] =	ssyncset.done $0x0  }
0x116: {  	[sflag:s5] =	ssyncadd.s32 $0xFFFFFFC0  }
0x117: {  	[tilespmem:s9], [sflag:$0x2] =	stream.linear.gather [hbm4b:s19+s2], $0x40, $0x38;
	[tilespmem:$0x2900] =	vst v63  }
0x118: {  	_ =	swait.ge [sflag:s5], $0x40  }
0x119: {  	[sflag:s5] =	ssyncset.done $0x0  }
0x11a: {  	[sflag:s5] =	ssyncadd.s32 $0xFFFFFFC0  }
0x11b: {  	[tilespmem:s12], [sflag:$0x1] =	stream.indirect.gather [hbm4b:s10+s11], $0x80, s2, s11, $0xb8;
	[tilespmem:$0x2900] =	vst v63  }
0x11c: {  	_ =	swait.ge [sflag:s13], $0x2000  }
0x11d: {  	[sflag:s13] =	ssyncset.done $0x0  }
0x11e: {  	[sflag:s13] =	ssyncadd.s32 $0xFFFFE000  }
0x11f: {  	[spmem:s1] =	stream.indirect.scatter.add.f32 [tilespmem:s12], [sflag:$0x2], $0x80, s9, s11, $0xb8;
	[tilespmem:$0x2900] =	vst v63  }
0x120: {  	_ =	swait.ge [sflag:s5], $0x2000  }
0x121: {  	[sflag:s5] =	ssyncset.done $0x0  }
0x122: {  	[sflag:s5] =	ssyncadd.s32 $0xFFFFE000  }
0x123: {  	[tilespmem:s2], [sflag:$0x2] =	stream.linear.gather [hbm4b:s20+s2], $0x40, $0x38;
	[tilespmem:$0x2900] =	vst v63  }
0x124: {  	_ =	swait.ge [sflag:s5], $0x40  }
0x125: {  	[sflag:s5] =	ssyncset.done $0x0  }
0x126: {  	[sflag:s5] =	ssyncadd.s32 $0xFFFFFFC0  }
0x127: {  	[tilespmem:s9], [sflag:$0x2] =	stream.linear.gather [hbm4b:s21+s2], $0x40, $0x38;
	[tilespmem:$0x2900] =	vst v63  }
0x128: {  	_ =	swait.ge [sflag:s5], $0x40  }
0x129: {  	[sflag:s5] =	ssyncset.done $0x0  }
0x12a: {  	[sflag:s5] =	ssyncadd.s32 $0xFFFFFFC0  }
0x12b: {  	[tilespmem:s12], [sflag:$0x1] =	stream.indirect.gather [hbm4b:s10+s11], $0x80, s2, s11, $0xb8;
	[tilespmem:$0x2900] =	vst v63  }
0x12c: {  	_ =	swait.ge [sflag:s13], $0x2000  }
0x12d: {  	[sflag:s13] =	ssyncset.done $0x0  }
0x12e: {  	[sflag:s13] =	ssyncadd.s32 $0xFFFFE000  }
0x12f: {  	[spmem:s1] =	stream.indirect.scatter.add.f32 [tilespmem:s12], [sflag:$0x2], $0x80, s9, s11, $0xb8;
	[tilespmem:$0x2900] =	vst v63  }
0x130: {  	_ =	swait.ge [sflag:s5], $0x2000  }
0x131: {  	[sflag:s5] =	ssyncset.done $0x0  }
.Ltmp1:
0x132: {  	[sflag:s5] =	ssyncadd.s32 $0xFFFFE000;
	(pc) =	sbr.rel @p0 .LBB2_1-.Ltmp1, $4  }
0x133: {  	[bflag:$0x0] =	sbarrier.arrive $0xFFFF  }
0x134: {  	[hbm:s22], [sflag:s23] =	dma.local [spmem:s24], $0x80  }
0x135: {  	_ =	swait.ge [sflag:s5], $0x80  }
0x136: {  	[sflag:s5] =	ssyncset.done $0x0  }
.LBB2_2:
0x137: {  	[sflag:s5] =	ssyncadd.s32 $0xFFFFFF80  }
0x138: {  	_ =	sfence.sel $0x180000  }
0x139: {  	[bflag:$0x0] =	sbarrier.arrive $0xFFFF  }
0x13a: {  	p0 =	sne.s32 s3, $0x0;
	_ =	strace $0x90000053  }
0x13b: {  	s0 =	sadd.s32 @!p0 $0x100000, s0;
	[bflag:$0x2] =	sbarrier.arrive $0xFFFF  }
0x13c: {  	[sflag:s0] =	ssyncadd.tile.s32 @!p0 $0x1;
	_ =	shalt  }
.Lfunc_end2:
_tile_overlayer_lowered:
.L_overlay_start_2:
0x13d: {  	(tag) =	ssettag $0x2  }
0x13e: {  	s0 =	rddreg [dreg:$0x0];
	s2 =	stileid.u32  }
0x13f: {  	s1 =	rddreg [dreg:$0x1];
	p0 =	sne.s32 s2, $0x0  }
0x140: {  	s3 =	rddreg [dreg:$0x2];
	[bflag:$0x3] =	sbarrier.arrive $0xFFFF;
	s2 =	simm.s32 @!p0 $0x1C02  }
0x141: {  	[timem:s3], [sflag:s2] =	dma.local @!p0 [hbm:s0], s1  }
0x142: {  	s0 =	simm.s32 @!p0 $0x2  }
0x143: {  	_ =	swait.ge @!p0 [sflag:s0], s1  }
0x144: {  	s1 =	ssub.s32 @!p0 $0x0, s1;
	[sflag:s0] =	ssyncset.done @!p0 $0x0  }
0x145: {  	[sflag:s0] =	ssyncadd.s32 @!p0 s1  }
0x146: {  	[bflag:$0x3] =	sbarrier.arrive $0xFFFF  }
0x147: {  	_ =	shalt  }

</sc_bundles>
